<compile_context>
chip_gen: v7x
topology: tpu7x:2x2x1
jax: 0.10.2.dev20260603
libtpu: 0.0.44.dev20260713+nightly
codegen_flags: <defaults>
</compile_context>

<pallas_src>
import functools

import jax
import jax.numpy as jnp
from jax import lax
from jax.experimental import pallas as pl
from jax.experimental.pallas import tpu as pltpu
from jax.experimental.pallas import tpu_sc as plsc

EPS = 1e-07
BETA = 1.0

_NC = 2
_NS = 16
_BB = 112
_GRP = 9



def _colmax_body(x_ref, o_ref):
    i = pl.program_id(0)
    bm = jnp.max(x_ref[...], axis=0, keepdims=True)

    @pl.when(i == 0)
    def _():
        o_ref[...] = bm

    @pl.when(i > 0)
    def _():
        o_ref[...] = jnp.maximum(o_ref[...], bm)


def _tables_body(x_ref, gmax_ref, o_ref):
    c = pl.program_id(0)
    m = jnp.maximum(x_ref[...], 0.0) + EPS
    z = jnp.exp(BETA * m - gmax_ref[...])
    val = jnp.where(c < 2, z, z * m)
    o_ref[...] = val[None]


def _mlp1_body(x_ref, sc_ref, w1_ref, b1_ref, h_ref, s1_ref, s2_ref):
    i = pl.program_id(0)
    blk = sc_ref[...]
    den = jnp.concatenate([blk[0], blk[1]], axis=1)
    num = jnp.concatenate([blk[2], blk[3]], axis=1)
    feats = x_ref[...] + num / (den + 1e-16)
    h = jnp.dot(feats, w1_ref[...], preferred_element_type=jnp.float32,
                precision=lax.Precision.HIGHEST) + b1_ref[...]
    h_ref[...] = h
    s1 = jnp.sum(h, axis=0, keepdims=True)
    s2 = jnp.sum(h * h, axis=0, keepdims=True)

    @pl.when(i == 0)
    def _():
        s1_ref[...] = s1
        s2_ref[...] = s2

    @pl.when(i > 0)
    def _():
        s1_ref[...] = s1_ref[...] + s1
        s2_ref[...] = s2_ref[...] + s2


def _mlp2_body(n_rows, h_ref, s1_ref, s2_ref, gamma_ref, beta_ref, w2_ref,
               b2_ref, o_ref):
    mean = s1_ref[...] / n_rows
    var = s2_ref[...] / n_rows - mean * mean
    rstd = lax.rsqrt(var + 1e-5)
    scale = rstd * gamma_ref[...]
    shift = beta_ref[...] - mean * scale
    hn = jnp.maximum(h_ref[...] * scale + shift, 0.0)
    o_ref[...] = jnp.dot(hn, w2_ref[...], preferred_element_type=jnp.float32,
                         precision=lax.Precision.HIGHEST) + b2_ref[...]



def _make_sc_seg_sum(n, n_pad, nb):
    rps = n_pad // _NS
    grp = _GRP
    mesh = plsc.VectorSubcoreMesh(core_axis_name="c", subcore_axis_name="s")

    @functools.partial(
        pl.kernel, mesh=mesh,
        out_type=jax.ShapeDtypeStruct((4, n_pad, 128), jnp.float32),
        scratch_types=[
            pltpu.VMEM((grp, _BB), jnp.int32),
            pltpu.VMEM((grp, _BB), jnp.int32),
            pltpu.VMEM((_BB, 128), jnp.float32),
            pltpu.VMEM((_BB, 128), jnp.float32),
            pltpu.VMEM((_BB, 128), jnp.float32),
            pltpu.VMEM_SHARED((n_pad, 128), jnp.float32),
            pltpu.SemaphoreType.DMA,
            pltpu.SemaphoreType.DMA,
            pltpu.SemaphoreType.DMA,
            pltpu.SemaphoreType.DMA,
            pltpu.SemaphoreType.DMA,
            pltpu.SemaphoreType.DMA,
        ])
    def sc_seg_sum(t0, t1, t2, t3, src_i, dst_i, zeros, out,
                   src_v, dst_v, rows0, rows1, rows2, acc,
                   sg0, sg1, sg2, sa0, sa1, sa2):
        s = lax.axis_index("s")
        c = lax.axis_index("c")

        def do_chunk(tbl, out_slab):
            pltpu.sync_copy(zeros, acc.at[pl.ds(s * rps, rps)])
            plsc.subcore_barrier()

            @pl.loop(0, nb // grp)
            def _(g):
                pltpu.sync_copy(src_i.at[s, g], src_v)
                pltpu.sync_copy(dst_i.at[s, g], dst_v)

                pltpu.async_copy(tbl.at[src_v.at[0]], rows0, sg0)
                pltpu.async_copy(tbl.at[src_v.at[1]], rows1, sg1)
                pltpu.async_copy(tbl.at[src_v.at[2]], rows2, sg2)

                @pl.loop(0, grp, step=3)
                def _(j):
                    pltpu.make_async_copy(tbl.at[src_v.at[0]], rows0,
                                          sg0).wait()
                    a0 = pltpu.async_copy(rows0, acc.at[dst_v.at[j]], sa0,
                                          add=True)
                    pltpu.make_async_copy(tbl.at[src_v.at[1]], rows1,
                                          sg1).wait()
                    a1 = pltpu.async_copy(rows1, acc.at[dst_v.at[j + 1]],
                                          sa1, add=True)
                    pltpu.make_async_copy(tbl.at[src_v.at[2]], rows2,
                                          sg2).wait()
                    a2 = pltpu.async_copy(rows2, acc.at[dst_v.at[j + 2]],
                                          sa2, add=True)
                    a0.wait()

                    @pl.when(j + 3 < grp)
                    def _():
                        pltpu.async_copy(tbl.at[src_v.at[j + 3]], rows0, sg0)

                    a1.wait()

                    @pl.when(j + 4 < grp)
                    def _():
                        pltpu.async_copy(tbl.at[src_v.at[j + 4]], rows1, sg1)

                    a2.wait()

                    @pl.when(j + 5 < grp)
                    def _():
                        pltpu.async_copy(tbl.at[src_v.at[j + 5]], rows2, sg2)

            plsc.subcore_barrier()
            pltpu.sync_copy(acc.at[pl.ds(s * rps, rps)],
                            out_slab.at[pl.ds(s * rps, rps)])

        @pl.when(c == 0)
        def _():
            do_chunk(t0, out.at[0])
            do_chunk(t2, out.at[2])

        @pl.when(c == 1)
        def _():
            do_chunk(t1, out.at[1])
            do_chunk(t3, out.at[3])

    return sc_seg_sum



def kernel(node_feats, edge_index, W1, b1, gamma, beta_bn, W2, b2):
    n, d = node_feats.shape
    e = edge_index.shape[1]
    h_dim = W1.shape[1]
    dh = d // 2

    blk = 1000
    grid_n = n // blk

    epw = _BB * _GRP * -(-e // (_BB * _GRP * _NS))
    e_pad = epw * _NS
    nb = epw // _BB
    n_pad = -(-(n + 1) // (8 * _NS)) * (8 * _NS)

    gmax_x = pl.pallas_call(
        _colmax_body,
        grid=(grid_n,),
        in_specs=[pl.BlockSpec((blk, d), lambda i: (i, 0))],
        out_specs=pl.BlockSpec((1, d), lambda i: (0, 0)),
        out_shape=jax.ShapeDtypeStruct((1, d), jnp.float32),
        compiler_params=pltpu.CompilerParams(
            dimension_semantics=("arbitrary",)),
    )(node_feats)
    gmax = BETA * (jnp.maximum(gmax_x, 0.0) + EPS)

    tables = pl.pallas_call(
        _tables_body,
        grid=(4, grid_n),
        in_specs=[
            pl.BlockSpec((blk, dh), lambda c, i: (i, c % 2)),
            pl.BlockSpec((1, dh), lambda c, i: (0, c % 2)),
        ],
        out_specs=pl.BlockSpec((1, blk, dh), lambda c, i: (c, i, 0)),
        out_shape=jax.ShapeDtypeStruct((4, n, dh), jnp.float32),
        compiler_params=pltpu.CompilerParams(
            dimension_semantics=("parallel", "parallel")),
    )(node_feats, gmax)
    t0, t1, t2, t3 = (tables[0], tables[1], tables[2], tables[3])

    src = edge_index[0].astype(jnp.int32)
    dst = edge_index[1].astype(jnp.int32)
    pad = e_pad - e
    src_p = jnp.concatenate([src, jnp.zeros((pad,), jnp.int32)])
    dst_p = jnp.concatenate([dst, jnp.full((pad,), n, jnp.int32)])
    src_i = src_p.reshape(_NS, nb // _GRP, _GRP, _BB)
    dst_i = dst_p.reshape(_NS, nb // _GRP, _GRP, _BB)
    zeros = jnp.zeros((n_pad // _NS, dh), jnp.float32)

    sc_out = _make_sc_seg_sum(n, n_pad, nb)(t0, t1, t2, t3, src_i, dst_i,
                                            zeros)

    h, s1, s2 = pl.pallas_call(
        _mlp1_body,
        grid=(grid_n,),
        in_specs=[
            pl.BlockSpec((blk, d), lambda i: (i, 0)),
            pl.BlockSpec((4, blk, dh), lambda i: (0, i, 0)),
            pl.BlockSpec((d, h_dim), lambda i: (0, 0)),
            pl.BlockSpec((1, h_dim), lambda i: (0, 0)),
        ],
        out_specs=[
            pl.BlockSpec((blk, h_dim), lambda i: (i, 0)),
            pl.BlockSpec((1, h_dim), lambda i: (0, 0)),
            pl.BlockSpec((1, h_dim), lambda i: (0, 0)),
        ],
        out_shape=[
            jax.ShapeDtypeStruct((n, h_dim), jnp.float32),
            jax.ShapeDtypeStruct((1, h_dim), jnp.float32),
            jax.ShapeDtypeStruct((1, h_dim), jnp.float32),
        ],
        compiler_params=pltpu.CompilerParams(
            dimension_semantics=("arbitrary",)),
    )(node_feats, sc_out, W1, b1.reshape(1, h_dim))

    out = pl.pallas_call(
        functools.partial(_mlp2_body, float(n)),
        grid=(grid_n,),
        in_specs=[
            pl.BlockSpec((blk, h_dim), lambda i: (i, 0)),
            pl.BlockSpec((1, h_dim), lambda i: (0, 0)),
            pl.BlockSpec((1, h_dim), lambda i: (0, 0)),
            pl.BlockSpec((1, h_dim), lambda i: (0, 0)),
            pl.BlockSpec((1, h_dim), lambda i: (0, 0)),
            pl.BlockSpec((h_dim, d), lambda i: (0, 0)),
            pl.BlockSpec((1, d), lambda i: (0, 0)),
        ],
        out_specs=pl.BlockSpec((blk, d), lambda i: (i, 0)),
        out_shape=jax.ShapeDtypeStruct((n, d), jnp.float32),
        compiler_params=pltpu.CompilerParams(
            dimension_semantics=("parallel",)),
    )(h, s1, s2, gamma.reshape(1, h_dim), beta_bn.reshape(1, h_dim), W2,
      b2.reshape(1, d))

    return out

# --- scband reference (transcript-rebuilt; emitter-appended) ---
"""Pipeline reference for scband-genconv-30150670418408 (READ-ONLY COPY).

The authoritative reference and input builder live on the scoring server;
editing this copy changes nothing except your own understanding.
"""

import jax, jax.numpy as jnp
import numpy as np

N = 10000
E = 160000
D = 256
H = 512
EPS = 1e-07
BETA = 1.0


def setup_inputs(seed: int = 0) -> dict:
    key = jax.random.key(seed)
    k1, k2, k3, k4 = jax.random.split(key, 4)
    node_feats = jax.random.normal(k1, (N, D), dtype=jnp.float32)
    edge_index = jax.random.randint(k2, (2, E), 0, N)
    # MLP params: channels = [256, 512, 256], batch norm + relu between layers
    W1 = jax.random.normal(k3, (D, H), dtype=jnp.float32) * (1.0 / np.sqrt(D))
    b1 = jnp.zeros((H,), dtype=jnp.float32)
    gamma = jnp.ones((H,), dtype=jnp.float32)
    beta_bn = jnp.zeros((H,), dtype=jnp.float32)
    W2 = jax.random.normal(k4, (H, D), dtype=jnp.float32) * (1.0 / np.sqrt(H))
    b2 = jnp.zeros((D,), dtype=jnp.float32)
    return {"node_feats": node_feats, "edge_index": edge_index, "W1": W1, "b1": b1,
            "gamma": gamma, "beta_bn": beta_bn, "W2": W2, "b2": b2}


def reference(node_feats, edge_index, W1, b1, gamma, beta_bn, W2, b2):
    src = edge_index[0]
    dst = edge_index[1]
    n = node_feats.shape[0]
    # message construction: m = relu(x_j) + eps
    m = node_feats[src]
    m = jax.nn.relu(m) + EPS
    # softmax aggregation (per dst node, per feature) with inverse temperature beta
    logits = BETA * m
    seg_max = jax.ops.segment_max(logits, dst, num_segments=n)
    z = jnp.exp(logits - seg_max[dst])
    denom = jax.ops.segment_sum(z, dst, num_segments=n)
    alpha = z / (denom[dst] + 1e-16)
    agg = jax.ops.segment_sum(alpha * m, dst, num_segments=n)
    # residual + MLP (Linear -> BatchNorm -> ReLU -> Linear)
    feats = node_feats + agg
    h = feats @ W1 + b1
    mean = jnp.mean(h, axis=0)
    var = jnp.var(h, axis=0)
    h = (h - mean) / jnp.sqrt(var + 1e-5) * gamma + beta_bn
    h = jax.nn.relu(h)
    out = h @ W2 + b2
    return out

if __name__ == "__main__":
    import jax
    _d = setup_inputs()
    print(jax.jit(kernel)(*tuple(_d.values())))

</pallas_src>

<mosaic_0001>
#map = affine_map<(d0, d1) -> (0, 0)>
#map1 = affine_map<(d0, d1) -> (0, 0, 0, 0)>
#map2 = affine_map<(d0, d1) -> (0, 0, 0)>
module attributes {stable_mosaic.version = 14 : i64} {
  func.func @sc_seg_sum(%arg0: i32, %arg1: i32, %arg2: memref<10000x128xf32, #tpu.memory_space<hbm>>, %arg3: memref<10000x128xf32, #tpu.memory_space<hbm>>, %arg4: memref<10000x128xf32, #tpu.memory_space<hbm>>, %arg5: memref<10000x128xf32, #tpu.memory_space<hbm>>, %arg6: memref<16x10x9x112xi32, #tpu.memory_space<hbm>>, %arg7: memref<16x10x9x112xi32, #tpu.memory_space<hbm>>, %arg8: memref<632x128xf32, #tpu.memory_space<hbm>>, %arg9: memref<4x10112x128xf32, #tpu.memory_space<hbm>>, %arg10: memref<9x112xi32, #tpu.memory_space<vmem>>, %arg11: memref<9x112xi32, #tpu.memory_space<vmem>>, %arg12: memref<112x128xf32, #tpu.memory_space<vmem>>, %arg13: memref<112x128xf32, #tpu.memory_space<vmem>>, %arg14: memref<112x128xf32, #tpu.memory_space<vmem>>, %arg15: memref<10112x128xf32, #tpu.memory_space<vmem_shared>>, %arg16: memref<!tpu.dma_semaphore, #tpu.memory_space<semaphore_mem>>, %arg17: memref<!tpu.dma_semaphore, #tpu.memory_space<semaphore_mem>>, %arg18: memref<!tpu.dma_semaphore, #tpu.memory_space<semaphore_mem>>, %arg19: memref<!tpu.dma_semaphore, #tpu.memory_space<semaphore_mem>>, %arg20: memref<!tpu.dma_semaphore, #tpu.memory_space<semaphore_mem>>, %arg21: memref<!tpu.dma_semaphore, #tpu.memory_space<semaphore_mem>>) attributes {dimension_semantics = [#tpu.dimension_semantics<core_parallel>, #tpu.dimension_semantics<subcore_parallel>], iteration_bounds = array<i64: 2, 16>, scalar_prefetch = 0 : i64, scratch_operands = 12 : i64, tpu.core_type = #tpu.core_type<sc_vector_subcore>, window_params = [{transform_indices = #map}, {transform_indices = #map}, {transform_indices = #map}, {transform_indices = #map}, {transform_indices = #map1}, {transform_indices = #map1}, {transform_indices = #map}, {transform_indices = #map2}]} {
    %eq3A = arith.constant 0 : i32
    %eq3A_0 = arith.cmpi eq, %arg0, %eq3A : i32
    %convert_element_type3A = arith.extui %eq3A_0 : i1 to i32
    %cond3A = arith.constant 0 : i32
    %cond3A_1 = arith.cmpi ne, %convert_element_type3A, %cond3A : i32
    scf.if %cond3A_1 {
      %mul3A = arith.constant 632 : i32
      %mul3A_7 = arith.muli %arg1, %mul3A : i32
      "tpu.region"() ({
        %run_scoped3A_31 = tpu.sem_alloc : memref<!tpu.dma_semaphore, #tpu.memory_space<semaphore_mem>>
        %dma_start3A = arith.constant 0 : i32
        %dma_start3A_32 = tpu.memref_slice %arg15[%mul3A_7, %dma_start3A] : memref<10112x128xf32, #tpu.memory_space<vmem_shared>> -> memref<632x128xf32, #tpu.memory_space<vmem_shared>>
        tpu.enqueue_dma source(%arg8 : memref<632x128xf32, #tpu.memory_space<hbm>>) target(%dma_start3A_32 : memref<632x128xf32, #tpu.memory_space<vmem_shared>>) target_semaphore(%run_scoped3A_31 : memref<!tpu.dma_semaphore, #tpu.memory_space<semaphore_mem>>)
        %dma_wait3A = arith.constant 0 : i32
        %dma_wait3A_33 = tpu.memref_slice %arg15[%mul3A_7, %dma_wait3A] : memref<10112x128xf32, #tpu.memory_space<vmem_shared>> -> memref<632x128xf32, #tpu.memory_space<vmem_shared>>
        tpu.wait_dma2 semaphore(%run_scoped3A_31 : memref<!tpu.dma_semaphore, #tpu.memory_space<semaphore_mem>>) src(%arg8 : memref<632x128xf32, #tpu.memory_space<hbm>>) dst(%dma_wait3A_33 : memref<632x128xf32, #tpu.memory_space<vmem_shared>>)
        tpu.yield
      }) : () -> ()
      %barrier3A = arith.constant 0 : index
      tpu.barrier barrier_id(%barrier3A)
      %scan3A = arith.constant 0 : i32
      %scan3A_8 = arith.constant 10 : i32
      %scan3A_9 = arith.addi %scan3A, %scan3A_8 : i32
      %scan3A_10 = arith.constant 1 : i32
      scf.for %scan3A_31 = %scan3A to %scan3A_9 step %scan3A_10  : i32 {
        %mul3A_32 = arith.constant 1 : i32
        %mul3A_33 = arith.muli %scan3A_31, %mul3A_32 : i32
        %add3A = arith.constant 0 : i32
        %add3A_34 = arith.addi %add3A, %mul3A_33 : i32
        "tpu.region"() ({
          %run_scoped3A_60 = tpu.sem_alloc : memref<!tpu.dma_semaphore, #tpu.memory_space<semaphore_mem>>
          %dma_start3A_61 = arith.constant 0 : i32
          %dma_start3A_62 = arith.constant 0 : i32
          %dma_start3A_63 = tpu.memref_slice %arg6[%arg1, %add3A_34, %dma_start3A_61, %dma_start3A_62] : memref<16x10x9x112xi32, #tpu.memory_space<hbm>> -> memref<1x1x9x112xi32, #tpu.memory_space<hbm>>
          %dma_start3A_64 = tpu.memref_squeeze %dma_start3A_63 : memref<1x1x9x112xi32, #tpu.memory_space<hbm>> -> memref<9x112xi32, #tpu.memory_space<hbm>>
          %dma_start3A_65 = arith.constant 0 : i32
          %dma_start3A_66 = arith.constant 0 : i32
          %dma_start3A_67 = tpu.memref_slice %arg6[%arg1, %add3A_34, %dma_start3A_65, %dma_start3A_66] : memref<16x10x9x112xi32, #tpu.memory_space<hbm>> -> memref<1x1x9x112xi32, #tpu.memory_space<hbm>>
          %dma_start3A_68 = tpu.memref_squeeze %dma_start3A_67 : memref<1x1x9x112xi32, #tpu.memory_space<hbm>> -> memref<9x112xi32, #tpu.memory_space<hbm>>
          tpu.enqueue_dma source(%dma_start3A_68 : memref<9x112xi32, #tpu.memory_space<hbm>>) target(%arg10 : memref<9x112xi32, #tpu.memory_space<vmem>>) target_semaphore(%run_scoped3A_60 : memref<!tpu.dma_semaphore, #tpu.memory_space<semaphore_mem>>)
          %dma_wait3A = arith.constant 0 : i32
          %dma_wait3A_69 = arith.constant 0 : i32
          %dma_wait3A_70 = tpu.memref_slice %arg6[%arg1, %add3A_34, %dma_wait3A, %dma_wait3A_69] : memref<16x10x9x112xi32, #tpu.memory_space<hbm>> -> memref<1x1x9x112xi32, #tpu.memory_space<hbm>>
          %dma_wait3A_71 = tpu.memref_squeeze %dma_wait3A_70 : memref<1x1x9x112xi32, #tpu.memory_space<hbm>> -> memref<9x112xi32, #tpu.memory_space<hbm>>
          %dma_wait3A_72 = arith.constant 0 : i32
          %dma_wait3A_73 = arith.constant 0 : i32
          %dma_wait3A_74 = tpu.memref_slice %arg6[%arg1, %add3A_34, %dma_wait3A_72, %dma_wait3A_73] : memref<16x10x9x112xi32, #tpu.memory_space<hbm>> -> memref<1x1x9x112xi32, #tpu.memory_space<hbm>>
          %dma_wait3A_75 = tpu.memref_squeeze %dma_wait3A_74 : memref<1x1x9x112xi32, #tpu.memory_space<hbm>> -> memref<9x112xi32, #tpu.memory_space<hbm>>
          tpu.wait_dma2 semaphore(%run_scoped3A_60 : memref<!tpu.dma_semaphore, #tpu.memory_space<semaphore_mem>>) src(%dma_wait3A_75 : memref<9x112xi32, #tpu.memory_space<hbm>>) dst(%arg10 : memref<9x112xi32, #tpu.memory_space<vmem>>)
          tpu.yield
        }) : () -> ()
        "tpu.region"() ({
          %run_scoped3A_60 = tpu.sem_alloc : memref<!tpu.dma_semaphore, #tpu.memory_space<semaphore_mem>>
          %dma_start3A_61 = arith.constant 0 : i32
          %dma_start3A_62 = arith.constant 0 : i32
          %dma_start3A_63 = tpu.memref_slice %arg7[%arg1, %add3A_34, %dma_start3A_61, %dma_start3A_62] : memref<16x10x9x112xi32, #tpu.memory_space<hbm>> -> memref<1x1x9x112xi32, #tpu.memory_space<hbm>>
          %dma_start3A_64 = tpu.memref_squeeze %dma_start3A_63 : memref<1x1x9x112xi32, #tpu.memory_space<hbm>> -> memref<9x112xi32, #tpu.memory_space<hbm>>
          %dma_start3A_65 = arith.constant 0 : i32
          %dma_start3A_66 = arith.constant 0 : i32
          %dma_start3A_67 = tpu.memref_slice %arg7[%arg1, %add3A_34, %dma_start3A_65, %dma_start3A_66] : memref<16x10x9x112xi32, #tpu.memory_space<hbm>> -> memref<1x1x9x112xi32, #tpu.memory_space<hbm>>
          %dma_start3A_68 = tpu.memref_squeeze %dma_start3A_67 : memref<1x1x9x112xi32, #tpu.memory_space<hbm>> -> memref<9x112xi32, #tpu.memory_space<hbm>>
          tpu.enqueue_dma source(%dma_start3A_68 : memref<9x112xi32, #tpu.memory_space<hbm>>) target(%arg11 : memref<9x112xi32, #tpu.memory_space<vmem>>) target_semaphore(%run_scoped3A_60 : memref<!tpu.dma_semaphore, #tpu.memory_space<semaphore_mem>>)
          %dma_wait3A = arith.constant 0 : i32
          %dma_wait3A_69 = arith.constant 0 : i32
          %dma_wait3A_70 = tpu.memref_slice %arg7[%arg1, %add3A_34, %dma_wait3A, %dma_wait3A_69] : memref<16x10x9x112xi32, #tpu.memory_space<hbm>> -> memref<1x1x9x112xi32, #tpu.memory_space<hbm>>
          %dma_wait3A_71 = tpu.memref_squeeze %dma_wait3A_70 : memref<1x1x9x112xi32, #tpu.memory_space<hbm>> -> memref<9x112xi32, #tpu.memory_space<hbm>>
          %dma_wait3A_72 = arith.constant 0 : i32
          %dma_wait3A_73 = arith.constant 0 : i32
          %dma_wait3A_74 = tpu.memref_slice %arg7[%arg1, %add3A_34, %dma_wait3A_72, %dma_wait3A_73] : memref<16x10x9x112xi32, #tpu.memory_space<hbm>> -> memref<1x1x9x112xi32, #tpu.memory_space<hbm>>
          %dma_wait3A_75 = tpu.memref_squeeze %dma_wait3A_74 : memref<1x1x9x112xi32, #tpu.memory_space<hbm>> -> memref<9x112xi32, #tpu.memory_space<hbm>>
          tpu.wait_dma2 semaphore(%run_scoped3A_60 : memref<!tpu.dma_semaphore, #tpu.memory_space<semaphore_mem>>) src(%dma_wait3A_75 : memref<9x112xi32, #tpu.memory_space<hbm>>) dst(%arg11 : memref<9x112xi32, #tpu.memory_space<vmem>>)
          tpu.yield
        }) : () -> ()
        %dma_start3A = arith.constant 0 : i32
        %dma_start3A_35 = arith.constant 0 : i32
        %dma_start3A_36 = tpu.memref_slice %arg10[%dma_start3A, %dma_start3A_35] : memref<9x112xi32, #tpu.memory_space<vmem>> -> memref<1x112xi32, #tpu.memory_space<vmem>>
        %dma_start3A_37 = tpu.memref_squeeze %dma_start3A_36 : memref<1x112xi32, #tpu.memory_space<vmem>> -> memref<112xi32, #tpu.memory_space<vmem>>
        %dma_start3A_38 = arith.constant 0 : i32
        %dma_start3A_39 = arith.constant 0 : i32
        %dma_start3A_40 = tpu.memref_slice %arg2[%dma_start3A_38, %dma_start3A_39] : memref<10000x128xf32, #tpu.memory_space<hbm>> -> memref<10000x128xf32, #tpu.memory_space<hbm>>
        tpu.enqueue_indirect_dma source(%dma_start3A_40 : memref<10000x128xf32, #tpu.memory_space<hbm>>) target(%arg12 : memref<112x128xf32, #tpu.memory_space<vmem>>) offsets(%dma_start3A_37 : memref<112xi32, #tpu.memory_space<vmem>>) semaphore(%arg16 : memref<!tpu.dma_semaphore, #tpu.memory_space<semaphore_mem>>)
        %dma_start3A_41 = arith.constant 1 : i32
        %dma_start3A_42 = arith.constant 0 : i32
        %dma_start3A_43 = tpu.memref_slice %arg10[%dma_start3A_41, %dma_start3A_42] : memref<9x112xi32, #tpu.memory_space<vmem>> -> memref<1x112xi32, #tpu.memory_space<vmem>>
        %dma_start3A_44 = tpu.memref_squeeze %dma_start3A_43 : memref<1x112xi32, #tpu.memory_space<vmem>> -> memref<112xi32, #tpu.memory_space<vmem>>
        %dma_start3A_45 = arith.constant 0 : i32
        %dma_start3A_46 = arith.constant 0 : i32
        %dma_start3A_47 = tpu.memref_slice %arg2[%dma_start3A_45, %dma_start3A_46] : memref<10000x128xf32, #tpu.memory_space<hbm>> -> memref<10000x128xf32, #tpu.memory_space<hbm>>
        tpu.enqueue_indirect_dma source(%dma_start3A_47 : memref<10000x128xf32, #tpu.memory_space<hbm>>) target(%arg13 : memref<112x128xf32, #tpu.memory_space<vmem>>) offsets(%dma_start3A_44 : memref<112xi32, #tpu.memory_space<vmem>>) semaphore(%arg17 : memref<!tpu.dma_semaphore, #tpu.memory_space<semaphore_mem>>)
        %dma_start3A_48 = arith.constant 2 : i32
        %dma_start3A_49 = arith.constant 0 : i32
        %dma_start3A_50 = tpu.memref_slice %arg10[%dma_start3A_48, %dma_start3A_49] : memref<9x112xi32, #tpu.memory_space<vmem>> -> memref<1x112xi32, #tpu.memory_space<vmem>>
        %dma_start3A_51 = tpu.memref_squeeze %dma_start3A_50 : memref<1x112xi32, #tpu.memory_space<vmem>> -> memref<112xi32, #tpu.memory_space<vmem>>
        %dma_start3A_52 = arith.constant 0 : i32
        %dma_start3A_53 = arith.constant 0 : i32
        %dma_start3A_54 = tpu.memref_slice %arg2[%dma_start3A_52, %dma_start3A_53] : memref<10000x128xf32, #tpu.memory_space<hbm>> -> memref<10000x128xf32, #tpu.memory_space<hbm>>
        tpu.enqueue_indirect_dma source(%dma_start3A_54 : memref<10000x128xf32, #tpu.memory_space<hbm>>) target(%arg14 : memref<112x128xf32, #tpu.memory_space<vmem>>) offsets(%dma_start3A_51 : memref<112xi32, #tpu.memory_space<vmem>>) semaphore(%arg18 : memref<!tpu.dma_semaphore, #tpu.memory_space<semaphore_mem>>)
        %scan3A_55 = arith.constant 0 : i32
        %scan3A_56 = arith.constant 3 : i32
        %scan3A_57 = arith.addi %scan3A_55, %scan3A_56 : i32
        %scan3A_58 = arith.constant 1 : i32
        scf.for %scan3A_60 = %scan3A_55 to %scan3A_57 step %scan3A_58  : i32 {
          %mul3A_61 = arith.constant 3 : i32
          %mul3A_62 = arith.muli %scan3A_60, %mul3A_61 : i32
          %add3A_63 = arith.constant 0 : i32
          %add3A_64 = arith.addi %add3A_63, %mul3A_62 : i32
          %dma_wait3A = arith.constant 0 : i32
          %dma_wait3A_65 = arith.constant 0 : i32
          %dma_wait3A_66 = tpu.memref_slice %arg10[%dma_wait3A, %dma_wait3A_65] : memref<9x112xi32, #tpu.memory_space<vmem>> -> memref<1x112xi32, #tpu.memory_space<vmem>>
          %dma_wait3A_67 = tpu.memref_squeeze %dma_wait3A_66 : memref<1x112xi32, #tpu.memory_space<vmem>> -> memref<112xi32, #tpu.memory_space<vmem>>
          %dma_wait3A_68 = arith.constant 0 : i32
          %dma_wait3A_69 = arith.constant 0 : i32
          %dma_wait3A_70 = tpu.memref_slice %arg2[%dma_wait3A_68, %dma_wait3A_69] : memref<10000x128xf32, #tpu.memory_space<hbm>> -> memref<10000x128xf32, #tpu.memory_space<hbm>>
          tpu.wait_indirect_dma semaphore(%arg16 : memref<!tpu.dma_semaphore, #tpu.memory_space<semaphore_mem>>) src(%dma_wait3A_70 : memref<10000x128xf32, #tpu.memory_space<hbm>>) dst(%arg12 : memref<112x128xf32, #tpu.memory_space<vmem>>)
          %dma_start3A_71 = arith.constant 0 : i32
          %dma_start3A_72 = tpu.memref_slice %arg11[%add3A_64, %dma_start3A_71] : memref<9x112xi32, #tpu.memory_space<vmem>> -> memref<1x112xi32, #tpu.memory_space<vmem>>
          %dma_start3A_73 = tpu.memref_squeeze %dma_start3A_72 : memref<1x112xi32, #tpu.memory_space<vmem>> -> memref<112xi32, #tpu.memory_space<vmem>>
          %dma_start3A_74 = arith.constant 0 : i32
          %dma_start3A_75 = arith.constant 0 : i32
          %dma_start3A_76 = tpu.memref_slice %arg15[%dma_start3A_74, %dma_start3A_75] : memref<10112x128xf32, #tpu.memory_space<vmem_shared>> -> memref<10112x128xf32, #tpu.memory_space<vmem_shared>>
          tpu.enqueue_indirect_dma source(%arg12 : memref<112x128xf32, #tpu.memory_space<vmem>>) target(%dma_start3A_76 : memref<10112x128xf32, #tpu.memory_space<vmem_shared>>) offsets(%dma_start3A_73 : memref<112xi32, #tpu.memory_space<vmem>>) semaphore(%arg19 : memref<!tpu.dma_semaphore, #tpu.memory_space<semaphore_mem>>) {add = true}
          %dma_wait3A_77 = arith.constant 1 : i32
          %dma_wait3A_78 = arith.constant 0 : i32
          %dma_wait3A_79 = tpu.memref_slice %arg10[%dma_wait3A_77, %dma_wait3A_78] : memref<9x112xi32, #tpu.memory_space<vmem>> -> memref<1x112xi32, #tpu.memory_space<vmem>>
          %dma_wait3A_80 = tpu.memref_squeeze %dma_wait3A_79 : memref<1x112xi32, #tpu.memory_space<vmem>> -> memref<112xi32, #tpu.memory_space<vmem>>
          %dma_wait3A_81 = arith.constant 0 : i32
          %dma_wait3A_82 = arith.constant 0 : i32
          %dma_wait3A_83 = tpu.memref_slice %arg2[%dma_wait3A_81, %dma_wait3A_82] : memref<10000x128xf32, #tpu.memory_space<hbm>> -> memref<10000x128xf32, #tpu.memory_space<hbm>>
          tpu.wait_indirect_dma semaphore(%arg17 : memref<!tpu.dma_semaphore, #tpu.memory_space<semaphore_mem>>) src(%dma_wait3A_83 : memref<10000x128xf32, #tpu.memory_space<hbm>>) dst(%arg13 : memref<112x128xf32, #tpu.memory_space<vmem>>)
          %add3A_84 = arith.constant 1 : i32
          %add3A_85 = arith.addi %add3A_64, %add3A_84 : i32
          %dma_start3A_86 = arith.constant 0 : i32
          %dma_start3A_87 = tpu.memref_slice %arg11[%add3A_85, %dma_start3A_86] : memref<9x112xi32, #tpu.memory_space<vmem>> -> memref<1x112xi32, #tpu.memory_space<vmem>>
          %dma_start3A_88 = tpu.memref_squeeze %dma_start3A_87 : memref<1x112xi32, #tpu.memory_space<vmem>> -> memref<112xi32, #tpu.memory_space<vmem>>
          %dma_start3A_89 = arith.constant 0 : i32
          %dma_start3A_90 = arith.constant 0 : i32
          %dma_start3A_91 = tpu.memref_slice %arg15[%dma_start3A_89, %dma_start3A_90] : memref<10112x128xf32, #tpu.memory_space<vmem_shared>> -> memref<10112x128xf32, #tpu.memory_space<vmem_shared>>
          tpu.enqueue_indirect_dma source(%arg13 : memref<112x128xf32, #tpu.memory_space<vmem>>) target(%dma_start3A_91 : memref<10112x128xf32, #tpu.memory_space<vmem_shared>>) offsets(%dma_start3A_88 : memref<112xi32, #tpu.memory_space<vmem>>) semaphore(%arg20 : memref<!tpu.dma_semaphore, #tpu.memory_space<semaphore_mem>>) {add = true}
          %dma_wait3A_92 = arith.constant 2 : i32
          %dma_wait3A_93 = arith.constant 0 : i32
          %dma_wait3A_94 = tpu.memref_slice %arg10[%dma_wait3A_92, %dma_wait3A_93] : memref<9x112xi32, #tpu.memory_space<vmem>> -> memref<1x112xi32, #tpu.memory_space<vmem>>
          %dma_wait3A_95 = tpu.memref_squeeze %dma_wait3A_94 : memref<1x112xi32, #tpu.memory_space<vmem>> -> memref<112xi32, #tpu.memory_space<vmem>>
          %dma_wait3A_96 = arith.constant 0 : i32
          %dma_wait3A_97 = arith.constant 0 : i32
          %dma_wait3A_98 = tpu.memref_slice %arg2[%dma_wait3A_96, %dma_wait3A_97] : memref<10000x128xf32, #tpu.memory_space<hbm>> -> memref<10000x128xf32, #tpu.memory_space<hbm>>
          tpu.wait_indirect_dma semaphore(%arg18 : memref<!tpu.dma_semaphore, #tpu.memory_space<semaphore_mem>>) src(%dma_wait3A_98 : memref<10000x128xf32, #tpu.memory_space<hbm>>) dst(%arg14 : memref<112x128xf32, #tpu.memory_space<vmem>>)
          %add3A_99 = arith.constant 2 : i32
          %add3A_100 = arith.addi %add3A_64, %add3A_99 : i32
          %dma_start3A_101 = arith.constant 0 : i32
          %dma_start3A_102 = tpu.memref_slice %arg11[%add3A_100, %dma_start3A_101] : memref<9x112xi32, #tpu.memory_space<vmem>> -> memref<1x112xi32, #tpu.memory_space<vmem>>
          %dma_start3A_103 = tpu.memref_squeeze %dma_start3A_102 : memref<1x112xi32, #tpu.memory_space<vmem>> -> memref<112xi32, #tpu.memory_space<vmem>>
          %dma_start3A_104 = arith.constant 0 : i32
          %dma_start3A_105 = arith.constant 0 : i32
          %dma_start3A_106 = tpu.memref_slice %arg15[%dma_start3A_104, %dma_start3A_105] : memref<10112x128xf32, #tpu.memory_space<vmem_shared>> -> memref<10112x128xf32, #tpu.memory_space<vmem_shared>>
          tpu.enqueue_indirect_dma source(%arg14 : memref<112x128xf32, #tpu.memory_space<vmem>>) target(%dma_start3A_106 : memref<10112x128xf32, #tpu.memory_space<vmem_shared>>) offsets(%dma_start3A_103 : memref<112xi32, #tpu.memory_space<vmem>>) semaphore(%arg21 : memref<!tpu.dma_semaphore, #tpu.memory_space<semaphore_mem>>) {add = true}
          %dma_wait3A_107 = arith.constant 0 : i32
          %dma_wait3A_108 = tpu.memref_slice %arg11[%add3A_64, %dma_wait3A_107] : memref<9x112xi32, #tpu.memory_space<vmem>> -> memref<1x112xi32, #tpu.memory_space<vmem>>
          %dma_wait3A_109 = tpu.memref_squeeze %dma_wait3A_108 : memref<1x112xi32, #tpu.memory_space<vmem>> -> memref<112xi32, #tpu.memory_space<vmem>>
          %dma_wait3A_110 = arith.constant 0 : i32
          %dma_wait3A_111 = arith.constant 0 : i32
          %dma_wait3A_112 = tpu.memref_slice %arg15[%dma_wait3A_110, %dma_wait3A_111] : memref<10112x128xf32, #tpu.memory_space<vmem_shared>> -> memref<10112x128xf32, #tpu.memory_space<vmem_shared>>
          tpu.wait_indirect_dma semaphore(%arg19 : memref<!tpu.dma_semaphore, #tpu.memory_space<semaphore_mem>>) src(%arg12 : memref<112x128xf32, #tpu.memory_space<vmem>>) dst(%dma_wait3A_112 : memref<10112x128xf32, #tpu.memory_space<vmem_shared>>)
          %add3A_113 = arith.constant 3 : i32
          %add3A_114 = arith.addi %add3A_64, %add3A_113 : i32
          %lt3A = arith.constant 9 : i32
          %lt3A_115 = arith.cmpi slt, %add3A_114, %lt3A : i32
          %convert_element_type3A_116 = arith.extui %lt3A_115 : i1 to i32
          %cond3A_117 = arith.constant 0 : i32
          %cond3A_118 = arith.cmpi ne, %convert_element_type3A_116, %cond3A_117 : i32
          scf.if %cond3A_118 {
            %add3A_145 = arith.constant 3 : i32
            %add3A_146 = arith.addi %add3A_64, %add3A_145 : i32
            %dma_start3A_147 = arith.constant 0 : i32
            %dma_start3A_148 = tpu.memref_slice %arg10[%add3A_146, %dma_start3A_147] : memref<9x112xi32, #tpu.memory_space<vmem>> -> memref<1x112xi32, #tpu.memory_space<vmem>>
            %dma_start3A_149 = tpu.memref_squeeze %dma_start3A_148 : memref<1x112xi32, #tpu.memory_space<vmem>> -> memref<112xi32, #tpu.memory_space<vmem>>
            %dma_start3A_150 = arith.constant 0 : i32
            %dma_start3A_151 = arith.constant 0 : i32
            %dma_start3A_152 = tpu.memref_slice %arg2[%dma_start3A_150, %dma_start3A_151] : memref<10000x128xf32, #tpu.memory_space<hbm>> -> memref<10000x128xf32, #tpu.memory_space<hbm>>
            tpu.enqueue_indirect_dma source(%dma_start3A_152 : memref<10000x128xf32, #tpu.memory_space<hbm>>) target(%arg12 : memref<112x128xf32, #tpu.memory_space<vmem>>) offsets(%dma_start3A_149 : memref<112xi32, #tpu.memory_space<vmem>>) semaphore(%arg16 : memref<!tpu.dma_semaphore, #tpu.memory_space<semaphore_mem>>)
          } else {
          }
          %dma_wait3A_119 = arith.constant 0 : i32
          %dma_wait3A_120 = tpu.memref_slice %arg11[%add3A_85, %dma_wait3A_119] : memref<9x112xi32, #tpu.memory_space<vmem>> -> memref<1x112xi32, #tpu.memory_space<vmem>>
          %dma_wait3A_121 = tpu.memref_squeeze %dma_wait3A_120 : memref<1x112xi32, #tpu.memory_space<vmem>> -> memref<112xi32, #tpu.memory_space<vmem>>
          %dma_wait3A_122 = arith.constant 0 : i32
          %dma_wait3A_123 = arith.constant 0 : i32
          %dma_wait3A_124 = tpu.memref_slice %arg15[%dma_wait3A_122, %dma_wait3A_123] : memref<10112x128xf32, #tpu.memory_space<vmem_shared>> -> memref<10112x128xf32, #tpu.memory_space<vmem_shared>>
          tpu.wait_indirect_dma semaphore(%arg20 : memref<!tpu.dma_semaphore, #tpu.memory_space<semaphore_mem>>) src(%arg13 : memref<112x128xf32, #tpu.memory_space<vmem>>) dst(%dma_wait3A_124 : memref<10112x128xf32, #tpu.memory_space<vmem_shared>>)
          %add3A_125 = arith.constant 4 : i32
          %add3A_126 = arith.addi %add3A_64, %add3A_125 : i32
          %lt3A_127 = arith.constant 9 : i32
          %lt3A_128 = arith.cmpi slt, %add3A_126, %lt3A_127 : i32
          %convert_element_type3A_129 = arith.extui %lt3A_128 : i1 to i32
          %cond3A_130 = arith.constant 0 : i32
          %cond3A_131 = arith.cmpi ne, %convert_element_type3A_129, %cond3A_130 : i32
          scf.if %cond3A_131 {
            %add3A_145 = arith.constant 4 : i32
            %add3A_146 = arith.addi %add3A_64, %add3A_145 : i32
            %dma_start3A_147 = arith.constant 0 : i32
            %dma_start3A_148 = tpu.memref_slice %arg10[%add3A_146, %dma_start3A_147] : memref<9x112xi32, #tpu.memory_space<vmem>> -> memref<1x112xi32, #tpu.memory_space<vmem>>
            %dma_start3A_149 = tpu.memref_squeeze %dma_start3A_148 : memref<1x112xi32, #tpu.memory_space<vmem>> -> memref<112xi32, #tpu.memory_space<vmem>>
            %dma_start3A_150 = arith.constant 0 : i32
            %dma_start3A_151 = arith.constant 0 : i32
            %dma_start3A_152 = tpu.memref_slice %arg2[%dma_start3A_150, %dma_start3A_151] : memref<10000x128xf32, #tpu.memory_space<hbm>> -> memref<10000x128xf32, #tpu.memory_space<hbm>>
            tpu.enqueue_indirect_dma source(%dma_start3A_152 : memref<10000x128xf32, #tpu.memory_space<hbm>>) target(%arg13 : memref<112x128xf32, #tpu.memory_space<vmem>>) offsets(%dma_start3A_149 : memref<112xi32, #tpu.memory_space<vmem>>) semaphore(%arg17 : memref<!tpu.dma_semaphore, #tpu.memory_space<semaphore_mem>>)
          } else {
          }
          %dma_wait3A_132 = arith.constant 0 : i32
          %dma_wait3A_133 = tpu.memref_slice %arg11[%add3A_100, %dma_wait3A_132] : memref<9x112xi32, #tpu.memory_space<vmem>> -> memref<1x112xi32, #tpu.memory_space<vmem>>
          %dma_wait3A_134 = tpu.memref_squeeze %dma_wait3A_133 : memref<1x112xi32, #tpu.memory_space<vmem>> -> memref<112xi32, #tpu.memory_space<vmem>>
          %dma_wait3A_135 = arith.constant 0 : i32
          %dma_wait3A_136 = arith.constant 0 : i32
          %dma_wait3A_137 = tpu.memref_slice %arg15[%dma_wait3A_135, %dma_wait3A_136] : memref<10112x128xf32, #tpu.memory_space<vmem_shared>> -> memref<10112x128xf32, #tpu.memory_space<vmem_shared>>
          tpu.wait_indirect_dma semaphore(%arg21 : memref<!tpu.dma_semaphore, #tpu.memory_space<semaphore_mem>>) src(%arg14 : memref<112x128xf32, #tpu.memory_space<vmem>>) dst(%dma_wait3A_137 : memref<10112x128xf32, #tpu.memory_space<vmem_shared>>)
          %add3A_138 = arith.constant 5 : i32
          %add3A_139 = arith.addi %add3A_64, %add3A_138 : i32
          %lt3A_140 = arith.constant 9 : i32
          %lt3A_141 = arith.cmpi slt, %add3A_139, %lt3A_140 : i32
          %convert_element_type3A_142 = arith.extui %lt3A_141 : i1 to i32
          %cond3A_143 = arith.constant 0 : i32
          %cond3A_144 = arith.cmpi ne, %convert_element_type3A_142, %cond3A_143 : i32
          scf.if %cond3A_144 {
            %add3A_145 = arith.constant 5 : i32
            %add3A_146 = arith.addi %add3A_64, %add3A_145 : i32
            %dma_start3A_147 = arith.constant 0 : i32
            %dma_start3A_148 = tpu.memref_slice %arg10[%add3A_146, %dma_start3A_147] : memref<9x112xi32, #tpu.memory_space<vmem>> -> memref<1x112xi32, #tpu.memory_space<vmem>>
            %dma_start3A_149 = tpu.memref_squeeze %dma_start3A_148 : memref<1x112xi32, #tpu.memory_space<vmem>> -> memref<112xi32, #tpu.memory_space<vmem>>
            %dma_start3A_150 = arith.constant 0 : i32
            %dma_start3A_151 = arith.constant 0 : i32
            %dma_start3A_152 = tpu.memref_slice %arg2[%dma_start3A_150, %dma_start3A_151] : memref<10000x128xf32, #tpu.memory_space<hbm>> -> memref<10000x128xf32, #tpu.memory_space<hbm>>
            tpu.enqueue_indirect_dma source(%dma_start3A_152 : memref<10000x128xf32, #tpu.memory_space<hbm>>) target(%arg14 : memref<112x128xf32, #tpu.memory_space<vmem>>) offsets(%dma_start3A_149 : memref<112xi32, #tpu.memory_space<vmem>>) semaphore(%arg18 : memref<!tpu.dma_semaphore, #tpu.memory_space<semaphore_mem>>)
          } else {
          }
        }
        %scan3A_59 = arith.constant 3 : i32
      }
      %scan3A_11 = arith.constant 10 : i32
      %barrier3A_12 = arith.constant 0 : index
      tpu.barrier barrier_id(%barrier3A_12)
      %mul3A_13 = arith.constant 632 : i32
      %mul3A_14 = arith.muli %arg1, %mul3A_13 : i32
      %mul3A_15 = arith.constant 632 : i32
      %mul3A_16 = arith.muli %arg1, %mul3A_15 : i32
      %run_scoped3A = arith.constant 0 : i32
      "tpu.region"() ({
        %run_scoped3A_31 = tpu.sem_alloc : memref<!tpu.dma_semaphore, #tpu.memory_space<semaphore_mem>>
        %dma_start3A = arith.constant 0 : i32
        %dma_start3A_32 = arith.constant 0 : i32
        %dma_start3A_33 = tpu.memref_slice %arg9[%run_scoped3A, %dma_start3A, %dma_start3A_32] : memref<4x10112x128xf32, #tpu.memory_space<hbm>> -> memref<1x10112x128xf32, #tpu.memory_space<hbm>>
        %dma_start3A_34 = tpu.memref_squeeze %dma_start3A_33 : memref<1x10112x128xf32, #tpu.memory_space<hbm>> -> memref<10112x128xf32, #tpu.memory_space<hbm>>
        %dma_start3A_35 = arith.constant 0 : i32
        %dma_start3A_36 = tpu.memref_slice %dma_start3A_34[%mul3A_16, %dma_start3A_35] : memref<10112x128xf32, #tpu.memory_space<hbm>> -> memref<632x128xf32, #tpu.memory_space<hbm>>
        %dma_start3A_37 = arith.constant 0 : i32
        %dma_start3A_38 = tpu.memref_slice %arg15[%mul3A_14, %dma_start3A_37] : memref<10112x128xf32, #tpu.memory_space<vmem_shared>> -> memref<632x128xf32, #tpu.memory_space<vmem_shared>>
        tpu.enqueue_dma source(%dma_start3A_38 : memref<632x128xf32, #tpu.memory_space<vmem_shared>>) target(%dma_start3A_36 : memref<632x128xf32, #tpu.memory_space<hbm>>) target_semaphore(%run_scoped3A_31 : memref<!tpu.dma_semaphore, #tpu.memory_space<semaphore_mem>>)
        %dma_wait3A = arith.constant 0 : i32
        %dma_wait3A_39 = arith.constant 0 : i32
        %dma_wait3A_40 = tpu.memref_slice %arg9[%run_scoped3A, %dma_wait3A, %dma_wait3A_39] : memref<4x10112x128xf32, #tpu.memory_space<hbm>> -> memref<1x10112x128xf32, #tpu.memory_space<hbm>>
        %dma_wait3A_41 = tpu.memref_squeeze %dma_wait3A_40 : memref<1x10112x128xf32, #tpu.memory_space<hbm>> -> memref<10112x128xf32, #tpu.memory_space<hbm>>
        %dma_wait3A_42 = arith.constant 0 : i32
        %dma_wait3A_43 = tpu.memref_slice %dma_wait3A_41[%mul3A_16, %dma_wait3A_42] : memref<10112x128xf32, #tpu.memory_space<hbm>> -> memref<632x128xf32, #tpu.memory_space<hbm>>
        %dma_wait3A_44 = arith.constant 0 : i32
        %dma_wait3A_45 = tpu.memref_slice %arg15[%mul3A_14, %dma_wait3A_44] : memref<10112x128xf32, #tpu.memory_space<vmem_shared>> -> memref<632x128xf32, #tpu.memory_space<vmem_shared>>
        tpu.wait_dma2 semaphore(%run_scoped3A_31 : memref<!tpu.dma_semaphore, #tpu.memory_space<semaphore_mem>>) src(%dma_wait3A_45 : memref<632x128xf32, #tpu.memory_space<vmem_shared>>) dst(%dma_wait3A_43 : memref<632x128xf32, #tpu.memory_space<hbm>>)
        tpu.yield
      }) : () -> ()
      %mul3A_17 = arith.constant 632 : i32
      %mul3A_18 = arith.muli %arg1, %mul3A_17 : i32
      "tpu.region"() ({
        %run_scoped3A_31 = tpu.sem_alloc : memref<!tpu.dma_semaphore, #tpu.memory_space<semaphore_mem>>
        %dma_start3A = arith.constant 0 : i32
        %dma_start3A_32 = tpu.memref_slice %arg15[%mul3A_18, %dma_start3A] : memref<10112x128xf32, #tpu.memory_space<vmem_shared>> -> memref<632x128xf32, #tpu.memory_space<vmem_shared>>
        tpu.enqueue_dma source(%arg8 : memref<632x128xf32, #tpu.memory_space<hbm>>) target(%dma_start3A_32 : memref<632x128xf32, #tpu.memory_space<vmem_shared>>) target_semaphore(%run_scoped3A_31 : memref<!tpu.dma_semaphore, #tpu.memory_space<semaphore_mem>>)
        %dma_wait3A = arith.constant 0 : i32
        %dma_wait3A_33 = tpu.memref_slice %arg15[%mul3A_18, %dma_wait3A] : memref<10112x128xf32, #tpu.memory_space<vmem_shared>> -> memref<632x128xf32, #tpu.memory_space<vmem_shared>>
        tpu.wait_dma2 semaphore(%run_scoped3A_31 : memref<!tpu.dma_semaphore, #tpu.memory_space<semaphore_mem>>) src(%arg8 : memref<632x128xf32, #tpu.memory_space<hbm>>) dst(%dma_wait3A_33 : memref<632x128xf32, #tpu.memory_space<vmem_shared>>)
        tpu.yield
      }) : () -> ()
      %barrier3A_19 = arith.constant 0 : index
      tpu.barrier barrier_id(%barrier3A_19)
      %scan3A_20 = arith.constant 0 : i32
      %scan3A_21 = arith.constant 10 : i32
      %scan3A_22 = arith.addi %scan3A_20, %scan3A_21 : i32
      %scan3A_23 = arith.constant 1 : i32
      scf.for %scan3A_31 = %scan3A_20 to %scan3A_22 step %scan3A_23  : i32 {
        %mul3A_32 = arith.constant 1 : i32
        %mul3A_33 = arith.muli %scan3A_31, %mul3A_32 : i32
        %add3A = arith.constant 0 : i32
        %add3A_34 = arith.addi %add3A, %mul3A_33 : i32
        "tpu.region"() ({
          %run_scoped3A_60 = tpu.sem_alloc : memref<!tpu.dma_semaphore, #tpu.memory_space<semaphore_mem>>
          %dma_start3A_61 = arith.constant 0 : i32
          %dma_start3A_62 = arith.constant 0 : i32
          %dma_start3A_63 = tpu.memref_slice %arg6[%arg1, %add3A_34, %dma_start3A_61, %dma_start3A_62] : memref<16x10x9x112xi32, #tpu.memory_space<hbm>> -> memref<1x1x9x112xi32, #tpu.memory_space<hbm>>
          %dma_start3A_64 = tpu.memref_squeeze %dma_start3A_63 : memref<1x1x9x112xi32, #tpu.memory_space<hbm>> -> memref<9x112xi32, #tpu.memory_space<hbm>>
          %dma_start3A_65 = arith.constant 0 : i32
          %dma_start3A_66 = arith.constant 0 : i32
          %dma_start3A_67 = tpu.memref_slice %arg6[%arg1, %add3A_34, %dma_start3A_65, %dma_start3A_66] : memref<16x10x9x112xi32, #tpu.memory_space<hbm>> -> memref<1x1x9x112xi32, #tpu.memory_space<hbm>>
          %dma_start3A_68 = tpu.memref_squeeze %dma_start3A_67 : memref<1x1x9x112xi32, #tpu.memory_space<hbm>> -> memref<9x112xi32, #tpu.memory_space<hbm>>
          tpu.enqueue_dma source(%dma_start3A_68 : memref<9x112xi32, #tpu.memory_space<hbm>>) target(%arg10 : memref<9x112xi32, #tpu.memory_space<vmem>>) target_semaphore(%run_scoped3A_60 : memref<!tpu.dma_semaphore, #tpu.memory_space<semaphore_mem>>)
          %dma_wait3A = arith.constant 0 : i32
          %dma_wait3A_69 = arith.constant 0 : i32
          %dma_wait3A_70 = tpu.memref_slice %arg6[%arg1, %add3A_34, %dma_wait3A, %dma_wait3A_69] : memref<16x10x9x112xi32, #tpu.memory_space<hbm>> -> memref<1x1x9x112xi32, #tpu.memory_space<hbm>>
          %dma_wait3A_71 = tpu.memref_squeeze %dma_wait3A_70 : memref<1x1x9x112xi32, #tpu.memory_space<hbm>> -> memref<9x112xi32, #tpu.memory_space<hbm>>
          %dma_wait3A_72 = arith.constant 0 : i32
          %dma_wait3A_73 = arith.constant 0 : i32
          %dma_wait3A_74 = tpu.memref_slice %arg6[%arg1, %add3A_34, %dma_wait3A_72, %dma_wait3A_73] : memref<16x10x9x112xi32, #tpu.memory_space<hbm>> -> memref<1x1x9x112xi32, #tpu.memory_space<hbm>>
          %dma_wait3A_75 = tpu.memref_squeeze %dma_wait3A_74 : memref<1x1x9x112xi32, #tpu.memory_space<hbm>> -> memref<9x112xi32, #tpu.memory_space<hbm>>
          tpu.wait_dma2 semaphore(%run_scoped3A_60 : memref<!tpu.dma_semaphore, #tpu.memory_space<semaphore_mem>>) src(%dma_wait3A_75 : memref<9x112xi32, #tpu.memory_space<hbm>>) dst(%arg10 : memref<9x112xi32, #tpu.memory_space<vmem>>)
          tpu.yield
        }) : () -> ()
        "tpu.region"() ({
          %run_scoped3A_60 = tpu.sem_alloc : memref<!tpu.dma_semaphore, #tpu.memory_space<semaphore_mem>>
          %dma_start3A_61 = arith.constant 0 : i32
          %dma_start3A_62 = arith.constant 0 : i32
          %dma_start3A_63 = tpu.memref_slice %arg7[%arg1, %add3A_34, %dma_start3A_61, %dma_start3A_62] : memref<16x10x9x112xi32, #tpu.memory_space<hbm>> -> memref<1x1x9x112xi32, #tpu.memory_space<hbm>>
          %dma_start3A_64 = tpu.memref_squeeze %dma_start3A_63 : memref<1x1x9x112xi32, #tpu.memory_space<hbm>> -> memref<9x112xi32, #tpu.memory_space<hbm>>
          %dma_start3A_65 = arith.constant 0 : i32
          %dma_start3A_66 = arith.constant 0 : i32
          %dma_start3A_67 = tpu.memref_slice %arg7[%arg1, %add3A_34, %dma_start3A_65, %dma_start3A_66] : memref<16x10x9x112xi32, #tpu.memory_space<hbm>> -> memref<1x1x9x112xi32, #tpu.memory_space<hbm>>
          %dma_start3A_68 = tpu.memref_squeeze %dma_start3A_67 : memref<1x1x9x112xi32, #tpu.memory_space<hbm>> -> memref<9x112xi32, #tpu.memory_space<hbm>>
          tpu.enqueue_dma source(%dma_start3A_68 : memref<9x112xi32, #tpu.memory_space<hbm>>) target(%arg11 : memref<9x112xi32, #tpu.memory_space<vmem>>) target_semaphore(%run_scoped3A_60 : memref<!tpu.dma_semaphore, #tpu.memory_space<semaphore_mem>>)
          %dma_wait3A = arith.constant 0 : i32
          %dma_wait3A_69 = arith.constant 0 : i32
          %dma_wait3A_70 = tpu.memref_slice %arg7[%arg1, %add3A_34, %dma_wait3A, %dma_wait3A_69] : memref<16x10x9x112xi32, #tpu.memory_space<hbm>> -> memref<1x1x9x112xi32, #tpu.memory_space<hbm>>
          %dma_wait3A_71 = tpu.memref_squeeze %dma_wait3A_70 : memref<1x1x9x112xi32, #tpu.memory_space<hbm>> -> memref<9x112xi32, #tpu.memory_space<hbm>>
          %dma_wait3A_72 = arith.constant 0 : i32
          %dma_wait3A_73 = arith.constant 0 : i32
          %dma_wait3A_74 = tpu.memref_slice %arg7[%arg1, %add3A_34, %dma_wait3A_72, %dma_wait3A_73] : memref<16x10x9x112xi32, #tpu.memory_space<hbm>> -> memref<1x1x9x112xi32, #tpu.memory_space<hbm>>
          %dma_wait3A_75 = tpu.memref_squeeze %dma_wait3A_74 : memref<1x1x9x112xi32, #tpu.memory_space<hbm>> -> memref<9x112xi32, #tpu.memory_space<hbm>>
          tpu.wait_dma2 semaphore(%run_scoped3A_60 : memref<!tpu.dma_semaphore, #tpu.memory_space<semaphore_mem>>) src(%dma_wait3A_75 : memref<9x112xi32, #tpu.memory_space<hbm>>) dst(%arg11 : memref<9x112xi32, #tpu.memory_space<vmem>>)
          tpu.yield
        }) : () -> ()
        %dma_start3A = arith.constant 0 : i32
        %dma_start3A_35 = arith.constant 0 : i32
        %dma_start3A_36 = tpu.memref_slice %arg10[%dma_start3A, %dma_start3A_35] : memref<9x112xi32, #tpu.memory_space<vmem>> -> memref<1x112xi32, #tpu.memory_space<vmem>>
        %dma_start3A_37 = tpu.memref_squeeze %dma_start3A_36 : memref<1x112xi32, #tpu.memory_space<vmem>> -> memref<112xi32, #tpu.memory_space<vmem>>
        %dma_start3A_38 = arith.constant 0 : i32
        %dma_start3A_39 = arith.constant 0 : i32
        %dma_start3A_40 = tpu.memref_slice %arg4[%dma_start3A_38, %dma_start3A_39] : memref<10000x128xf32, #tpu.memory_space<hbm>> -> memref<10000x128xf32, #tpu.memory_space<hbm>>
        tpu.enqueue_indirect_dma source(%dma_start3A_40 : memref<10000x128xf32, #tpu.memory_space<hbm>>) target(%arg12 : memref<112x128xf32, #tpu.memory_space<vmem>>) offsets(%dma_start3A_37 : memref<112xi32, #tpu.memory_space<vmem>>) semaphore(%arg16 : memref<!tpu.dma_semaphore, #tpu.memory_space<semaphore_mem>>)
        %dma_start3A_41 = arith.constant 1 : i32
        %dma_start3A_42 = arith.constant 0 : i32
        %dma_start3A_43 = tpu.memref_slice %arg10[%dma_start3A_41, %dma_start3A_42] : memref<9x112xi32, #tpu.memory_space<vmem>> -> memref<1x112xi32, #tpu.memory_space<vmem>>
        %dma_start3A_44 = tpu.memref_squeeze %dma_start3A_43 : memref<1x112xi32, #tpu.memory_space<vmem>> -> memref<112xi32, #tpu.memory_space<vmem>>
        %dma_start3A_45 = arith.constant 0 : i32
        %dma_start3A_46 = arith.constant 0 : i32
        %dma_start3A_47 = tpu.memref_slice %arg4[%dma_start3A_45, %dma_start3A_46] : memref<10000x128xf32, #tpu.memory_space<hbm>> -> memref<10000x128xf32, #tpu.memory_space<hbm>>
        tpu.enqueue_indirect_dma source(%dma_start3A_47 : memref<10000x128xf32, #tpu.memory_space<hbm>>) target(%arg13 : memref<112x128xf32, #tpu.memory_space<vmem>>) offsets(%dma_start3A_44 : memref<112xi32, #tpu.memory_space<vmem>>) semaphore(%arg17 : memref<!tpu.dma_semaphore, #tpu.memory_space<semaphore_mem>>)
        %dma_start3A_48 = arith.constant 2 : i32
        %dma_start3A_49 = arith.constant 0 : i32
        %dma_start3A_50 = tpu.memref_slice %arg10[%dma_start3A_48, %dma_start3A_49] : memref<9x112xi32, #tpu.memory_space<vmem>> -> memref<1x112xi32, #tpu.memory_space<vmem>>
        %dma_start3A_51 = tpu.memref_squeeze %dma_start3A_50 : memref<1x112xi32, #tpu.memory_space<vmem>> -> memref<112xi32, #tpu.memory_space<vmem>>
        %dma_start3A_52 = arith.constant 0 : i32
        %dma_start3A_53 = arith.constant 0 : i32
        %dma_start3A_54 = tpu.memref_slice %arg4[%dma_start3A_52, %dma_start3A_53] : memref<10000x128xf32, #tpu.memory_space<hbm>> -> memref<10000x128xf32, #tpu.memory_space<hbm>>
        tpu.enqueue_indirect_dma source(%dma_start3A_54 : memref<10000x128xf32, #tpu.memory_space<hbm>>) target(%arg14 : memref<112x128xf32, #tpu.memory_space<vmem>>) offsets(%dma_start3A_51 : memref<112xi32, #tpu.memory_space<vmem>>) semaphore(%arg18 : memref<!tpu.dma_semaphore, #tpu.memory_space<semaphore_mem>>)
        %scan3A_55 = arith.constant 0 : i32
        %scan3A_56 = arith.constant 3 : i32
        %scan3A_57 = arith.addi %scan3A_55, %scan3A_56 : i32
        %scan3A_58 = arith.constant 1 : i32
        scf.for %scan3A_60 = %scan3A_55 to %scan3A_57 step %scan3A_58  : i32 {
          %mul3A_61 = arith.constant 3 : i32
          %mul3A_62 = arith.muli %scan3A_60, %mul3A_61 : i32
          %add3A_63 = arith.constant 0 : i32
          %add3A_64 = arith.addi %add3A_63, %mul3A_62 : i32
          %dma_wait3A = arith.constant 0 : i32
          %dma_wait3A_65 = arith.constant 0 : i32
          %dma_wait3A_66 = tpu.memref_slice %arg10[%dma_wait3A, %dma_wait3A_65] : memref<9x112xi32, #tpu.memory_space<vmem>> -> memref<1x112xi32, #tpu.memory_space<vmem>>
          %dma_wait3A_67 = tpu.memref_squeeze %dma_wait3A_66 : memref<1x112xi32, #tpu.memory_space<vmem>> -> memref<112xi32, #tpu.memory_space<vmem>>
          %dma_wait3A_68 = arith.constant 0 : i32
          %dma_wait3A_69 = arith.constant 0 : i32
          %dma_wait3A_70 = tpu.memref_slice %arg4[%dma_wait3A_68, %dma_wait3A_69] : memref<10000x128xf32, #tpu.memory_space<hbm>> -> memref<10000x128xf32, #tpu.memory_space<hbm>>
          tpu.wait_indirect_dma semaphore(%arg16 : memref<!tpu.dma_semaphore, #tpu.memory_space<semaphore_mem>>) src(%dma_wait3A_70 : memref<10000x128xf32, #tpu.memory_space<hbm>>) dst(%arg12 : memref<112x128xf32, #tpu.memory_space<vmem>>)
          %dma_start3A_71 = arith.constant 0 : i32
          %dma_start3A_72 = tpu.memref_slice %arg11[%add3A_64, %dma_start3A_71] : memref<9x112xi32, #tpu.memory_space<vmem>> -> memref<1x112xi32, #tpu.memory_space<vmem>>
          %dma_start3A_73 = tpu.memref_squeeze %dma_start3A_72 : memref<1x112xi32, #tpu.memory_space<vmem>> -> memref<112xi32, #tpu.memory_space<vmem>>
          %dma_start3A_74 = arith.constant 0 : i32
          %dma_start3A_75 = arith.constant 0 : i32
          %dma_start3A_76 = tpu.memref_slice %arg15[%dma_start3A_74, %dma_start3A_75] : memref<10112x128xf32, #tpu.memory_space<vmem_shared>> -> memref<10112x128xf32, #tpu.memory_space<vmem_shared>>
          tpu.enqueue_indirect_dma source(%arg12 : memref<112x128xf32, #tpu.memory_space<vmem>>) target(%dma_start3A_76 : memref<10112x128xf32, #tpu.memory_space<vmem_shared>>) offsets(%dma_start3A_73 : memref<112xi32, #tpu.memory_space<vmem>>) semaphore(%arg19 : memref<!tpu.dma_semaphore, #tpu.memory_space<semaphore_mem>>) {add = true}
          %dma_wait3A_77 = arith.constant 1 : i32
          %dma_wait3A_78 = arith.constant 0 : i32
          %dma_wait3A_79 = tpu.memref_slice %arg10[%dma_wait3A_77, %dma_wait3A_78] : memref<9x112xi32, #tpu.memory_space<vmem>> -> memref<1x112xi32, #tpu.memory_space<vmem>>
          %dma_wait3A_80 = tpu.memref_squeeze %dma_wait3A_79 : memref<1x112xi32, #tpu.memory_space<vmem>> -> memref<112xi32, #tpu.memory_space<vmem>>
          %dma_wait3A_81 = arith.constant 0 : i32
          %dma_wait3A_82 = arith.constant 0 : i32
          %dma_wait3A_83 = tpu.memref_slice %arg4[%dma_wait3A_81, %dma_wait3A_82] : memref<10000x128xf32, #tpu.memory_space<hbm>> -> memref<10000x128xf32, #tpu.memory_space<hbm>>
          tpu.wait_indirect_dma semaphore(%arg17 : memref<!tpu.dma_semaphore, #tpu.memory_space<semaphore_mem>>) src(%dma_wait3A_83 : memref<10000x128xf32, #tpu.memory_space<hbm>>) dst(%arg13 : memref<112x128xf32, #tpu.memory_space<vmem>>)
          %add3A_84 = arith.constant 1 : i32
          %add3A_85 = arith.addi %add3A_64, %add3A_84 : i32
          %dma_start3A_86 = arith.constant 0 : i32
          %dma_start3A_87 = tpu.memref_slice %arg11[%add3A_85, %dma_start3A_86] : memref<9x112xi32, #tpu.memory_space<vmem>> -> memref<1x112xi32, #tpu.memory_space<vmem>>
          %dma_start3A_88 = tpu.memref_squeeze %dma_start3A_87 : memref<1x112xi32, #tpu.memory_space<vmem>> -> memref<112xi32, #tpu.memory_space<vmem>>
          %dma_start3A_89 = arith.constant 0 : i32
          %dma_start3A_90 = arith.constant 0 : i32
          %dma_start3A_91 = tpu.memref_slice %arg15[%dma_start3A_89, %dma_start3A_90] : memref<10112x128xf32, #tpu.memory_space<vmem_shared>> -> memref<10112x128xf32, #tpu.memory_space<vmem_shared>>
          tpu.enqueue_indirect_dma source(%arg13 : memref<112x128xf32, #tpu.memory_space<vmem>>) target(%dma_start3A_91 : memref<10112x128xf32, #tpu.memory_space<vmem_shared>>) offsets(%dma_start3A_88 : memref<112xi32, #tpu.memory_space<vmem>>) semaphore(%arg20 : memref<!tpu.dma_semaphore, #tpu.memory_space<semaphore_mem>>) {add = true}
          %dma_wait3A_92 = arith.constant 2 : i32
          %dma_wait3A_93 = arith.constant 0 : i32
          %dma_wait3A_94 = tpu.memref_slice %arg10[%dma_wait3A_92, %dma_wait3A_93] : memref<9x112xi32, #tpu.memory_space<vmem>> -> memref<1x112xi32, #tpu.memory_space<vmem>>
          %dma_wait3A_95 = tpu.memref_squeeze %dma_wait3A_94 : memref<1x112xi32, #tpu.memory_space<vmem>> -> memref<112xi32, #tpu.memory_space<vmem>>
          %dma_wait3A_96 = arith.constant 0 : i32
          %dma_wait3A_97 = arith.constant 0 : i32
          %dma_wait3A_98 = tpu.memref_slice %arg4[%dma_wait3A_96, %dma_wait3A_97] : memref<10000x128xf32, #tpu.memory_space<hbm>> -> memref<10000x128xf32, #tpu.memory_space<hbm>>
          tpu.wait_indirect_dma semaphore(%arg18 : memref<!tpu.dma_semaphore, #tpu.memory_space<semaphore_mem>>) src(%dma_wait3A_98 : memref<10000x128xf32, #tpu.memory_space<hbm>>) dst(%arg14 : memref<112x128xf32, #tpu.memory_space<vmem>>)
          %add3A_99 = arith.constant 2 : i32
          %add3A_100 = arith.addi %add3A_64, %add3A_99 : i32
          %dma_start3A_101 = arith.constant 0 : i32
          %dma_start3A_102 = tpu.memref_slice %arg11[%add3A_100, %dma_start3A_101] : memref<9x112xi32, #tpu.memory_space<vmem>> -> memref<1x112xi32, #tpu.memory_space<vmem>>
          %dma_start3A_103 = tpu.memref_squeeze %dma_start3A_102 : memref<1x112xi32, #tpu.memory_space<vmem>> -> memref<112xi32, #tpu.memory_space<vmem>>
          %dma_start3A_104 = arith.constant 0 : i32
          %dma_start3A_105 = arith.constant 0 : i32
          %dma_start3A_106 = tpu.memref_slice %arg15[%dma_start3A_104, %dma_start3A_105] : memref<10112x128xf32, #tpu.memory_space<vmem_shared>> -> memref<10112x128xf32, #tpu.memory_space<vmem_shared>>
          tpu.enqueue_indirect_dma source(%arg14 : memref<112x128xf32, #tpu.memory_space<vmem>>) target(%dma_start3A_106 : memref<10112x128xf32, #tpu.memory_space<vmem_shared>>) offsets(%dma_start3A_103 : memref<112xi32, #tpu.memory_space<vmem>>) semaphore(%arg21 : memref<!tpu.dma_semaphore, #tpu.memory_space<semaphore_mem>>) {add = true}
          %dma_wait3A_107 = arith.constant 0 : i32
          %dma_wait3A_108 = tpu.memref_slice %arg11[%add3A_64, %dma_wait3A_107] : memref<9x112xi32, #tpu.memory_space<vmem>> -> memref<1x112xi32, #tpu.memory_space<vmem>>
          %dma_wait3A_109 = tpu.memref_squeeze %dma_wait3A_108 : memref<1x112xi32, #tpu.memory_space<vmem>> -> memref<112xi32, #tpu.memory_space<vmem>>
          %dma_wait3A_110 = arith.constant 0 : i32
          %dma_wait3A_111 = arith.constant 0 : i32
          %dma_wait3A_112 = tpu.memref_slice %arg15[%dma_wait3A_110, %dma_wait3A_111] : memref<10112x128xf32, #tpu.memory_space<vmem_shared>> -> memref<10112x128xf32, #tpu.memory_space<vmem_shared>>
          tpu.wait_indirect_dma semaphore(%arg19 : memref<!tpu.dma_semaphore, #tpu.memory_space<semaphore_mem>>) src(%arg12 : memref<112x128xf32, #tpu.memory_space<vmem>>) dst(%dma_wait3A_112 : memref<10112x128xf32, #tpu.memory_space<vmem_shared>>)
          %add3A_113 = arith.constant 3 : i32
          %add3A_114 = arith.addi %add3A_64, %add3A_113 : i32
          %lt3A = arith.constant 9 : i32
          %lt3A_115 = arith.cmpi slt, %add3A_114, %lt3A : i32
          %convert_element_type3A_116 = arith.extui %lt3A_115 : i1 to i32
          %cond3A_117 = arith.constant 0 : i32
          %cond3A_118 = arith.cmpi ne, %convert_element_type3A_116, %cond3A_117 : i32
          scf.if %cond3A_118 {
            %add3A_145 = arith.constant 3 : i32
            %add3A_146 = arith.addi %add3A_64, %add3A_145 : i32
            %dma_start3A_147 = arith.constant 0 : i32
            %dma_start3A_148 = tpu.memref_slice %arg10[%add3A_146, %dma_start3A_147] : memref<9x112xi32, #tpu.memory_space<vmem>> -> memref<1x112xi32, #tpu.memory_space<vmem>>
            %dma_start3A_149 = tpu.memref_squeeze %dma_start3A_148 : memref<1x112xi32, #tpu.memory_space<vmem>> -> memref<112xi32, #tpu.memory_space<vmem>>
            %dma_start3A_150 = arith.constant 0 : i32
            %dma_start3A_151 = arith.constant 0 : i32
            %dma_start3A_152 = tpu.memref_slice %arg4[%dma_start3A_150, %dma_start3A_151] : memref<10000x128xf32, #tpu.memory_space<hbm>> -> memref<10000x128xf32, #tpu.memory_space<hbm>>
            tpu.enqueue_indirect_dma source(%dma_start3A_152 : memref<10000x128xf32, #tpu.memory_space<hbm>>) target(%arg12 : memref<112x128xf32, #tpu.memory_space<vmem>>) offsets(%dma_start3A_149 : memref<112xi32, #tpu.memory_space<vmem>>) semaphore(%arg16 : memref<!tpu.dma_semaphore, #tpu.memory_space<semaphore_mem>>)
          } else {
          }
          %dma_wait3A_119 = arith.constant 0 : i32
          %dma_wait3A_120 = tpu.memref_slice %arg11[%add3A_85, %dma_wait3A_119] : memref<9x112xi32, #tpu.memory_space<vmem>> -> memref<1x112xi32, #tpu.memory_space<vmem>>
          %dma_wait3A_121 = tpu.memref_squeeze %dma_wait3A_120 : memref<1x112xi32, #tpu.memory_space<vmem>> -> memref<112xi32, #tpu.memory_space<vmem>>
          %dma_wait3A_122 = arith.constant 0 : i32
          %dma_wait3A_123 = arith.constant 0 : i32
          %dma_wait3A_124 = tpu.memref_slice %arg15[%dma_wait3A_122, %dma_wait3A_123] : memref<10112x128xf32, #tpu.memory_space<vmem_shared>> -> memref<10112x128xf32, #tpu.memory_space<vmem_shared>>
          tpu.wait_indirect_dma semaphore(%arg20 : memref<!tpu.dma_semaphore, #tpu.memory_space<semaphore_mem>>) src(%arg13 : memref<112x128xf32, #tpu.memory_space<vmem>>) dst(%dma_wait3A_124 : memref<10112x128xf32, #tpu.memory_space<vmem_shared>>)
          %add3A_125 = arith.constant 4 : i32
          %add3A_126 = arith.addi %add3A_64, %add3A_125 : i32
          %lt3A_127 = arith.constant 9 : i32
          %lt3A_128 = arith.cmpi slt, %add3A_126, %lt3A_127 : i32
          %convert_element_type3A_129 = arith.extui %lt3A_128 : i1 to i32
          %cond3A_130 = arith.constant 0 : i32
          %cond3A_131 = arith.cmpi ne, %convert_element_type3A_129, %cond3A_130 : i32
          scf.if %cond3A_131 {
            %add3A_145 = arith.constant 4 : i32
            %add3A_146 = arith.addi %add3A_64, %add3A_145 : i32
            %dma_start3A_147 = arith.constant 0 : i32
            %dma_start3A_148 = tpu.memref_slice %arg10[%add3A_146, %dma_start3A_147] : memref<9x112xi32, #tpu.memory_space<vmem>> -> memref<1x112xi32, #tpu.memory_space<vmem>>
            %dma_start3A_149 = tpu.memref_squeeze %dma_start3A_148 : memref<1x112xi32, #tpu.memory_space<vmem>> -> memref<112xi32, #tpu.memory_space<vmem>>
            %dma_start3A_150 = arith.constant 0 : i32
            %dma_start3A_151 = arith.constant 0 : i32
            %dma_start3A_152 = tpu.memref_slice %arg4[%dma_start3A_150, %dma_start3A_151] : memref<10000x128xf32, #tpu.memory_space<hbm>> -> memref<10000x128xf32, #tpu.memory_space<hbm>>
            tpu.enqueue_indirect_dma source(%dma_start3A_152 : memref<10000x128xf32, #tpu.memory_space<hbm>>) target(%arg13 : memref<112x128xf32, #tpu.memory_space<vmem>>) offsets(%dma_start3A_149 : memref<112xi32, #tpu.memory_space<vmem>>) semaphore(%arg17 : memref<!tpu.dma_semaphore, #tpu.memory_space<semaphore_mem>>)
          } else {
          }
          %dma_wait3A_132 = arith.constant 0 : i32
          %dma_wait3A_133 = tpu.memref_slice %arg11[%add3A_100, %dma_wait3A_132] : memref<9x112xi32, #tpu.memory_space<vmem>> -> memref<1x112xi32, #tpu.memory_space<vmem>>
          %dma_wait3A_134 = tpu.memref_squeeze %dma_wait3A_133 : memref<1x112xi32, #tpu.memory_space<vmem>> -> memref<112xi32, #tpu.memory_space<vmem>>
          %dma_wait3A_135 = arith.constant 0 : i32
          %dma_wait3A_136 = arith.constant 0 : i32
          %dma_wait3A_137 = tpu.memref_slice %arg15[%dma_wait3A_135, %dma_wait3A_136] : memref<10112x128xf32, #tpu.memory_space<vmem_shared>> -> memref<10112x128xf32, #tpu.memory_space<vmem_shared>>
          tpu.wait_indirect_dma semaphore(%arg21 : memref<!tpu.dma_semaphore, #tpu.memory_space<semaphore_mem>>) src(%arg14 : memref<112x128xf32, #tpu.memory_space<vmem>>) dst(%dma_wait3A_137 : memref<10112x128xf32, #tpu.memory_space<vmem_shared>>)
          %add3A_138 = arith.constant 5 : i32
          %add3A_139 = arith.addi %add3A_64, %add3A_138 : i32
          %lt3A_140 = arith.constant 9 : i32
          %lt3A_141 = arith.cmpi slt, %add3A_139, %lt3A_140 : i32
          %convert_element_type3A_142 = arith.extui %lt3A_141 : i1 to i32
          %cond3A_143 = arith.constant 0 : i32
          %cond3A_144 = arith.cmpi ne, %convert_element_type3A_142, %cond3A_143 : i32
          scf.if %cond3A_144 {
            %add3A_145 = arith.constant 5 : i32
            %add3A_146 = arith.addi %add3A_64, %add3A_145 : i32
            %dma_start3A_147 = arith.constant 0 : i32
            %dma_start3A_148 = tpu.memref_slice %arg10[%add3A_146, %dma_start3A_147] : memref<9x112xi32, #tpu.memory_space<vmem>> -> memref<1x112xi32, #tpu.memory_space<vmem>>
            %dma_start3A_149 = tpu.memref_squeeze %dma_start3A_148 : memref<1x112xi32, #tpu.memory_space<vmem>> -> memref<112xi32, #tpu.memory_space<vmem>>
            %dma_start3A_150 = arith.constant 0 : i32
            %dma_start3A_151 = arith.constant 0 : i32
            %dma_start3A_152 = tpu.memref_slice %arg4[%dma_start3A_150, %dma_start3A_151] : memref<10000x128xf32, #tpu.memory_space<hbm>> -> memref<10000x128xf32, #tpu.memory_space<hbm>>
            tpu.enqueue_indirect_dma source(%dma_start3A_152 : memref<10000x128xf32, #tpu.memory_space<hbm>>) target(%arg14 : memref<112x128xf32, #tpu.memory_space<vmem>>) offsets(%dma_start3A_149 : memref<112xi32, #tpu.memory_space<vmem>>) semaphore(%arg18 : memref<!tpu.dma_semaphore, #tpu.memory_space<semaphore_mem>>)
          } else {
          }
        }
        %scan3A_59 = arith.constant 3 : i32
      }
      %scan3A_24 = arith.constant 10 : i32
      %barrier3A_25 = arith.constant 0 : index
      tpu.barrier barrier_id(%barrier3A_25)
      %mul3A_26 = arith.constant 632 : i32
      %mul3A_27 = arith.muli %arg1, %mul3A_26 : i32
      %mul3A_28 = arith.constant 632 : i32
      %mul3A_29 = arith.muli %arg1, %mul3A_28 : i32
      %run_scoped3A_30 = arith.constant 2 : i32
      "tpu.region"() ({
        %run_scoped3A_31 = tpu.sem_alloc : memref<!tpu.dma_semaphore, #tpu.memory_space<semaphore_mem>>
        %dma_start3A = arith.constant 0 : i32
        %dma_start3A_32 = arith.constant 0 : i32
        %dma_start3A_33 = tpu.memref_slice %arg9[%run_scoped3A_30, %dma_start3A, %dma_start3A_32] : memref<4x10112x128xf32, #tpu.memory_space<hbm>> -> memref<1x10112x128xf32, #tpu.memory_space<hbm>>
        %dma_start3A_34 = tpu.memref_squeeze %dma_start3A_33 : memref<1x10112x128xf32, #tpu.memory_space<hbm>> -> memref<10112x128xf32, #tpu.memory_space<hbm>>
        %dma_start3A_35 = arith.constant 0 : i32
        %dma_start3A_36 = tpu.memref_slice %dma_start3A_34[%mul3A_29, %dma_start3A_35] : memref<10112x128xf32, #tpu.memory_space<hbm>> -> memref<632x128xf32, #tpu.memory_space<hbm>>
        %dma_start3A_37 = arith.constant 0 : i32
        %dma_start3A_38 = tpu.memref_slice %arg15[%mul3A_27, %dma_start3A_37] : memref<10112x128xf32, #tpu.memory_space<vmem_shared>> -> memref<632x128xf32, #tpu.memory_space<vmem_shared>>
        tpu.enqueue_dma source(%dma_start3A_38 : memref<632x128xf32, #tpu.memory_space<vmem_shared>>) target(%dma_start3A_36 : memref<632x128xf32, #tpu.memory_space<hbm>>) target_semaphore(%run_scoped3A_31 : memref<!tpu.dma_semaphore, #tpu.memory_space<semaphore_mem>>)
        %dma_wait3A = arith.constant 0 : i32
        %dma_wait3A_39 = arith.constant 0 : i32
        %dma_wait3A_40 = tpu.memref_slice %arg9[%run_scoped3A_30, %dma_wait3A, %dma_wait3A_39] : memref<4x10112x128xf32, #tpu.memory_space<hbm>> -> memref<1x10112x128xf32, #tpu.memory_space<hbm>>
        %dma_wait3A_41 = tpu.memref_squeeze %dma_wait3A_40 : memref<1x10112x128xf32, #tpu.memory_space<hbm>> -> memref<10112x128xf32, #tpu.memory_space<hbm>>
        %dma_wait3A_42 = arith.constant 0 : i32
        %dma_wait3A_43 = tpu.memref_slice %dma_wait3A_41[%mul3A_29, %dma_wait3A_42] : memref<10112x128xf32, #tpu.memory_space<hbm>> -> memref<632x128xf32, #tpu.memory_space<hbm>>
        %dma_wait3A_44 = arith.constant 0 : i32
        %dma_wait3A_45 = tpu.memref_slice %arg15[%mul3A_27, %dma_wait3A_44] : memref<10112x128xf32, #tpu.memory_space<vmem_shared>> -> memref<632x128xf32, #tpu.memory_space<vmem_shared>>
        tpu.wait_dma2 semaphore(%run_scoped3A_31 : memref<!tpu.dma_semaphore, #tpu.memory_space<semaphore_mem>>) src(%dma_wait3A_45 : memref<632x128xf32, #tpu.memory_space<vmem_shared>>) dst(%dma_wait3A_43 : memref<632x128xf32, #tpu.memory_space<hbm>>)
        tpu.yield
      }) : () -> ()
    } else {
    }
    %eq3A_2 = arith.constant 1 : i32
    %eq3A_3 = arith.cmpi eq, %arg0, %eq3A_2 : i32
    %convert_element_type3A_4 = arith.extui %eq3A_3 : i1 to i32
    %cond3A_5 = arith.constant 0 : i32
    %cond3A_6 = arith.cmpi ne, %convert_element_type3A_4, %cond3A_5 : i32
    scf.if %cond3A_6 {
      %mul3A = arith.constant 632 : i32
      %mul3A_7 = arith.muli %arg1, %mul3A : i32
      "tpu.region"() ({
        %run_scoped3A_31 = tpu.sem_alloc : memref<!tpu.dma_semaphore, #tpu.memory_space<semaphore_mem>>
        %dma_start3A = arith.constant 0 : i32
        %dma_start3A_32 = tpu.memref_slice %arg15[%mul3A_7, %dma_start3A] : memref<10112x128xf32, #tpu.memory_space<vmem_shared>> -> memref<632x128xf32, #tpu.memory_space<vmem_shared>>
        tpu.enqueue_dma source(%arg8 : memref<632x128xf32, #tpu.memory_space<hbm>>) target(%dma_start3A_32 : memref<632x128xf32, #tpu.memory_space<vmem_shared>>) target_semaphore(%run_scoped3A_31 : memref<!tpu.dma_semaphore, #tpu.memory_space<semaphore_mem>>)
        %dma_wait3A = arith.constant 0 : i32
        %dma_wait3A_33 = tpu.memref_slice %arg15[%mul3A_7, %dma_wait3A] : memref<10112x128xf32, #tpu.memory_space<vmem_shared>> -> memref<632x128xf32, #tpu.memory_space<vmem_shared>>
        tpu.wait_dma2 semaphore(%run_scoped3A_31 : memref<!tpu.dma_semaphore, #tpu.memory_space<semaphore_mem>>) src(%arg8 : memref<632x128xf32, #tpu.memory_space<hbm>>) dst(%dma_wait3A_33 : memref<632x128xf32, #tpu.memory_space<vmem_shared>>)
        tpu.yield
      }) : () -> ()
      %barrier3A = arith.constant 0 : index
      tpu.barrier barrier_id(%barrier3A)
      %scan3A = arith.constant 0 : i32
      %scan3A_8 = arith.constant 10 : i32
      %scan3A_9 = arith.addi %scan3A, %scan3A_8 : i32
      %scan3A_10 = arith.constant 1 : i32
      scf.for %scan3A_31 = %scan3A to %scan3A_9 step %scan3A_10  : i32 {
        %mul3A_32 = arith.constant 1 : i32
        %mul3A_33 = arith.muli %scan3A_31, %mul3A_32 : i32
        %add3A = arith.constant 0 : i32
        %add3A_34 = arith.addi %add3A, %mul3A_33 : i32
        "tpu.region"() ({
          %run_scoped3A_60 = tpu.sem_alloc : memref<!tpu.dma_semaphore, #tpu.memory_space<semaphore_mem>>
          %dma_start3A_61 = arith.constant 0 : i32
          %dma_start3A_62 = arith.constant 0 : i32
          %dma_start3A_63 = tpu.memref_slice %arg6[%arg1, %add3A_34, %dma_start3A_61, %dma_start3A_62] : memref<16x10x9x112xi32, #tpu.memory_space<hbm>> -> memref<1x1x9x112xi32, #tpu.memory_space<hbm>>
          %dma_start3A_64 = tpu.memref_squeeze %dma_start3A_63 : memref<1x1x9x112xi32, #tpu.memory_space<hbm>> -> memref<9x112xi32, #tpu.memory_space<hbm>>
          %dma_start3A_65 = arith.constant 0 : i32
          %dma_start3A_66 = arith.constant 0 : i32
          %dma_start3A_67 = tpu.memref_slice %arg6[%arg1, %add3A_34, %dma_start3A_65, %dma_start3A_66] : memref<16x10x9x112xi32, #tpu.memory_space<hbm>> -> memref<1x1x9x112xi32, #tpu.memory_space<hbm>>
          %dma_start3A_68 = tpu.memref_squeeze %dma_start3A_67 : memref<1x1x9x112xi32, #tpu.memory_space<hbm>> -> memref<9x112xi32, #tpu.memory_space<hbm>>
          tpu.enqueue_dma source(%dma_start3A_68 : memref<9x112xi32, #tpu.memory_space<hbm>>) target(%arg10 : memref<9x112xi32, #tpu.memory_space<vmem>>) target_semaphore(%run_scoped3A_60 : memref<!tpu.dma_semaphore, #tpu.memory_space<semaphore_mem>>)
          %dma_wait3A = arith.constant 0 : i32
          %dma_wait3A_69 = arith.constant 0 : i32
          %dma_wait3A_70 = tpu.memref_slice %arg6[%arg1, %add3A_34, %dma_wait3A, %dma_wait3A_69] : memref<16x10x9x112xi32, #tpu.memory_space<hbm>> -> memref<1x1x9x112xi32, #tpu.memory_space<hbm>>
          %dma_wait3A_71 = tpu.memref_squeeze %dma_wait3A_70 : memref<1x1x9x112xi32, #tpu.memory_space<hbm>> -> memref<9x112xi32, #tpu.memory_space<hbm>>
          %dma_wait3A_72 = arith.constant 0 : i32
          %dma_wait3A_73 = arith.constant 0 : i32
          %dma_wait3A_74 = tpu.memref_slice %arg6[%arg1, %add3A_34, %dma_wait3A_72, %dma_wait3A_73] : memref<16x10x9x112xi32, #tpu.memory_space<hbm>> -> memref<1x1x9x112xi32, #tpu.memory_space<hbm>>
          %dma_wait3A_75 = tpu.memref_squeeze %dma_wait3A_74 : memref<1x1x9x112xi32, #tpu.memory_space<hbm>> -> memref<9x112xi32, #tpu.memory_space<hbm>>
          tpu.wait_dma2 semaphore(%run_scoped3A_60 : memref<!tpu.dma_semaphore, #tpu.memory_space<semaphore_mem>>) src(%dma_wait3A_75 : memref<9x112xi32, #tpu.memory_space<hbm>>) dst(%arg10 : memref<9x112xi32, #tpu.memory_space<vmem>>)
          tpu.yield
        }) : () -> ()
        "tpu.region"() ({
          %run_scoped3A_60 = tpu.sem_alloc : memref<!tpu.dma_semaphore, #tpu.memory_space<semaphore_mem>>
          %dma_start3A_61 = arith.constant 0 : i32
          %dma_start3A_62 = arith.constant 0 : i32
          %dma_start3A_63 = tpu.memref_slice %arg7[%arg1, %add3A_34, %dma_start3A_61, %dma_start3A_62] : memref<16x10x9x112xi32, #tpu.memory_space<hbm>> -> memref<1x1x9x112xi32, #tpu.memory_space<hbm>>
          %dma_start3A_64 = tpu.memref_squeeze %dma_start3A_63 : memref<1x1x9x112xi32, #tpu.memory_space<hbm>> -> memref<9x112xi32, #tpu.memory_space<hbm>>
          %dma_start3A_65 = arith.constant 0 : i32
          %dma_start3A_66 = arith.constant 0 : i32
          %dma_start3A_67 = tpu.memref_slice %arg7[%arg1, %add3A_34, %dma_start3A_65, %dma_start3A_66] : memref<16x10x9x112xi32, #tpu.memory_space<hbm>> -> memref<1x1x9x112xi32, #tpu.memory_space<hbm>>
          %dma_start3A_68 = tpu.memref_squeeze %dma_start3A_67 : memref<1x1x9x112xi32, #tpu.memory_space<hbm>> -> memref<9x112xi32, #tpu.memory_space<hbm>>
          tpu.enqueue_dma source(%dma_start3A_68 : memref<9x112xi32, #tpu.memory_space<hbm>>) target(%arg11 : memref<9x112xi32, #tpu.memory_space<vmem>>) target_semaphore(%run_scoped3A_60 : memref<!tpu.dma_semaphore, #tpu.memory_space<semaphore_mem>>)
          %dma_wait3A = arith.constant 0 : i32
          %dma_wait3A_69 = arith.constant 0 : i32
          %dma_wait3A_70 = tpu.memref_slice %arg7[%arg1, %add3A_34, %dma_wait3A, %dma_wait3A_69] : memref<16x10x9x112xi32, #tpu.memory_space<hbm>> -> memref<1x1x9x112xi32, #tpu.memory_space<hbm>>
          %dma_wait3A_71 = tpu.memref_squeeze %dma_wait3A_70 : memref<1x1x9x112xi32, #tpu.memory_space<hbm>> -> memref<9x112xi32, #tpu.memory_space<hbm>>
          %dma_wait3A_72 = arith.constant 0 : i32
          %dma_wait3A_73 = arith.constant 0 : i32
          %dma_wait3A_74 = tpu.memref_slice %arg7[%arg1, %add3A_34, %dma_wait3A_72, %dma_wait3A_73] : memref<16x10x9x112xi32, #tpu.memory_space<hbm>> -> memref<1x1x9x112xi32, #tpu.memory_space<hbm>>
          %dma_wait3A_75 = tpu.memref_squeeze %dma_wait3A_74 : memref<1x1x9x112xi32, #tpu.memory_space<hbm>> -> memref<9x112xi32, #tpu.memory_space<hbm>>
          tpu.wait_dma2 semaphore(%run_scoped3A_60 : memref<!tpu.dma_semaphore, #tpu.memory_space<semaphore_mem>>) src(%dma_wait3A_75 : memref<9x112xi32, #tpu.memory_space<hbm>>) dst(%arg11 : memref<9x112xi32, #tpu.memory_space<vmem>>)
          tpu.yield
        }) : () -> ()
        %dma_start3A = arith.constant 0 : i32
        %dma_start3A_35 = arith.constant 0 : i32
        %dma_start3A_36 = tpu.memref_slice %arg10[%dma_start3A, %dma_start3A_35] : memref<9x112xi32, #tpu.memory_space<vmem>> -> memref<1x112xi32, #tpu.memory_space<vmem>>
        %dma_start3A_37 = tpu.memref_squeeze %dma_start3A_36 : memref<1x112xi32, #tpu.memory_space<vmem>> -> memref<112xi32, #tpu.memory_space<vmem>>
        %dma_start3A_38 = arith.constant 0 : i32
        %dma_start3A_39 = arith.constant 0 : i32
        %dma_start3A_40 = tpu.memref_slice %arg3[%dma_start3A_38, %dma_start3A_39] : memref<10000x128xf32, #tpu.memory_space<hbm>> -> memref<10000x128xf32, #tpu.memory_space<hbm>>
        tpu.enqueue_indirect_dma source(%dma_start3A_40 : memref<10000x128xf32, #tpu.memory_space<hbm>>) target(%arg12 : memref<112x128xf32, #tpu.memory_space<vmem>>) offsets(%dma_start3A_37 : memref<112xi32, #tpu.memory_space<vmem>>) semaphore(%arg16 : memref<!tpu.dma_semaphore, #tpu.memory_space<semaphore_mem>>)
        %dma_start3A_41 = arith.constant 1 : i32
        %dma_start3A_42 = arith.constant 0 : i32
        %dma_start3A_43 = tpu.memref_slice %arg10[%dma_start3A_41, %dma_start3A_42] : memref<9x112xi32, #tpu.memory_space<vmem>> -> memref<1x112xi32, #tpu.memory_space<vmem>>
        %dma_start3A_44 = tpu.memref_squeeze %dma_start3A_43 : memref<1x112xi32, #tpu.memory_space<vmem>> -> memref<112xi32, #tpu.memory_space<vmem>>
        %dma_start3A_45 = arith.constant 0 : i32
        %dma_start3A_46 = arith.constant 0 : i32
        %dma_start3A_47 = tpu.memref_slice %arg3[%dma_start3A_45, %dma_start3A_46] : memref<10000x128xf32, #tpu.memory_space<hbm>> -> memref<10000x128xf32, #tpu.memory_space<hbm>>
        tpu.enqueue_indirect_dma source(%dma_start3A_47 : memref<10000x128xf32, #tpu.memory_space<hbm>>) target(%arg13 : memref<112x128xf32, #tpu.memory_space<vmem>>) offsets(%dma_start3A_44 : memref<112xi32, #tpu.memory_space<vmem>>) semaphore(%arg17 : memref<!tpu.dma_semaphore, #tpu.memory_space<semaphore_mem>>)
        %dma_start3A_48 = arith.constant 2 : i32
        %dma_start3A_49 = arith.constant 0 : i32
        %dma_start3A_50 = tpu.memref_slice %arg10[%dma_start3A_48, %dma_start3A_49] : memref<9x112xi32, #tpu.memory_space<vmem>> -> memref<1x112xi32, #tpu.memory_space<vmem>>
        %dma_start3A_51 = tpu.memref_squeeze %dma_start3A_50 : memref<1x112xi32, #tpu.memory_space<vmem>> -> memref<112xi32, #tpu.memory_space<vmem>>
        %dma_start3A_52 = arith.constant 0 : i32
        %dma_start3A_53 = arith.constant 0 : i32
        %dma_start3A_54 = tpu.memref_slice %arg3[%dma_start3A_52, %dma_start3A_53] : memref<10000x128xf32, #tpu.memory_space<hbm>> -> memref<10000x128xf32, #tpu.memory_space<hbm>>
        tpu.enqueue_indirect_dma source(%dma_start3A_54 : memref<10000x128xf32, #tpu.memory_space<hbm>>) target(%arg14 : memref<112x128xf32, #tpu.memory_space<vmem>>) offsets(%dma_start3A_51 : memref<112xi32, #tpu.memory_space<vmem>>) semaphore(%arg18 : memref<!tpu.dma_semaphore, #tpu.memory_space<semaphore_mem>>)
        %scan3A_55 = arith.constant 0 : i32
        %scan3A_56 = arith.constant 3 : i32
        %scan3A_57 = arith.addi %scan3A_55, %scan3A_56 : i32
        %scan3A_58 = arith.constant 1 : i32
        scf.for %scan3A_60 = %scan3A_55 to %scan3A_57 step %scan3A_58  : i32 {
          %mul3A_61 = arith.constant 3 : i32
          %mul3A_62 = arith.muli %scan3A_60, %mul3A_61 : i32
          %add3A_63 = arith.constant 0 : i32
          %add3A_64 = arith.addi %add3A_63, %mul3A_62 : i32
          %dma_wait3A = arith.constant 0 : i32
          %dma_wait3A_65 = arith.constant 0 : i32
          %dma_wait3A_66 = tpu.memref_slice %arg10[%dma_wait3A, %dma_wait3A_65] : memref<9x112xi32, #tpu.memory_space<vmem>> -> memref<1x112xi32, #tpu.memory_space<vmem>>
          %dma_wait3A_67 = tpu.memref_squeeze %dma_wait3A_66 : memref<1x112xi32, #tpu.memory_space<vmem>> -> memref<112xi32, #tpu.memory_space<vmem>>
          %dma_wait3A_68 = arith.constant 0 : i32
          %dma_wait3A_69 = arith.constant 0 : i32
          %dma_wait3A_70 = tpu.memref_slice %arg3[%dma_wait3A_68, %dma_wait3A_69] : memref<10000x128xf32, #tpu.memory_space<hbm>> -> memref<10000x128xf32, #tpu.memory_space<hbm>>
          tpu.wait_indirect_dma semaphore(%arg16 : memref<!tpu.dma_semaphore, #tpu.memory_space<semaphore_mem>>) src(%dma_wait3A_70 : memref<10000x128xf32, #tpu.memory_space<hbm>>) dst(%arg12 : memref<112x128xf32, #tpu.memory_space<vmem>>)
          %dma_start3A_71 = arith.constant 0 : i32
          %dma_start3A_72 = tpu.memref_slice %arg11[%add3A_64, %dma_start3A_71] : memref<9x112xi32, #tpu.memory_space<vmem>> -> memref<1x112xi32, #tpu.memory_space<vmem>>
          %dma_start3A_73 = tpu.memref_squeeze %dma_start3A_72 : memref<1x112xi32, #tpu.memory_space<vmem>> -> memref<112xi32, #tpu.memory_space<vmem>>
          %dma_start3A_74 = arith.constant 0 : i32
          %dma_start3A_75 = arith.constant 0 : i32
          %dma_start3A_76 = tpu.memref_slice %arg15[%dma_start3A_74, %dma_start3A_75] : memref<10112x128xf32, #tpu.memory_space<vmem_shared>> -> memref<10112x128xf32, #tpu.memory_space<vmem_shared>>
          tpu.enqueue_indirect_dma source(%arg12 : memref<112x128xf32, #tpu.memory_space<vmem>>) target(%dma_start3A_76 : memref<10112x128xf32, #tpu.memory_space<vmem_shared>>) offsets(%dma_start3A_73 : memref<112xi32, #tpu.memory_space<vmem>>) semaphore(%arg19 : memref<!tpu.dma_semaphore, #tpu.memory_space<semaphore_mem>>) {add = true}
          %dma_wait3A_77 = arith.constant 1 : i32
          %dma_wait3A_78 = arith.constant 0 : i32
          %dma_wait3A_79 = tpu.memref_slice %arg10[%dma_wait3A_77, %dma_wait3A_78] : memref<9x112xi32, #tpu.memory_space<vmem>> -> memref<1x112xi32, #tpu.memory_space<vmem>>
          %dma_wait3A_80 = tpu.memref_squeeze %dma_wait3A_79 : memref<1x112xi32, #tpu.memory_space<vmem>> -> memref<112xi32, #tpu.memory_space<vmem>>
          %dma_wait3A_81 = arith.constant 0 : i32
          %dma_wait3A_82 = arith.constant 0 : i32
          %dma_wait3A_83 = tpu.memref_slice %arg3[%dma_wait3A_81, %dma_wait3A_82] : memref<10000x128xf32, #tpu.memory_space<hbm>> -> memref<10000x128xf32, #tpu.memory_space<hbm>>
          tpu.wait_indirect_dma semaphore(%arg17 : memref<!tpu.dma_semaphore, #tpu.memory_space<semaphore_mem>>) src(%dma_wait3A_83 : memref<10000x128xf32, #tpu.memory_space<hbm>>) dst(%arg13 : memref<112x128xf32, #tpu.memory_space<vmem>>)
          %add3A_84 = arith.constant 1 : i32
          %add3A_85 = arith.addi %add3A_64, %add3A_84 : i32
          %dma_start3A_86 = arith.constant 0 : i32
          %dma_start3A_87 = tpu.memref_slice %arg11[%add3A_85, %dma_start3A_86] : memref<9x112xi32, #tpu.memory_space<vmem>> -> memref<1x112xi32, #tpu.memory_space<vmem>>
          %dma_start3A_88 = tpu.memref_squeeze %dma_start3A_87 : memref<1x112xi32, #tpu.memory_space<vmem>> -> memref<112xi32, #tpu.memory_space<vmem>>
          %dma_start3A_89 = arith.constant 0 : i32
          %dma_start3A_90 = arith.constant 0 : i32
          %dma_start3A_91 = tpu.memref_slice %arg15[%dma_start3A_89, %dma_start3A_90] : memref<10112x128xf32, #tpu.memory_space<vmem_shared>> -> memref<10112x128xf32, #tpu.memory_space<vmem_shared>>
          tpu.enqueue_indirect_dma source(%arg13 : memref<112x128xf32, #tpu.memory_space<vmem>>) target(%dma_start3A_91 : memref<10112x128xf32, #tpu.memory_space<vmem_shared>>) offsets(%dma_start3A_88 : memref<112xi32, #tpu.memory_space<vmem>>) semaphore(%arg20 : memref<!tpu.dma_semaphore, #tpu.memory_space<semaphore_mem>>) {add = true}
          %dma_wait3A_92 = arith.constant 2 : i32
          %dma_wait3A_93 = arith.constant 0 : i32
          %dma_wait3A_94 = tpu.memref_slice %arg10[%dma_wait3A_92, %dma_wait3A_93] : memref<9x112xi32, #tpu.memory_space<vmem>> -> memref<1x112xi32, #tpu.memory_space<vmem>>
          %dma_wait3A_95 = tpu.memref_squeeze %dma_wait3A_94 : memref<1x112xi32, #tpu.memory_space<vmem>> -> memref<112xi32, #tpu.memory_space<vmem>>
          %dma_wait3A_96 = arith.constant 0 : i32
          %dma_wait3A_97 = arith.constant 0 : i32
          %dma_wait3A_98 = tpu.memref_slice %arg3[%dma_wait3A_96, %dma_wait3A_97] : memref<10000x128xf32, #tpu.memory_space<hbm>> -> memref<10000x128xf32, #tpu.memory_space<hbm>>
          tpu.wait_indirect_dma semaphore(%arg18 : memref<!tpu.dma_semaphore, #tpu.memory_space<semaphore_mem>>) src(%dma_wait3A_98 : memref<10000x128xf32, #tpu.memory_space<hbm>>) dst(%arg14 : memref<112x128xf32, #tpu.memory_space<vmem>>)
          %add3A_99 = arith.constant 2 : i32
          %add3A_100 = arith.addi %add3A_64, %add3A_99 : i32
          %dma_start3A_101 = arith.constant 0 : i32
          %dma_start3A_102 = tpu.memref_slice %arg11[%add3A_100, %dma_start3A_101] : memref<9x112xi32, #tpu.memory_space<vmem>> -> memref<1x112xi32, #tpu.memory_space<vmem>>
          %dma_start3A_103 = tpu.memref_squeeze %dma_start3A_102 : memref<1x112xi32, #tpu.memory_space<vmem>> -> memref<112xi32, #tpu.memory_space<vmem>>
          %dma_start3A_104 = arith.constant 0 : i32
          %dma_start3A_105 = arith.constant 0 : i32
          %dma_start3A_106 = tpu.memref_slice %arg15[%dma_start3A_104, %dma_start3A_105] : memref<10112x128xf32, #tpu.memory_space<vmem_shared>> -> memref<10112x128xf32, #tpu.memory_space<vmem_shared>>
          tpu.enqueue_indirect_dma source(%arg14 : memref<112x128xf32, #tpu.memory_space<vmem>>) target(%dma_start3A_106 : memref<10112x128xf32, #tpu.memory_space<vmem_shared>>) offsets(%dma_start3A_103 : memref<112xi32, #tpu.memory_space<vmem>>) semaphore(%arg21 : memref<!tpu.dma_semaphore, #tpu.memory_space<semaphore_mem>>) {add = true}
          %dma_wait3A_107 = arith.constant 0 : i32
          %dma_wait3A_108 = tpu.memref_slice %arg11[%add3A_64, %dma_wait3A_107] : memref<9x112xi32, #tpu.memory_space<vmem>> -> memref<1x112xi32, #tpu.memory_space<vmem>>
          %dma_wait3A_109 = tpu.memref_squeeze %dma_wait3A_108 : memref<1x112xi32, #tpu.memory_space<vmem>> -> memref<112xi32, #tpu.memory_space<vmem>>
          %dma_wait3A_110 = arith.constant 0 : i32
          %dma_wait3A_111 = arith.constant 0 : i32
          %dma_wait3A_112 = tpu.memref_slice %arg15[%dma_wait3A_110, %dma_wait3A_111] : memref<10112x128xf32, #tpu.memory_space<vmem_shared>> -> memref<10112x128xf32, #tpu.memory_space<vmem_shared>>
          tpu.wait_indirect_dma semaphore(%arg19 : memref<!tpu.dma_semaphore, #tpu.memory_space<semaphore_mem>>) src(%arg12 : memref<112x128xf32, #tpu.memory_space<vmem>>) dst(%dma_wait3A_112 : memref<10112x128xf32, #tpu.memory_space<vmem_shared>>)
          %add3A_113 = arith.constant 3 : i32
          %add3A_114 = arith.addi %add3A_64, %add3A_113 : i32
          %lt3A = arith.constant 9 : i32
          %lt3A_115 = arith.cmpi slt, %add3A_114, %lt3A : i32
          %convert_element_type3A_116 = arith.extui %lt3A_115 : i1 to i32
          %cond3A_117 = arith.constant 0 : i32
          %cond3A_118 = arith.cmpi ne, %convert_element_type3A_116, %cond3A_117 : i32
          scf.if %cond3A_118 {
            %add3A_145 = arith.constant 3 : i32
            %add3A_146 = arith.addi %add3A_64, %add3A_145 : i32
            %dma_start3A_147 = arith.constant 0 : i32
            %dma_start3A_148 = tpu.memref_slice %arg10[%add3A_146, %dma_start3A_147] : memref<9x112xi32, #tpu.memory_space<vmem>> -> memref<1x112xi32, #tpu.memory_space<vmem>>
            %dma_start3A_149 = tpu.memref_squeeze %dma_start3A_148 : memref<1x112xi32, #tpu.memory_space<vmem>> -> memref<112xi32, #tpu.memory_space<vmem>>
            %dma_start3A_150 = arith.constant 0 : i32
            %dma_start3A_151 = arith.constant 0 : i32
            %dma_start3A_152 = tpu.memref_slice %arg3[%dma_start3A_150, %dma_start3A_151] : memref<10000x128xf32, #tpu.memory_space<hbm>> -> memref<10000x128xf32, #tpu.memory_space<hbm>>
            tpu.enqueue_indirect_dma source(%dma_start3A_152 : memref<10000x128xf32, #tpu.memory_space<hbm>>) target(%arg12 : memref<112x128xf32, #tpu.memory_space<vmem>>) offsets(%dma_start3A_149 : memref<112xi32, #tpu.memory_space<vmem>>) semaphore(%arg16 : memref<!tpu.dma_semaphore, #tpu.memory_space<semaphore_mem>>)
          } else {
          }
          %dma_wait3A_119 = arith.constant 0 : i32
          %dma_wait3A_120 = tpu.memref_slice %arg11[%add3A_85, %dma_wait3A_119] : memref<9x112xi32, #tpu.memory_space<vmem>> -> memref<1x112xi32, #tpu.memory_space<vmem>>
          %dma_wait3A_121 = tpu.memref_squeeze %dma_wait3A_120 : memref<1x112xi32, #tpu.memory_space<vmem>> -> memref<112xi32, #tpu.memory_space<vmem>>
          %dma_wait3A_122 = arith.constant 0 : i32
          %dma_wait3A_123 = arith.constant 0 : i32
          %dma_wait3A_124 = tpu.memref_slice %arg15[%dma_wait3A_122, %dma_wait3A_123] : memref<10112x128xf32, #tpu.memory_space<vmem_shared>> -> memref<10112x128xf32, #tpu.memory_space<vmem_shared>>
          tpu.wait_indirect_dma semaphore(%arg20 : memref<!tpu.dma_semaphore, #tpu.memory_space<semaphore_mem>>) src(%arg13 : memref<112x128xf32, #tpu.memory_space<vmem>>) dst(%dma_wait3A_124 : memref<10112x128xf32, #tpu.memory_space<vmem_shared>>)
          %add3A_125 = arith.constant 4 : i32
          %add3A_126 = arith.addi %add3A_64, %add3A_125 : i32
          %lt3A_127 = arith.constant 9 : i32
          %lt3A_128 = arith.cmpi slt, %add3A_126, %lt3A_127 : i32
          %convert_element_type3A_129 = arith.extui %lt3A_128 : i1 to i32
          %cond3A_130 = arith.constant 0 : i32
          %cond3A_131 = arith.cmpi ne, %convert_element_type3A_129, %cond3A_130 : i32
          scf.if %cond3A_131 {
            %add3A_145 = arith.constant 4 : i32
            %add3A_146 = arith.addi %add3A_64, %add3A_145 : i32
            %dma_start3A_147 = arith.constant 0 : i32
            %dma_start3A_148 = tpu.memref_slice %arg10[%add3A_146, %dma_start3A_147] : memref<9x112xi32, #tpu.memory_space<vmem>> -> memref<1x112xi32, #tpu.memory_space<vmem>>
            %dma_start3A_149 = tpu.memref_squeeze %dma_start3A_148 : memref<1x112xi32, #tpu.memory_space<vmem>> -> memref<112xi32, #tpu.memory_space<vmem>>
            %dma_start3A_150 = arith.constant 0 : i32
            %dma_start3A_151 = arith.constant 0 : i32
            %dma_start3A_152 = tpu.memref_slice %arg3[%dma_start3A_150, %dma_start3A_151] : memref<10000x128xf32, #tpu.memory_space<hbm>> -> memref<10000x128xf32, #tpu.memory_space<hbm>>
            tpu.enqueue_indirect_dma source(%dma_start3A_152 : memref<10000x128xf32, #tpu.memory_space<hbm>>) target(%arg13 : memref<112x128xf32, #tpu.memory_space<vmem>>) offsets(%dma_start3A_149 : memref<112xi32, #tpu.memory_space<vmem>>) semaphore(%arg17 : memref<!tpu.dma_semaphore, #tpu.memory_space<semaphore_mem>>)
          } else {
          }
          %dma_wait3A_132 = arith.constant 0 : i32
          %dma_wait3A_133 = tpu.memref_slice %arg11[%add3A_100, %dma_wait3A_132] : memref<9x112xi32, #tpu.memory_space<vmem>> -> memref<1x112xi32, #tpu.memory_space<vmem>>
          %dma_wait3A_134 = tpu.memref_squeeze %dma_wait3A_133 : memref<1x112xi32, #tpu.memory_space<vmem>> -> memref<112xi32, #tpu.memory_space<vmem>>
          %dma_wait3A_135 = arith.constant 0 : i32
          %dma_wait3A_136 = arith.constant 0 : i32
          %dma_wait3A_137 = tpu.memref_slice %arg15[%dma_wait3A_135, %dma_wait3A_136] : memref<10112x128xf32, #tpu.memory_space<vmem_shared>> -> memref<10112x128xf32, #tpu.memory_space<vmem_shared>>
          tpu.wait_indirect_dma semaphore(%arg21 : memref<!tpu.dma_semaphore, #tpu.memory_space<semaphore_mem>>) src(%arg14 : memref<112x128xf32, #tpu.memory_space<vmem>>) dst(%dma_wait3A_137 : memref<10112x128xf32, #tpu.memory_space<vmem_shared>>)
          %add3A_138 = arith.constant 5 : i32
          %add3A_139 = arith.addi %add3A_64, %add3A_138 : i32
          %lt3A_140 = arith.constant 9 : i32
          %lt3A_141 = arith.cmpi slt, %add3A_139, %lt3A_140 : i32
          %convert_element_type3A_142 = arith.extui %lt3A_141 : i1 to i32
          %cond3A_143 = arith.constant 0 : i32
          %cond3A_144 = arith.cmpi ne, %convert_element_type3A_142, %cond3A_143 : i32
          scf.if %cond3A_144 {
            %add3A_145 = arith.constant 5 : i32
            %add3A_146 = arith.addi %add3A_64, %add3A_145 : i32
            %dma_start3A_147 = arith.constant 0 : i32
            %dma_start3A_148 = tpu.memref_slice %arg10[%add3A_146, %dma_start3A_147] : memref<9x112xi32, #tpu.memory_space<vmem>> -> memref<1x112xi32, #tpu.memory_space<vmem>>
            %dma_start3A_149 = tpu.memref_squeeze %dma_start3A_148 : memref<1x112xi32, #tpu.memory_space<vmem>> -> memref<112xi32, #tpu.memory_space<vmem>>
            %dma_start3A_150 = arith.constant 0 : i32
            %dma_start3A_151 = arith.constant 0 : i32
            %dma_start3A_152 = tpu.memref_slice %arg3[%dma_start3A_150, %dma_start3A_151] : memref<10000x128xf32, #tpu.memory_space<hbm>> -> memref<10000x128xf32, #tpu.memory_space<hbm>>
            tpu.enqueue_indirect_dma source(%dma_start3A_152 : memref<10000x128xf32, #tpu.memory_space<hbm>>) target(%arg14 : memref<112x128xf32, #tpu.memory_space<vmem>>) offsets(%dma_start3A_149 : memref<112xi32, #tpu.memory_space<vmem>>) semaphore(%arg18 : memref<!tpu.dma_semaphore, #tpu.memory_space<semaphore_mem>>)
          } else {
          }
        }
        %scan3A_59 = arith.constant 3 : i32
      }
      %scan3A_11 = arith.constant 10 : i32
      %barrier3A_12 = arith.constant 0 : index
      tpu.barrier barrier_id(%barrier3A_12)
      %mul3A_13 = arith.constant 632 : i32
      %mul3A_14 = arith.muli %arg1, %mul3A_13 : i32
      %mul3A_15 = arith.constant 632 : i32
      %mul3A_16 = arith.muli %arg1, %mul3A_15 : i32
      %run_scoped3A = arith.constant 1 : i32
      "tpu.region"() ({
        %run_scoped3A_31 = tpu.sem_alloc : memref<!tpu.dma_semaphore, #tpu.memory_space<semaphore_mem>>
        %dma_start3A = arith.constant 0 : i32
        %dma_start3A_32 = arith.constant 0 : i32
        %dma_start3A_33 = tpu.memref_slice %arg9[%run_scoped3A, %dma_start3A, %dma_start3A_32] : memref<4x10112x128xf32, #tpu.memory_space<hbm>> -> memref<1x10112x128xf32, #tpu.memory_space<hbm>>
        %dma_start3A_34 = tpu.memref_squeeze %dma_start3A_33 : memref<1x10112x128xf32, #tpu.memory_space<hbm>> -> memref<10112x128xf32, #tpu.memory_space<hbm>>
        %dma_start3A_35 = arith.constant 0 : i32
        %dma_start3A_36 = tpu.memref_slice %dma_start3A_34[%mul3A_16, %dma_start3A_35] : memref<10112x128xf32, #tpu.memory_space<hbm>> -> memref<632x128xf32, #tpu.memory_space<hbm>>
        %dma_start3A_37 = arith.constant 0 : i32
        %dma_start3A_38 = tpu.memref_slice %arg15[%mul3A_14, %dma_start3A_37] : memref<10112x128xf32, #tpu.memory_space<vmem_shared>> -> memref<632x128xf32, #tpu.memory_space<vmem_shared>>
        tpu.enqueue_dma source(%dma_start3A_38 : memref<632x128xf32, #tpu.memory_space<vmem_shared>>) target(%dma_start3A_36 : memref<632x128xf32, #tpu.memory_space<hbm>>) target_semaphore(%run_scoped3A_31 : memref<!tpu.dma_semaphore, #tpu.memory_space<semaphore_mem>>)
        %dma_wait3A = arith.constant 0 : i32
        %dma_wait3A_39 = arith.constant 0 : i32
        %dma_wait3A_40 = tpu.memref_slice %arg9[%run_scoped3A, %dma_wait3A, %dma_wait3A_39] : memref<4x10112x128xf32, #tpu.memory_space<hbm>> -> memref<1x10112x128xf32, #tpu.memory_space<hbm>>
        %dma_wait3A_41 = tpu.memref_squeeze %dma_wait3A_40 : memref<1x10112x128xf32, #tpu.memory_space<hbm>> -> memref<10112x128xf32, #tpu.memory_space<hbm>>
        %dma_wait3A_42 = arith.constant 0 : i32
        %dma_wait3A_43 = tpu.memref_slice %dma_wait3A_41[%mul3A_16, %dma_wait3A_42] : memref<10112x128xf32, #tpu.memory_space<hbm>> -> memref<632x128xf32, #tpu.memory_space<hbm>>
        %dma_wait3A_44 = arith.constant 0 : i32
        %dma_wait3A_45 = tpu.memref_slice %arg15[%mul3A_14, %dma_wait3A_44] : memref<10112x128xf32, #tpu.memory_space<vmem_shared>> -> memref<632x128xf32, #tpu.memory_space<vmem_shared>>
        tpu.wait_dma2 semaphore(%run_scoped3A_31 : memref<!tpu.dma_semaphore, #tpu.memory_space<semaphore_mem>>) src(%dma_wait3A_45 : memref<632x128xf32, #tpu.memory_space<vmem_shared>>) dst(%dma_wait3A_43 : memref<632x128xf32, #tpu.memory_space<hbm>>)
        tpu.yield
      }) : () -> ()
      %mul3A_17 = arith.constant 632 : i32
      %mul3A_18 = arith.muli %arg1, %mul3A_17 : i32
      "tpu.region"() ({
        %run_scoped3A_31 = tpu.sem_alloc : memref<!tpu.dma_semaphore, #tpu.memory_space<semaphore_mem>>
        %dma_start3A = arith.constant 0 : i32
        %dma_start3A_32 = tpu.memref_slice %arg15[%mul3A_18, %dma_start3A] : memref<10112x128xf32, #tpu.memory_space<vmem_shared>> -> memref<632x128xf32, #tpu.memory_space<vmem_shared>>
        tpu.enqueue_dma source(%arg8 : memref<632x128xf32, #tpu.memory_space<hbm>>) target(%dma_start3A_32 : memref<632x128xf32, #tpu.memory_space<vmem_shared>>) target_semaphore(%run_scoped3A_31 : memref<!tpu.dma_semaphore, #tpu.memory_space<semaphore_mem>>)
        %dma_wait3A = arith.constant 0 : i32
        %dma_wait3A_33 = tpu.memref_slice %arg15[%mul3A_18, %dma_wait3A] : memref<10112x128xf32, #tpu.memory_space<vmem_shared>> -> memref<632x128xf32, #tpu.memory_space<vmem_shared>>
        tpu.wait_dma2 semaphore(%run_scoped3A_31 : memref<!tpu.dma_semaphore, #tpu.memory_space<semaphore_mem>>) src(%arg8 : memref<632x128xf32, #tpu.memory_space<hbm>>) dst(%dma_wait3A_33 : memref<632x128xf32, #tpu.memory_space<vmem_shared>>)
        tpu.yield
      }) : () -> ()
      %barrier3A_19 = arith.constant 0 : index
      tpu.barrier barrier_id(%barrier3A_19)
      %scan3A_20 = arith.constant 0 : i32
      %scan3A_21 = arith.constant 10 : i32
      %scan3A_22 = arith.addi %scan3A_20, %scan3A_21 : i32
      %scan3A_23 = arith.constant 1 : i32
      scf.for %scan3A_31 = %scan3A_20 to %scan3A_22 step %scan3A_23  : i32 {
        %mul3A_32 = arith.constant 1 : i32
        %mul3A_33 = arith.muli %scan3A_31, %mul3A_32 : i32
        %add3A = arith.constant 0 : i32
        %add3A_34 = arith.addi %add3A, %mul3A_33 : i32
        "tpu.region"() ({
          %run_scoped3A_60 = tpu.sem_alloc : memref<!tpu.dma_semaphore, #tpu.memory_space<semaphore_mem>>
          %dma_start3A_61 = arith.constant 0 : i32
          %dma_start3A_62 = arith.constant 0 : i32
          %dma_start3A_63 = tpu.memref_slice %arg6[%arg1, %add3A_34, %dma_start3A_61, %dma_start3A_62] : memref<16x10x9x112xi32, #tpu.memory_space<hbm>> -> memref<1x1x9x112xi32, #tpu.memory_space<hbm>>
          %dma_start3A_64 = tpu.memref_squeeze %dma_start3A_63 : memref<1x1x9x112xi32, #tpu.memory_space<hbm>> -> memref<9x112xi32, #tpu.memory_space<hbm>>
          %dma_start3A_65 = arith.constant 0 : i32
          %dma_start3A_66 = arith.constant 0 : i32
          %dma_start3A_67 = tpu.memref_slice %arg6[%arg1, %add3A_34, %dma_start3A_65, %dma_start3A_66] : memref<16x10x9x112xi32, #tpu.memory_space<hbm>> -> memref<1x1x9x112xi32, #tpu.memory_space<hbm>>
          %dma_start3A_68 = tpu.memref_squeeze %dma_start3A_67 : memref<1x1x9x112xi32, #tpu.memory_space<hbm>> -> memref<9x112xi32, #tpu.memory_space<hbm>>
          tpu.enqueue_dma source(%dma_start3A_68 : memref<9x112xi32, #tpu.memory_space<hbm>>) target(%arg10 : memref<9x112xi32, #tpu.memory_space<vmem>>) target_semaphore(%run_scoped3A_60 : memref<!tpu.dma_semaphore, #tpu.memory_space<semaphore_mem>>)
          %dma_wait3A = arith.constant 0 : i32
          %dma_wait3A_69 = arith.constant 0 : i32
          %dma_wait3A_70 = tpu.memref_slice %arg6[%arg1, %add3A_34, %dma_wait3A, %dma_wait3A_69] : memref<16x10x9x112xi32, #tpu.memory_space<hbm>> -> memref<1x1x9x112xi32, #tpu.memory_space<hbm>>
          %dma_wait3A_71 = tpu.memref_squeeze %dma_wait3A_70 : memref<1x1x9x112xi32, #tpu.memory_space<hbm>> -> memref<9x112xi32, #tpu.memory_space<hbm>>
          %dma_wait3A_72 = arith.constant 0 : i32
          %dma_wait3A_73 = arith.constant 0 : i32
          %dma_wait3A_74 = tpu.memref_slice %arg6[%arg1, %add3A_34, %dma_wait3A_72, %dma_wait3A_73] : memref<16x10x9x112xi32, #tpu.memory_space<hbm>> -> memref<1x1x9x112xi32, #tpu.memory_space<hbm>>
          %dma_wait3A_75 = tpu.memref_squeeze %dma_wait3A_74 : memref<1x1x9x112xi32, #tpu.memory_space<hbm>> -> memref<9x112xi32, #tpu.memory_space<hbm>>
          tpu.wait_dma2 semaphore(%run_scoped3A_60 : memref<!tpu.dma_semaphore, #tpu.memory_space<semaphore_mem>>) src(%dma_wait3A_75 : memref<9x112xi32, #tpu.memory_space<hbm>>) dst(%arg10 : memref<9x112xi32, #tpu.memory_space<vmem>>)
          tpu.yield
        }) : () -> ()
        "tpu.region"() ({
          %run_scoped3A_60 = tpu.sem_alloc : memref<!tpu.dma_semaphore, #tpu.memory_space<semaphore_mem>>
          %dma_start3A_61 = arith.constant 0 : i32
          %dma_start3A_62 = arith.constant 0 : i32
          %dma_start3A_63 = tpu.memref_slice %arg7[%arg1, %add3A_34, %dma_start3A_61, %dma_start3A_62] : memref<16x10x9x112xi32, #tpu.memory_space<hbm>> -> memref<1x1x9x112xi32, #tpu.memory_space<hbm>>
          %dma_start3A_64 = tpu.memref_squeeze %dma_start3A_63 : memref<1x1x9x112xi32, #tpu.memory_space<hbm>> -> memref<9x112xi32, #tpu.memory_space<hbm>>
          %dma_start3A_65 = arith.constant 0 : i32
          %dma_start3A_66 = arith.constant 0 : i32
          %dma_start3A_67 = tpu.memref_slice %arg7[%arg1, %add3A_34, %dma_start3A_65, %dma_start3A_66] : memref<16x10x9x112xi32, #tpu.memory_space<hbm>> -> memref<1x1x9x112xi32, #tpu.memory_space<hbm>>
          %dma_start3A_68 = tpu.memref_squeeze %dma_start3A_67 : memref<1x1x9x112xi32, #tpu.memory_space<hbm>> -> memref<9x112xi32, #tpu.memory_space<hbm>>
          tpu.enqueue_dma source(%dma_start3A_68 : memref<9x112xi32, #tpu.memory_space<hbm>>) target(%arg11 : memref<9x112xi32, #tpu.memory_space<vmem>>) target_semaphore(%run_scoped3A_60 : memref<!tpu.dma_semaphore, #tpu.memory_space<semaphore_mem>>)
          %dma_wait3A = arith.constant 0 : i32
          %dma_wait3A_69 = arith.constant 0 : i32
          %dma_wait3A_70 = tpu.memref_slice %arg7[%arg1, %add3A_34, %dma_wait3A, %dma_wait3A_69] : memref<16x10x9x112xi32, #tpu.memory_space<hbm>> -> memref<1x1x9x112xi32, #tpu.memory_space<hbm>>
          %dma_wait3A_71 = tpu.memref_squeeze %dma_wait3A_70 : memref<1x1x9x112xi32, #tpu.memory_space<hbm>> -> memref<9x112xi32, #tpu.memory_space<hbm>>
          %dma_wait3A_72 = arith.constant 0 : i32
          %dma_wait3A_73 = arith.constant 0 : i32
          %dma_wait3A_74 = tpu.memref_slice %arg7[%arg1, %add3A_34, %dma_wait3A_72, %dma_wait3A_73] : memref<16x10x9x112xi32, #tpu.memory_space<hbm>> -> memref<1x1x9x112xi32, #tpu.memory_space<hbm>>
          %dma_wait3A_75 = tpu.memref_squeeze %dma_wait3A_74 : memref<1x1x9x112xi32, #tpu.memory_space<hbm>> -> memref<9x112xi32, #tpu.memory_space<hbm>>
          tpu.wait_dma2 semaphore(%run_scoped3A_60 : memref<!tpu.dma_semaphore, #tpu.memory_space<semaphore_mem>>) src(%dma_wait3A_75 : memref<9x112xi32, #tpu.memory_space<hbm>>) dst(%arg11 : memref<9x112xi32, #tpu.memory_space<vmem>>)
          tpu.yield
        }) : () -> ()
        %dma_start3A = arith.constant 0 : i32
        %dma_start3A_35 = arith.constant 0 : i32
        %dma_start3A_36 = tpu.memref_slice %arg10[%dma_start3A, %dma_start3A_35] : memref<9x112xi32, #tpu.memory_space<vmem>> -> memref<1x112xi32, #tpu.memory_space<vmem>>
        %dma_start3A_37 = tpu.memref_squeeze %dma_start3A_36 : memref<1x112xi32, #tpu.memory_space<vmem>> -> memref<112xi32, #tpu.memory_space<vmem>>
        %dma_start3A_38 = arith.constant 0 : i32
        %dma_start3A_39 = arith.constant 0 : i32
        %dma_start3A_40 = tpu.memref_slice %arg5[%dma_start3A_38, %dma_start3A_39] : memref<10000x128xf32, #tpu.memory_space<hbm>> -> memref<10000x128xf32, #tpu.memory_space<hbm>>
        tpu.enqueue_indirect_dma source(%dma_start3A_40 : memref<10000x128xf32, #tpu.memory_space<hbm>>) target(%arg12 : memref<112x128xf32, #tpu.memory_space<vmem>>) offsets(%dma_start3A_37 : memref<112xi32, #tpu.memory_space<vmem>>) semaphore(%arg16 : memref<!tpu.dma_semaphore, #tpu.memory_space<semaphore_mem>>)
        %dma_start3A_41 = arith.constant 1 : i32
        %dma_start3A_42 = arith.constant 0 : i32
        %dma_start3A_43 = tpu.memref_slice %arg10[%dma_start3A_41, %dma_start3A_42] : memref<9x112xi32, #tpu.memory_space<vmem>> -> memref<1x112xi32, #tpu.memory_space<vmem>>
        %dma_start3A_44 = tpu.memref_squeeze %dma_start3A_43 : memref<1x112xi32, #tpu.memory_space<vmem>> -> memref<112xi32, #tpu.memory_space<vmem>>
        %dma_start3A_45 = arith.constant 0 : i32
        %dma_start3A_46 = arith.constant 0 : i32
        %dma_start3A_47 = tpu.memref_slice %arg5[%dma_start3A_45, %dma_start3A_46] : memref<10000x128xf32, #tpu.memory_space<hbm>> -> memref<10000x128xf32, #tpu.memory_space<hbm>>
        tpu.enqueue_indirect_dma source(%dma_start3A_47 : memref<10000x128xf32, #tpu.memory_space<hbm>>) target(%arg13 : memref<112x128xf32, #tpu.memory_space<vmem>>) offsets(%dma_start3A_44 : memref<112xi32, #tpu.memory_space<vmem>>) semaphore(%arg17 : memref<!tpu.dma_semaphore, #tpu.memory_space<semaphore_mem>>)
        %dma_start3A_48 = arith.constant 2 : i32
        %dma_start3A_49 = arith.constant 0 : i32
        %dma_start3A_50 = tpu.memref_slice %arg10[%dma_start3A_48, %dma_start3A_49] : memref<9x112xi32, #tpu.memory_space<vmem>> -> memref<1x112xi32, #tpu.memory_space<vmem>>
        %dma_start3A_51 = tpu.memref_squeeze %dma_start3A_50 : memref<1x112xi32, #tpu.memory_space<vmem>> -> memref<112xi32, #tpu.memory_space<vmem>>
        %dma_start3A_52 = arith.constant 0 : i32
        %dma_start3A_53 = arith.constant 0 : i32
        %dma_start3A_54 = tpu.memref_slice %arg5[%dma_start3A_52, %dma_start3A_53] : memref<10000x128xf32, #tpu.memory_space<hbm>> -> memref<10000x128xf32, #tpu.memory_space<hbm>>
        tpu.enqueue_indirect_dma source(%dma_start3A_54 : memref<10000x128xf32, #tpu.memory_space<hbm>>) target(%arg14 : memref<112x128xf32, #tpu.memory_space<vmem>>) offsets(%dma_start3A_51 : memref<112xi32, #tpu.memory_space<vmem>>) semaphore(%arg18 : memref<!tpu.dma_semaphore, #tpu.memory_space<semaphore_mem>>)
        %scan3A_55 = arith.constant 0 : i32
        %scan3A_56 = arith.constant 3 : i32
        %scan3A_57 = arith.addi %scan3A_55, %scan3A_56 : i32
        %scan3A_58 = arith.constant 1 : i32
        scf.for %scan3A_60 = %scan3A_55 to %scan3A_57 step %scan3A_58  : i32 {
          %mul3A_61 = arith.constant 3 : i32
          %mul3A_62 = arith.muli %scan3A_60, %mul3A_61 : i32
          %add3A_63 = arith.constant 0 : i32
          %add3A_64 = arith.addi %add3A_63, %mul3A_62 : i32
          %dma_wait3A = arith.constant 0 : i32
          %dma_wait3A_65 = arith.constant 0 : i32
          %dma_wait3A_66 = tpu.memref_slice %arg10[%dma_wait3A, %dma_wait3A_65] : memref<9x112xi32, #tpu.memory_space<vmem>> -> memref<1x112xi32, #tpu.memory_space<vmem>>
          %dma_wait3A_67 = tpu.memref_squeeze %dma_wait3A_66 : memref<1x112xi32, #tpu.memory_space<vmem>> -> memref<112xi32, #tpu.memory_space<vmem>>
          %dma_wait3A_68 = arith.constant 0 : i32
          %dma_wait3A_69 = arith.constant 0 : i32
          %dma_wait3A_70 = tpu.memref_slice %arg5[%dma_wait3A_68, %dma_wait3A_69] : memref<10000x128xf32, #tpu.memory_space<hbm>> -> memref<10000x128xf32, #tpu.memory_space<hbm>>
          tpu.wait_indirect_dma semaphore(%arg16 : memref<!tpu.dma_semaphore, #tpu.memory_space<semaphore_mem>>) src(%dma_wait3A_70 : memref<10000x128xf32, #tpu.memory_space<hbm>>) dst(%arg12 : memref<112x128xf32, #tpu.memory_space<vmem>>)
          %dma_start3A_71 = arith.constant 0 : i32
          %dma_start3A_72 = tpu.memref_slice %arg11[%add3A_64, %dma_start3A_71] : memref<9x112xi32, #tpu.memory_space<vmem>> -> memref<1x112xi32, #tpu.memory_space<vmem>>
          %dma_start3A_73 = tpu.memref_squeeze %dma_start3A_72 : memref<1x112xi32, #tpu.memory_space<vmem>> -> memref<112xi32, #tpu.memory_space<vmem>>
          %dma_start3A_74 = arith.constant 0 : i32
          %dma_start3A_75 = arith.constant 0 : i32
          %dma_start3A_76 = tpu.memref_slice %arg15[%dma_start3A_74, %dma_start3A_75] : memref<10112x128xf32, #tpu.memory_space<vmem_shared>> -> memref<10112x128xf32, #tpu.memory_space<vmem_shared>>
          tpu.enqueue_indirect_dma source(%arg12 : memref<112x128xf32, #tpu.memory_space<vmem>>) target(%dma_start3A_76 : memref<10112x128xf32, #tpu.memory_space<vmem_shared>>) offsets(%dma_start3A_73 : memref<112xi32, #tpu.memory_space<vmem>>) semaphore(%arg19 : memref<!tpu.dma_semaphore, #tpu.memory_space<semaphore_mem>>) {add = true}
          %dma_wait3A_77 = arith.constant 1 : i32
          %dma_wait3A_78 = arith.constant 0 : i32
          %dma_wait3A_79 = tpu.memref_slice %arg10[%dma_wait3A_77, %dma_wait3A_78] : memref<9x112xi32, #tpu.memory_space<vmem>> -> memref<1x112xi32, #tpu.memory_space<vmem>>
          %dma_wait3A_80 = tpu.memref_squeeze %dma_wait3A_79 : memref<1x112xi32, #tpu.memory_space<vmem>> -> memref<112xi32, #tpu.memory_space<vmem>>
          %dma_wait3A_81 = arith.constant 0 : i32
          %dma_wait3A_82 = arith.constant 0 : i32
          %dma_wait3A_83 = tpu.memref_slice %arg5[%dma_wait3A_81, %dma_wait3A_82] : memref<10000x128xf32, #tpu.memory_space<hbm>> -> memref<10000x128xf32, #tpu.memory_space<hbm>>
          tpu.wait_indirect_dma semaphore(%arg17 : memref<!tpu.dma_semaphore, #tpu.memory_space<semaphore_mem>>) src(%dma_wait3A_83 : memref<10000x128xf32, #tpu.memory_space<hbm>>) dst(%arg13 : memref<112x128xf32, #tpu.memory_space<vmem>>)
          %add3A_84 = arith.constant 1 : i32
          %add3A_85 = arith.addi %add3A_64, %add3A_84 : i32
          %dma_start3A_86 = arith.constant 0 : i32
          %dma_start3A_87 = tpu.memref_slice %arg11[%add3A_85, %dma_start3A_86] : memref<9x112xi32, #tpu.memory_space<vmem>> -> memref<1x112xi32, #tpu.memory_space<vmem>>
          %dma_start3A_88 = tpu.memref_squeeze %dma_start3A_87 : memref<1x112xi32, #tpu.memory_space<vmem>> -> memref<112xi32, #tpu.memory_space<vmem>>
          %dma_start3A_89 = arith.constant 0 : i32
          %dma_start3A_90 = arith.constant 0 : i32
          %dma_start3A_91 = tpu.memref_slice %arg15[%dma_start3A_89, %dma_start3A_90] : memref<10112x128xf32, #tpu.memory_space<vmem_shared>> -> memref<10112x128xf32, #tpu.memory_space<vmem_shared>>
          tpu.enqueue_indirect_dma source(%arg13 : memref<112x128xf32, #tpu.memory_space<vmem>>) target(%dma_start3A_91 : memref<10112x128xf32, #tpu.memory_space<vmem_shared>>) offsets(%dma_start3A_88 : memref<112xi32, #tpu.memory_space<vmem>>) semaphore(%arg20 : memref<!tpu.dma_semaphore, #tpu.memory_space<semaphore_mem>>) {add = true}
          %dma_wait3A_92 = arith.constant 2 : i32
          %dma_wait3A_93 = arith.constant 0 : i32
          %dma_wait3A_94 = tpu.memref_slice %arg10[%dma_wait3A_92, %dma_wait3A_93] : memref<9x112xi32, #tpu.memory_space<vmem>> -> memref<1x112xi32, #tpu.memory_space<vmem>>
          %dma_wait3A_95 = tpu.memref_squeeze %dma_wait3A_94 : memref<1x112xi32, #tpu.memory_space<vmem>> -> memref<112xi32, #tpu.memory_space<vmem>>
          %dma_wait3A_96 = arith.constant 0 : i32
          %dma_wait3A_97 = arith.constant 0 : i32
          %dma_wait3A_98 = tpu.memref_slice %arg5[%dma_wait3A_96, %dma_wait3A_97] : memref<10000x128xf32, #tpu.memory_space<hbm>> -> memref<10000x128xf32, #tpu.memory_space<hbm>>
          tpu.wait_indirect_dma semaphore(%arg18 : memref<!tpu.dma_semaphore, #tpu.memory_space<semaphore_mem>>) src(%dma_wait3A_98 : memref<10000x128xf32, #tpu.memory_space<hbm>>) dst(%arg14 : memref<112x128xf32, #tpu.memory_space<vmem>>)
          %add3A_99 = arith.constant 2 : i32
          %add3A_100 = arith.addi %add3A_64, %add3A_99 : i32
          %dma_start3A_101 = arith.constant 0 : i32
          %dma_start3A_102 = tpu.memref_slice %arg11[%add3A_100, %dma_start3A_101] : memref<9x112xi32, #tpu.memory_space<vmem>> -> memref<1x112xi32, #tpu.memory_space<vmem>>
          %dma_start3A_103 = tpu.memref_squeeze %dma_start3A_102 : memref<1x112xi32, #tpu.memory_space<vmem>> -> memref<112xi32, #tpu.memory_space<vmem>>
          %dma_start3A_104 = arith.constant 0 : i32
          %dma_start3A_105 = arith.constant 0 : i32
          %dma_start3A_106 = tpu.memref_slice %arg15[%dma_start3A_104, %dma_start3A_105] : memref<10112x128xf32, #tpu.memory_space<vmem_shared>> -> memref<10112x128xf32, #tpu.memory_space<vmem_shared>>
          tpu.enqueue_indirect_dma source(%arg14 : memref<112x128xf32, #tpu.memory_space<vmem>>) target(%dma_start3A_106 : memref<10112x128xf32, #tpu.memory_space<vmem_shared>>) offsets(%dma_start3A_103 : memref<112xi32, #tpu.memory_space<vmem>>) semaphore(%arg21 : memref<!tpu.dma_semaphore, #tpu.memory_space<semaphore_mem>>) {add = true}
          %dma_wait3A_107 = arith.constant 0 : i32
          %dma_wait3A_108 = tpu.memref_slice %arg11[%add3A_64, %dma_wait3A_107] : memref<9x112xi32, #tpu.memory_space<vmem>> -> memref<1x112xi32, #tpu.memory_space<vmem>>
          %dma_wait3A_109 = tpu.memref_squeeze %dma_wait3A_108 : memref<1x112xi32, #tpu.memory_space<vmem>> -> memref<112xi32, #tpu.memory_space<vmem>>
          %dma_wait3A_110 = arith.constant 0 : i32
          %dma_wait3A_111 = arith.constant 0 : i32
          %dma_wait3A_112 = tpu.memref_slice %arg15[%dma_wait3A_110, %dma_wait3A_111] : memref<10112x128xf32, #tpu.memory_space<vmem_shared>> -> memref<10112x128xf32, #tpu.memory_space<vmem_shared>>
          tpu.wait_indirect_dma semaphore(%arg19 : memref<!tpu.dma_semaphore, #tpu.memory_space<semaphore_mem>>) src(%arg12 : memref<112x128xf32, #tpu.memory_space<vmem>>) dst(%dma_wait3A_112 : memref<10112x128xf32, #tpu.memory_space<vmem_shared>>)
          %add3A_113 = arith.constant 3 : i32
          %add3A_114 = arith.addi %add3A_64, %add3A_113 : i32
          %lt3A = arith.constant 9 : i32
          %lt3A_115 = arith.cmpi slt, %add3A_114, %lt3A : i32
          %convert_element_type3A_116 = arith.extui %lt3A_115 : i1 to i32
          %cond3A_117 = arith.constant 0 : i32
          %cond3A_118 = arith.cmpi ne, %convert_element_type3A_116, %cond3A_117 : i32
          scf.if %cond3A_118 {
            %add3A_145 = arith.constant 3 : i32
            %add3A_146 = arith.addi %add3A_64, %add3A_145 : i32
            %dma_start3A_147 = arith.constant 0 : i32
            %dma_start3A_148 = tpu.memref_slice %arg10[%add3A_146, %dma_start3A_147] : memref<9x112xi32, #tpu.memory_space<vmem>> -> memref<1x112xi32, #tpu.memory_space<vmem>>
            %dma_start3A_149 = tpu.memref_squeeze %dma_start3A_148 : memref<1x112xi32, #tpu.memory_space<vmem>> -> memref<112xi32, #tpu.memory_space<vmem>>
            %dma_start3A_150 = arith.constant 0 : i32
            %dma_start3A_151 = arith.constant 0 : i32
            %dma_start3A_152 = tpu.memref_slice %arg5[%dma_start3A_150, %dma_start3A_151] : memref<10000x128xf32, #tpu.memory_space<hbm>> -> memref<10000x128xf32, #tpu.memory_space<hbm>>
            tpu.enqueue_indirect_dma source(%dma_start3A_152 : memref<10000x128xf32, #tpu.memory_space<hbm>>) target(%arg12 : memref<112x128xf32, #tpu.memory_space<vmem>>) offsets(%dma_start3A_149 : memref<112xi32, #tpu.memory_space<vmem>>) semaphore(%arg16 : memref<!tpu.dma_semaphore, #tpu.memory_space<semaphore_mem>>)
          } else {
          }
          %dma_wait3A_119 = arith.constant 0 : i32
          %dma_wait3A_120 = tpu.memref_slice %arg11[%add3A_85, %dma_wait3A_119] : memref<9x112xi32, #tpu.memory_space<vmem>> -> memref<1x112xi32, #tpu.memory_space<vmem>>
          %dma_wait3A_121 = tpu.memref_squeeze %dma_wait3A_120 : memref<1x112xi32, #tpu.memory_space<vmem>> -> memref<112xi32, #tpu.memory_space<vmem>>
          %dma_wait3A_122 = arith.constant 0 : i32
          %dma_wait3A_123 = arith.constant 0 : i32
          %dma_wait3A_124 = tpu.memref_slice %arg15[%dma_wait3A_122, %dma_wait3A_123] : memref<10112x128xf32, #tpu.memory_space<vmem_shared>> -> memref<10112x128xf32, #tpu.memory_space<vmem_shared>>
          tpu.wait_indirect_dma semaphore(%arg20 : memref<!tpu.dma_semaphore, #tpu.memory_space<semaphore_mem>>) src(%arg13 : memref<112x128xf32, #tpu.memory_space<vmem>>) dst(%dma_wait3A_124 : memref<10112x128xf32, #tpu.memory_space<vmem_shared>>)
          %add3A_125 = arith.constant 4 : i32
          %add3A_126 = arith.addi %add3A_64, %add3A_125 : i32
          %lt3A_127 = arith.constant 9 : i32
          %lt3A_128 = arith.cmpi slt, %add3A_126, %lt3A_127 : i32
          %convert_element_type3A_129 = arith.extui %lt3A_128 : i1 to i32
          %cond3A_130 = arith.constant 0 : i32
          %cond3A_131 = arith.cmpi ne, %convert_element_type3A_129, %cond3A_130 : i32
          scf.if %cond3A_131 {
            %add3A_145 = arith.constant 4 : i32
            %add3A_146 = arith.addi %add3A_64, %add3A_145 : i32
            %dma_start3A_147 = arith.constant 0 : i32
            %dma_start3A_148 = tpu.memref_slice %arg10[%add3A_146, %dma_start3A_147] : memref<9x112xi32, #tpu.memory_space<vmem>> -> memref<1x112xi32, #tpu.memory_space<vmem>>
            %dma_start3A_149 = tpu.memref_squeeze %dma_start3A_148 : memref<1x112xi32, #tpu.memory_space<vmem>> -> memref<112xi32, #tpu.memory_space<vmem>>
            %dma_start3A_150 = arith.constant 0 : i32
            %dma_start3A_151 = arith.constant 0 : i32
            %dma_start3A_152 = tpu.memref_slice %arg5[%dma_start3A_150, %dma_start3A_151] : memref<10000x128xf32, #tpu.memory_space<hbm>> -> memref<10000x128xf32, #tpu.memory_space<hbm>>
            tpu.enqueue_indirect_dma source(%dma_start3A_152 : memref<10000x128xf32, #tpu.memory_space<hbm>>) target(%arg13 : memref<112x128xf32, #tpu.memory_space<vmem>>) offsets(%dma_start3A_149 : memref<112xi32, #tpu.memory_space<vmem>>) semaphore(%arg17 : memref<!tpu.dma_semaphore, #tpu.memory_space<semaphore_mem>>)
          } else {
          }
          %dma_wait3A_132 = arith.constant 0 : i32
          %dma_wait3A_133 = tpu.memref_slice %arg11[%add3A_100, %dma_wait3A_132] : memref<9x112xi32, #tpu.memory_space<vmem>> -> memref<1x112xi32, #tpu.memory_space<vmem>>
          %dma_wait3A_134 = tpu.memref_squeeze %dma_wait3A_133 : memref<1x112xi32, #tpu.memory_space<vmem>> -> memref<112xi32, #tpu.memory_space<vmem>>
          %dma_wait3A_135 = arith.constant 0 : i32
          %dma_wait3A_136 = arith.constant 0 : i32
          %dma_wait3A_137 = tpu.memref_slice %arg15[%dma_wait3A_135, %dma_wait3A_136] : memref<10112x128xf32, #tpu.memory_space<vmem_shared>> -> memref<10112x128xf32, #tpu.memory_space<vmem_shared>>
          tpu.wait_indirect_dma semaphore(%arg21 : memref<!tpu.dma_semaphore, #tpu.memory_space<semaphore_mem>>) src(%arg14 : memref<112x128xf32, #tpu.memory_space<vmem>>) dst(%dma_wait3A_137 : memref<10112x128xf32, #tpu.memory_space<vmem_shared>>)
          %add3A_138 = arith.constant 5 : i32
          %add3A_139 = arith.addi %add3A_64, %add3A_138 : i32
          %lt3A_140 = arith.constant 9 : i32
          %lt3A_141 = arith.cmpi slt, %add3A_139, %lt3A_140 : i32
          %convert_element_type3A_142 = arith.extui %lt3A_141 : i1 to i32
          %cond3A_143 = arith.constant 0 : i32
          %cond3A_144 = arith.cmpi ne, %convert_element_type3A_142, %cond3A_143 : i32
          scf.if %cond3A_144 {
            %add3A_145 = arith.constant 5 : i32
            %add3A_146 = arith.addi %add3A_64, %add3A_145 : i32
            %dma_start3A_147 = arith.constant 0 : i32
            %dma_start3A_148 = tpu.memref_slice %arg10[%add3A_146, %dma_start3A_147] : memref<9x112xi32, #tpu.memory_space<vmem>> -> memref<1x112xi32, #tpu.memory_space<vmem>>
            %dma_start3A_149 = tpu.memref_squeeze %dma_start3A_148 : memref<1x112xi32, #tpu.memory_space<vmem>> -> memref<112xi32, #tpu.memory_space<vmem>>
            %dma_start3A_150 = arith.constant 0 : i32
            %dma_start3A_151 = arith.constant 0 : i32
            %dma_start3A_152 = tpu.memref_slice %arg5[%dma_start3A_150, %dma_start3A_151] : memref<10000x128xf32, #tpu.memory_space<hbm>> -> memref<10000x128xf32, #tpu.memory_space<hbm>>
            tpu.enqueue_indirect_dma source(%dma_start3A_152 : memref<10000x128xf32, #tpu.memory_space<hbm>>) target(%arg14 : memref<112x128xf32, #tpu.memory_space<vmem>>) offsets(%dma_start3A_149 : memref<112xi32, #tpu.memory_space<vmem>>) semaphore(%arg18 : memref<!tpu.dma_semaphore, #tpu.memory_space<semaphore_mem>>)
          } else {
          }
        }
        %scan3A_59 = arith.constant 3 : i32
      }
      %scan3A_24 = arith.constant 10 : i32
      %barrier3A_25 = arith.constant 0 : index
      tpu.barrier barrier_id(%barrier3A_25)
      %mul3A_26 = arith.constant 632 : i32
      %mul3A_27 = arith.muli %arg1, %mul3A_26 : i32
      %mul3A_28 = arith.constant 632 : i32
      %mul3A_29 = arith.muli %arg1, %mul3A_28 : i32
      %run_scoped3A_30 = arith.constant 3 : i32
      "tpu.region"() ({
        %run_scoped3A_31 = tpu.sem_alloc : memref<!tpu.dma_semaphore, #tpu.memory_space<semaphore_mem>>
        %dma_start3A = arith.constant 0 : i32
        %dma_start3A_32 = arith.constant 0 : i32
        %dma_start3A_33 = tpu.memref_slice %arg9[%run_scoped3A_30, %dma_start3A, %dma_start3A_32] : memref<4x10112x128xf32, #tpu.memory_space<hbm>> -> memref<1x10112x128xf32, #tpu.memory_space<hbm>>
        %dma_start3A_34 = tpu.memref_squeeze %dma_start3A_33 : memref<1x10112x128xf32, #tpu.memory_space<hbm>> -> memref<10112x128xf32, #tpu.memory_space<hbm>>
        %dma_start3A_35 = arith.constant 0 : i32
        %dma_start3A_36 = tpu.memref_slice %dma_start3A_34[%mul3A_29, %dma_start3A_35] : memref<10112x128xf32, #tpu.memory_space<hbm>> -> memref<632x128xf32, #tpu.memory_space<hbm>>
        %dma_start3A_37 = arith.constant 0 : i32
        %dma_start3A_38 = tpu.memref_slice %arg15[%mul3A_27, %dma_start3A_37] : memref<10112x128xf32, #tpu.memory_space<vmem_shared>> -> memref<632x128xf32, #tpu.memory_space<vmem_shared>>
        tpu.enqueue_dma source(%dma_start3A_38 : memref<632x128xf32, #tpu.memory_space<vmem_shared>>) target(%dma_start3A_36 : memref<632x128xf32, #tpu.memory_space<hbm>>) target_semaphore(%run_scoped3A_31 : memref<!tpu.dma_semaphore, #tpu.memory_space<semaphore_mem>>)
        %dma_wait3A = arith.constant 0 : i32
        %dma_wait3A_39 = arith.constant 0 : i32
        %dma_wait3A_40 = tpu.memref_slice %arg9[%run_scoped3A_30, %dma_wait3A, %dma_wait3A_39] : memref<4x10112x128xf32, #tpu.memory_space<hbm>> -> memref<1x10112x128xf32, #tpu.memory_space<hbm>>
        %dma_wait3A_41 = tpu.memref_squeeze %dma_wait3A_40 : memref<1x10112x128xf32, #tpu.memory_space<hbm>> -> memref<10112x128xf32, #tpu.memory_space<hbm>>
        %dma_wait3A_42 = arith.constant 0 : i32
        %dma_wait3A_43 = tpu.memref_slice %dma_wait3A_41[%mul3A_29, %dma_wait3A_42] : memref<10112x128xf32, #tpu.memory_space<hbm>> -> memref<632x128xf32, #tpu.memory_space<hbm>>
        %dma_wait3A_44 = arith.constant 0 : i32
        %dma_wait3A_45 = tpu.memref_slice %arg15[%mul3A_27, %dma_wait3A_44] : memref<10112x128xf32, #tpu.memory_space<vmem_shared>> -> memref<632x128xf32, #tpu.memory_space<vmem_shared>>
        tpu.wait_dma2 semaphore(%run_scoped3A_31 : memref<!tpu.dma_semaphore, #tpu.memory_space<semaphore_mem>>) src(%dma_wait3A_45 : memref<632x128xf32, #tpu.memory_space<vmem_shared>>) dst(%dma_wait3A_43 : memref<632x128xf32, #tpu.memory_space<hbm>>)
        tpu.yield
      }) : () -> ()
    } else {
    }
    return
  }
}

module attributes {stable_mosaic.version = 14 : i64} {
  func.func @_colmax_body(%arg0: i32, %arg1: memref<1000x256xf32, #tpu.memory_space<vmem>>, %arg2: memref<1x256xf32, #tpu.memory_space<vmem>>) attributes {dimension_semantics = [#tpu.dimension_semantics<arbitrary>], iteration_bounds = array<i64: 10>, scalar_prefetch = 0 : i64, scratch_operands = 0 : i64, tpu.core_type = #tpu.core_type<tc>, window_params = [{transform_indices = @transform_0, window_bounds = array<i64: 1000, 256>}, {pipeline_mode = #tpu.pipeline_mode<synchronous>, transform_indices = @transform_1, window_bounds = array<i64: 1, 256>}]} {
    %get3A = arith.constant 0 : index
    %get3A_0 = arith.constant 0 : index
    %get3A_1 = vector.load %arg1[%get3A, %get3A_0] : memref<1000x256xf32, #tpu.memory_space<vmem>>, vector<1000x256xf32>
    %reduce_max3A = arith.constant dense<0xFF800000> : vector<256xf32>
    %reduce_max3A_2 = vector.multi_reduction <maximumf>, %get3A_1, %reduce_max3A [0] : vector<1000x256xf32> to vector<256xf32>
    %broadcast_in_dim3A = vector.shape_cast %reduce_max3A_2 : vector<256xf32> to vector<1x256xf32>
    %eq3A = arith.constant 0 : i32
    %eq3A_3 = arith.cmpi eq, %arg0, %eq3A : i32
    %convert_element_type3A = arith.extui %eq3A_3 : i1 to i32
    %cond3A = arith.constant 0 : i32
    %cond3A_4 = arith.cmpi ne, %convert_element_type3A, %cond3A : i32
    scf.if %cond3A_4 {
      %swap3A = arith.constant 0 : index
      %swap3A_9 = arith.constant 0 : index
      %swap3A_10 = vector.load %arg2[%swap3A, %swap3A_9] : memref<1x256xf32, #tpu.memory_space<vmem>>, vector<1x256xf32>
      tpu.vector_store %arg2[%swap3A, %swap3A_9], %broadcast_in_dim3A {strides = array<i32>} : memref<1x256xf32, #tpu.memory_space<vmem>>, vector<1x256xf32>,
    } else {
    }
    %gt3A = arith.constant 0 : i32
    %gt3A_5 = arith.cmpi sgt, %arg0, %gt3A : i32
    %convert_element_type3A_6 = arith.extui %gt3A_5 : i1 to i32
    %cond3A_7 = arith.constant 0 : i32
    %cond3A_8 = arith.cmpi ne, %convert_element_type3A_6, %cond3A_7 : i32
    scf.if %cond3A_8 {
      %get3A_9 = arith.constant 0 : index
      %get3A_10 = arith.constant 0 : index
      %get3A_11 = vector.load %arg2[%get3A_9, %get3A_10] : memref<1x256xf32, #tpu.memory_space<vmem>>, vector<1x256xf32>
      %max3A = arith.maximumf %get3A_11, %broadcast_in_dim3A : vector<1x256xf32>
      %swap3A = arith.constant 0 : index
      %swap3A_12 = arith.constant 0 : index
      %swap3A_13 = vector.load %arg2[%swap3A, %swap3A_12] : memref<1x256xf32, #tpu.memory_space<vmem>>, vector<1x256xf32>
      tpu.vector_store %arg2[%swap3A, %swap3A_12], %max3A {strides = array<i32>} : memref<1x256xf32, #tpu.memory_space<vmem>>, vector<1x256xf32>,
    } else {
    }
    return
  }
  func.func @transform_0(%arg0: i32) -> (i32, i32) {
    %c0_i32 = arith.constant 0 : i32
    %c0_i32_0 = arith.constant 0 : i32
    return %arg0, %c0_i32 : i32, i32
  }
  func.func @transform_1(%arg0: i32) -> (i32, i32) {
    %c0_i32 = arith.constant 0 : i32
    %c0_i32_0 = arith.constant 0 : i32
    %c0_i32_1 = arith.constant 0 : i32
    return %c0_i32, %c0_i32_0 : i32, i32
  }
}

module attributes {stable_mosaic.version = 14 : i64} {
  func.func @_tables_body(%arg0: i32, %arg1: i32, %arg2: memref<1000x128xf32, #tpu.memory_space<vmem>>, %arg3: memref<1x128xf32, #tpu.memory_space<vmem>>, %arg4: memref<1x1000x128xf32, #tpu.memory_space<vmem>>) attributes {dimension_semantics = [#tpu.dimension_semantics<parallel>, #tpu.dimension_semantics<parallel>], iteration_bounds = array<i64: 4, 10>, scalar_prefetch = 0 : i64, scratch_operands = 0 : i64, tpu.core_type = #tpu.core_type<tc>, window_params = [{transform_indices = @transform_0, window_bounds = array<i64: 1000, 128>}, {transform_indices = @transform_1, window_bounds = array<i64: 1, 128>}, {transform_indices = @transform_2, window_bounds = array<i64: 1, 1000, 128>}]} {
    %get3A = arith.constant 0 : index
    %get3A_0 = arith.constant 0 : index
    %get3A_1 = vector.load %arg2[%get3A, %get3A_0] : memref<1000x128xf32, #tpu.memory_space<vmem>>, vector<1000x128xf32>
    %max3A = arith.constant 0.000000e+00 : f32
    %max3A_2 = vector.broadcast %max3A : f32 to vector<1000x128xf32>
    %max3A_3 = arith.maximumf %get3A_1, %max3A_2 : vector<1000x128xf32>
    %add3A = arith.constant 1.000000e-07 : f32
    %add3A_4 = vector.broadcast %add3A : f32 to vector<1000x128xf32>
    %add3A_5 = arith.addf %max3A_3, %add3A_4 : vector<1000x128xf32>
    %mul3A = arith.constant 1.000000e+00 : f32
    %mul3A_6 = vector.broadcast %mul3A : f32 to vector<1000x128xf32>
    %mul3A_7 = arith.mulf %mul3A_6, %add3A_5 : vector<1000x128xf32>
    %get3A_8 = arith.constant 0 : index
    %get3A_9 = arith.constant 0 : index
    %get3A_10 = vector.load %arg3[%get3A_8, %get3A_9] : memref<1x128xf32, #tpu.memory_space<vmem>>, vector<1x128xf32>
    %sub3A = vector.broadcast %get3A_10 : vector<1x128xf32> to vector<1000x128xf32>
    %sub3A_11 = arith.subf %mul3A_7, %sub3A : vector<1000x128xf32>
    %exp3A = math.exp %sub3A_11 : vector<1000x128xf32>
    %lt3A = arith.constant 2 : i32
    %lt3A_12 = arith.cmpi slt, %arg0, %lt3A : i32
    %mul3A_13 = arith.mulf %exp3A, %add3A_5 : vector<1000x128xf32>
    %select_n3A = arith.select %lt3A_12, %exp3A, %mul3A_13 : vector<1000x128xf32>
    %broadcast_in_dim3A = vector.shape_cast %select_n3A : vector<1000x128xf32> to vector<1x1000x128xf32>
    %swap3A = arith.constant 0 : index
    %swap3A_14 = arith.constant 0 : index
    %swap3A_15 = arith.constant 0 : index
    %swap3A_16 = vector.load %arg4[%swap3A, %swap3A_14, %swap3A_15] : memref<1x1000x128xf32, #tpu.memory_space<vmem>>, vector<1x1000x128xf32>
    tpu.vector_store %arg4[%swap3A, %swap3A_14, %swap3A_15], %broadcast_in_dim3A {strides = array<i32>} : memref<1x1000x128xf32, #tpu.memory_space<vmem>>, vector<1x1000x128xf32>,
    return
  }
  func.func @transform_0(%arg0: i32, %arg1: i32) -> (i32, i32) {
    %jit3A = arith.constant 2 : i32
    %eq3A = arith.constant 0 : i32
    %eq3A_0 = arith.cmpi eq, %jit3A, %eq3A : i32
    %jit3A_1 = arith.constant 1 : i32
    %select_n3A = arith.select %eq3A_0, %jit3A_1, %jit3A : i32
    %rem3A = arith.remsi %arg0, %select_n3A : i32
    %ne3A = arith.constant 0 : i32
    %ne3A_2 = arith.cmpi ne, %rem3A, %ne3A : i32
    %lt3A = arith.constant 0 : i32
    %lt3A_3 = arith.cmpi slt, %rem3A, %lt3A : i32
    %lt3A_4 = arith.constant 0 : i32
    %lt3A_5 = arith.cmpi slt, %select_n3A, %lt3A_4 : i32
    %ne3A_6 = arith.xori %lt3A_3, %lt3A_5 : i1
    %and3A = arith.andi %ne3A_6, %ne3A_2 : i1
    %add3A = arith.addi %rem3A, %select_n3A : i32
    %select_n3A_7 = arith.select %and3A, %add3A, %rem3A : i32
    %c0_i32 = arith.constant 0 : i32
    return %arg1, %select_n3A_7 : i32, i32
  }
  func.func @transform_1(%arg0: i32, %arg1: i32) -> (i32, i32) {
    %jit3A = arith.constant 2 : i32
    %eq3A = arith.constant 0 : i32
    %eq3A_0 = arith.cmpi eq, %jit3A, %eq3A : i32
    %jit3A_1 = arith.constant 1 : i32
    %select_n3A = arith.select %eq3A_0, %jit3A_1, %jit3A : i32
    %rem3A = arith.remsi %arg0, %select_n3A : i32
    %ne3A = arith.constant 0 : i32
    %ne3A_2 = arith.cmpi ne, %rem3A, %ne3A : i32
    %lt3A = arith.constant 0 : i32
    %lt3A_3 = arith.cmpi slt, %rem3A, %lt3A : i32
    %lt3A_4 = arith.constant 0 : i32
    %lt3A_5 = arith.cmpi slt, %select_n3A, %lt3A_4 : i32
    %ne3A_6 = arith.xori %lt3A_3, %lt3A_5 : i1
    %and3A = arith.andi %ne3A_6, %ne3A_2 : i1
    %add3A = arith.addi %rem3A, %select_n3A : i32
    %select_n3A_7 = arith.select %and3A, %add3A, %rem3A : i32
    %c0_i32 = arith.constant 0 : i32
    %c0_i32_8 = arith.constant 0 : i32
    return %c0_i32, %select_n3A_7 : i32, i32
  }
  func.func @transform_2(%arg0: i32, %arg1: i32) -> (i32, i32, i32) {
    %c0_i32 = arith.constant 0 : i32
    %c0_i32_0 = arith.constant 0 : i32
    return %arg0, %arg1, %c0_i32 : i32, i32, i32
  }
}

module attributes {stable_mosaic.version = 14 : i64} {
  func.func @_mlp1_body(%arg0: i32, %arg1: memref<1000x256xf32, #tpu.memory_space<vmem>>, %arg2: memref<4x1000x128xf32, #tpu.memory_space<vmem>>, %arg3: memref<256x512xf32, #tpu.memory_space<vmem>>, %arg4: memref<1x512xf32, #tpu.memory_space<vmem>>, %arg5: memref<1000x512xf32, #tpu.memory_space<vmem>>, %arg6: memref<1x512xf32, #tpu.memory_space<vmem>>, %arg7: memref<1x512xf32, #tpu.memory_space<vmem>>) attributes {dimension_semantics = [#tpu.dimension_semantics<arbitrary>], iteration_bounds = array<i64: 10>, scalar_prefetch = 0 : i64, scratch_operands = 0 : i64, tpu.core_type = #tpu.core_type<tc>, window_params = [{transform_indices = @transform_0, window_bounds = array<i64: 1000, 256>}, {transform_indices = @transform_1, window_bounds = array<i64: 4, 1000, 128>}, {pipeline_mode = #tpu.pipeline_mode<synchronous>, transform_indices = @transform_2, window_bounds = array<i64: 256, 512>}, {pipeline_mode = #tpu.pipeline_mode<synchronous>, transform_indices = @transform_3, window_bounds = array<i64: 1, 512>}, {transform_indices = @transform_4, window_bounds = array<i64: 1000, 512>}, {pipeline_mode = #tpu.pipeline_mode<synchronous>, transform_indices = @transform_5, window_bounds = array<i64: 1, 512>}, {pipeline_mode = #tpu.pipeline_mode<synchronous>, transform_indices = @transform_6, window_bounds = array<i64: 1, 512>}]} {
    %get3A = arith.constant 0 : index
    %get3A_0 = arith.constant 0 : index
    %get3A_1 = arith.constant 0 : index
    %get3A_2 = vector.load %arg2[%get3A, %get3A_0, %get3A_1] : memref<4x1000x128xf32, #tpu.memory_space<vmem>>, vector<4x1000x128xf32>
    %slice3A = vector.extract_strided_slice %get3A_2 {offsets = [0, 0, 0], sizes = [1, 1000, 128], strides = [1, 1, 1]} : vector<4x1000x128xf32> to vector<1x1000x128xf32>
    %squeeze3A = vector.shape_cast %slice3A : vector<1x1000x128xf32> to vector<1000x128xf32>
    %slice3A_3 = vector.extract_strided_slice %get3A_2 {offsets = [1, 0, 0], sizes = [1, 1000, 128], strides = [1, 1, 1]} : vector<4x1000x128xf32> to vector<1x1000x128xf32>
    %squeeze3A_4 = vector.shape_cast %slice3A_3 : vector<1x1000x128xf32> to vector<1000x128xf32>
    %concatenate3A = tpu.concatenate %squeeze3A, %squeeze3A_4 in 1 : vector<1000x128xf32>, vector<1000x128xf32> -> vector<1000x256xf32>
    %slice3A_5 = vector.extract_strided_slice %get3A_2 {offsets = [2, 0, 0], sizes = [1, 1000, 128], strides = [1, 1, 1]} : vector<4x1000x128xf32> to vector<1x1000x128xf32>
    %squeeze3A_6 = vector.shape_cast %slice3A_5 : vector<1x1000x128xf32> to vector<1000x128xf32>
    %slice3A_7 = vector.extract_strided_slice %get3A_2 {offsets = [3, 0, 0], sizes = [1, 1000, 128], strides = [1, 1, 1]} : vector<4x1000x128xf32> to vector<1x1000x128xf32>
    %squeeze3A_8 = vector.shape_cast %slice3A_7 : vector<1x1000x128xf32> to vector<1000x128xf32>
    %concatenate3A_9 = tpu.concatenate %squeeze3A_6, %squeeze3A_8 in 1 : vector<1000x128xf32>, vector<1000x128xf32> -> vector<1000x256xf32>
    %get3A_10 = arith.constant 0 : index
    %get3A_11 = arith.constant 0 : index
    %get3A_12 = vector.load %arg1[%get3A_10, %get3A_11] : memref<1000x256xf32, #tpu.memory_space<vmem>>, vector<1000x256xf32>
    %add3A = arith.constant 1.000000e-16 : f32
    %add3A_13 = vector.broadcast %add3A : f32 to vector<1000x256xf32>
    %add3A_14 = arith.addf %concatenate3A, %add3A_13 : vector<1000x256xf32>
    %div3A = arith.divf %concatenate3A_9, %add3A_14 : vector<1000x256xf32>
    %add3A_15 = arith.addf %get3A_12, %div3A : vector<1000x256xf32>
    %get3A_16 = arith.constant 0 : index
    %get3A_17 = arith.constant 0 : index
    %get3A_18 = vector.load %arg3[%get3A_16, %get3A_17] : memref<256x512xf32, #tpu.memory_space<vmem>>, vector<256x512xf32>
    %dot_general3A = arith.constant dense<0.000000e+00> : vector<1000x512xf32>
    %dot_general3A_19 = tpu.matmul %add3A_15, %get3A_18, %dot_general3A {dimension_numbers = #tpu.dot_dimension_numbers<[1], [0], [0], [1], [0, 0, 1, 1], [], []>, precision = #tpu.contract_precision<fp32>, transpose_lhs_hint = false} : vector<1000x256xf32>, vector<256x512xf32>, vector<1000x512xf32> -> vector<1000x512xf32>
    %get3A_20 = arith.constant 0 : index
    %get3A_21 = arith.constant 0 : index
    %get3A_22 = vector.load %arg4[%get3A_20, %get3A_21] : memref<1x512xf32, #tpu.memory_space<vmem>>, vector<1x512xf32>
    %add3A_23 = vector.broadcast %get3A_22 : vector<1x512xf32> to vector<1000x512xf32>
    %add3A_24 = arith.addf %dot_general3A_19, %add3A_23 : vector<1000x512xf32>
    %swap3A = arith.constant 0 : index
    %swap3A_25 = arith.constant 0 : index
    %swap3A_26 = vector.load %arg5[%swap3A, %swap3A_25] : memref<1000x512xf32, #tpu.memory_space<vmem>>, vector<1000x512xf32>
    tpu.vector_store %arg5[%swap3A, %swap3A_25], %add3A_24 {strides = array<i32>} : memref<1000x512xf32, #tpu.memory_space<vmem>>, vector<1000x512xf32>,
    %reduce_sum3A = arith.constant dense<0.000000e+00> : vector<512xf32>
    %reduce_sum3A_27 = vector.multi_reduction <add>, %add3A_24, %reduce_sum3A [0] : vector<1000x512xf32> to vector<512xf32>
    %broadcast_in_dim3A = vector.shape_cast %reduce_sum3A_27 : vector<512xf32> to vector<1x512xf32>
    %mul3A = arith.mulf %add3A_24, %add3A_24 : vector<1000x512xf32>
    %reduce_sum3A_28 = arith.constant dense<0.000000e+00> : vector<512xf32>
    %reduce_sum3A_29 = vector.multi_reduction <add>, %mul3A, %reduce_sum3A_28 [0] : vector<1000x512xf32> to vector<512xf32>
    %broadcast_in_dim3A_30 = vector.shape_cast %reduce_sum3A_29 : vector<512xf32> to vector<1x512xf32>
    %eq3A = arith.constant 0 : i32
    %eq3A_31 = arith.cmpi eq, %arg0, %eq3A : i32
    %convert_element_type3A = arith.extui %eq3A_31 : i1 to i32
    %cond3A = arith.constant 0 : i32
    %cond3A_32 = arith.cmpi ne, %convert_element_type3A, %cond3A : i32
    scf.if %cond3A_32 {
      %swap3A_37 = arith.constant 0 : index
      %swap3A_38 = arith.constant 0 : index
      %swap3A_39 = vector.load %arg6[%swap3A_37, %swap3A_38] : memref<1x512xf32, #tpu.memory_space<vmem>>, vector<1x512xf32>
      tpu.vector_store %arg6[%swap3A_37, %swap3A_38], %broadcast_in_dim3A {strides = array<i32>} : memref<1x512xf32, #tpu.memory_space<vmem>>, vector<1x512xf32>,
      %swap3A_40 = arith.constant 0 : index
      %swap3A_41 = arith.constant 0 : index
      %swap3A_42 = vector.load %arg7[%swap3A_40, %swap3A_41] : memref<1x512xf32, #tpu.memory_space<vmem>>, vector<1x512xf32>
      tpu.vector_store %arg7[%swap3A_40, %swap3A_41], %broadcast_in_dim3A_30 {strides = array<i32>} : memref<1x512xf32, #tpu.memory_space<vmem>>, vector<1x512xf32>,
    } else {
    }
    %gt3A = arith.constant 0 : i32
    %gt3A_33 = arith.cmpi sgt, %arg0, %gt3A : i32
    %convert_element_type3A_34 = arith.extui %gt3A_33 : i1 to i32
    %cond3A_35 = arith.constant 0 : i32
    %cond3A_36 = arith.cmpi ne, %convert_element_type3A_34, %cond3A_35 : i32
    scf.if %cond3A_36 {
      %get3A_37 = arith.constant 0 : index
      %get3A_38 = arith.constant 0 : index
      %get3A_39 = vector.load %arg6[%get3A_37, %get3A_38] : memref<1x512xf32, #tpu.memory_space<vmem>>, vector<1x512xf32>
      %add3A_40 = arith.addf %get3A_39, %broadcast_in_dim3A : vector<1x512xf32>
      %swap3A_41 = arith.constant 0 : index
      %swap3A_42 = arith.constant 0 : index
      %swap3A_43 = vector.load %arg6[%swap3A_41, %swap3A_42] : memref<1x512xf32, #tpu.memory_space<vmem>>, vector<1x512xf32>
      tpu.vector_store %arg6[%swap3A_41, %swap3A_42], %add3A_40 {strides = array<i32>} : memref<1x512xf32, #tpu.memory_space<vmem>>, vector<1x512xf32>,
      %get3A_44 = arith.constant 0 : index
      %get3A_45 = arith.constant 0 : index
      %get3A_46 = vector.load %arg7[%get3A_44, %get3A_45] : memref<1x512xf32, #tpu.memory_space<vmem>>, vector<1x512xf32>
      %add3A_47 = arith.addf %get3A_46, %broadcast_in_dim3A_30 : vector<1x512xf32>
      %swap3A_48 = arith.constant 0 : index
      %swap3A_49 = arith.constant 0 : index
      %swap3A_50 = vector.load %arg7[%swap3A_48, %swap3A_49] : memref<1x512xf32, #tpu.memory_space<vmem>>, vector<1x512xf32>
      tpu.vector_store %arg7[%swap3A_48, %swap3A_49], %add3A_47 {strides = array<i32>} : memref<1x512xf32, #tpu.memory_space<vmem>>, vector<1x512xf32>,
    } else {
    }
    return
  }
  func.func @transform_0(%arg0: i32) -> (i32, i32) {
    %c0_i32 = arith.constant 0 : i32
    %c0_i32_0 = arith.constant 0 : i32
    return %arg0, %c0_i32 : i32, i32
  }
  func.func @transform_1(%arg0: i32) -> (i32, i32, i32) {
    %c0_i32 = arith.constant 0 : i32
    %c0_i32_0 = arith.constant 0 : i32
    %c0_i32_1 = arith.constant 0 : i32
    return %c0_i32, %arg0, %c0_i32_0 : i32, i32, i32
  }
  func.func @transform_2(%arg0: i32) -> (i32, i32) {
    %c0_i32 = arith.constant 0 : i32
    %c0_i32_0 = arith.constant 0 : i32
    %c0_i32_1 = arith.constant 0 : i32
    return %c0_i32, %c0_i32_0 : i32, i32
  }
  func.func @transform_3(%arg0: i32) -> (i32, i32) {
    %c0_i32 = arith.constant 0 : i32
    %c0_i32_0 = arith.constant 0 : i32
    %c0_i32_1 = arith.constant 0 : i32
    return %c0_i32, %c0_i32_0 : i32, i32
  }
  func.func @transform_4(%arg0: i32) -> (i32, i32) {
    %c0_i32 = arith.constant 0 : i32
    %c0_i32_0 = arith.constant 0 : i32
    return %arg0, %c0_i32 : i32, i32
  }
  func.func @transform_5(%arg0: i32) -> (i32, i32) {
    %c0_i32 = arith.constant 0 : i32
    %c0_i32_0 = arith.constant 0 : i32
    %c0_i32_1 = arith.constant 0 : i32
    return %c0_i32, %c0_i32_0 : i32, i32
  }
  func.func @transform_6(%arg0: i32) -> (i32, i32) {
    %c0_i32 = arith.constant 0 : i32
    %c0_i32_0 = arith.constant 0 : i32
    %c0_i32_1 = arith.constant 0 : i32
    return %c0_i32, %c0_i32_0 : i32, i32
  }
}

module attributes {stable_mosaic.version = 14 : i64} {
  func.func @_mlp2_body(%arg0: i32, %arg1: memref<1000x512xf32, #tpu.memory_space<vmem>>, %arg2: memref<1x512xf32, #tpu.memory_space<vmem>>, %arg3: memref<1x512xf32, #tpu.memory_space<vmem>>, %arg4: memref<1x512xf32, #tpu.memory_space<vmem>>, %arg5: memref<1x512xf32, #tpu.memory_space<vmem>>, %arg6: memref<512x256xf32, #tpu.memory_space<vmem>>, %arg7: memref<1x256xf32, #tpu.memory_space<vmem>>, %arg8: memref<1000x256xf32, #tpu.memory_space<vmem>>) attributes {dimension_semantics = [#tpu.dimension_semantics<parallel>], iteration_bounds = array<i64: 10>, scalar_prefetch = 0 : i64, scratch_operands = 0 : i64, tpu.core_type = #tpu.core_type<tc>, window_params = [{transform_indices = @transform_0, window_bounds = array<i64: 1000, 512>}, {pipeline_mode = #tpu.pipeline_mode<synchronous>, transform_indices = @transform_1, window_bounds = array<i64: 1, 512>}, {pipeline_mode = #tpu.pipeline_mode<synchronous>, transform_indices = @transform_2, window_bounds = array<i64: 1, 512>}, {pipeline_mode = #tpu.pipeline_mode<synchronous>, transform_indices = @transform_3, window_bounds = array<i64: 1, 512>}, {pipeline_mode = #tpu.pipeline_mode<synchronous>, transform_indices = @transform_4, window_bounds = array<i64: 1, 512>}, {pipeline_mode = #tpu.pipeline_mode<synchronous>, transform_indices = @transform_5, window_bounds = array<i64: 512, 256>}, {pipeline_mode = #tpu.pipeline_mode<synchronous>, transform_indices = @transform_6, window_bounds = array<i64: 1, 256>}, {transform_indices = @transform_7, window_bounds = array<i64: 1000, 256>}]} {
    %get3A = arith.constant 0 : index
    %get3A_0 = arith.constant 0 : index
    %get3A_1 = vector.load %arg2[%get3A, %get3A_0] : memref<1x512xf32, #tpu.memory_space<vmem>>, vector<1x512xf32>
    %div3A = arith.constant 1.000000e+04 : f32
    %div3A_2 = vector.broadcast %div3A : f32 to vector<1x512xf32>
    %div3A_3 = arith.divf %get3A_1, %div3A_2 : vector<1x512xf32>
    %get3A_4 = arith.constant 0 : index
    %get3A_5 = arith.constant 0 : index
    %get3A_6 = vector.load %arg3[%get3A_4, %get3A_5] : memref<1x512xf32, #tpu.memory_space<vmem>>, vector<1x512xf32>
    %div3A_7 = arith.constant 1.000000e+04 : f32
    %div3A_8 = vector.broadcast %div3A_7 : f32 to vector<1x512xf32>
    %div3A_9 = arith.divf %get3A_6, %div3A_8 : vector<1x512xf32>
    %mul3A = arith.mulf %div3A_3, %div3A_3 : vector<1x512xf32>
    %sub3A = arith.subf %div3A_9, %mul3A : vector<1x512xf32>
    %add3A = arith.constant 9.99999974E-6 : f32
    %add3A_10 = vector.broadcast %add3A : f32 to vector<1x512xf32>
    %add3A_11 = arith.addf %sub3A, %add3A_10 : vector<1x512xf32>
    %rsqrt3A = math.rsqrt %add3A_11 : vector<1x512xf32>
    %get3A_12 = arith.constant 0 : index
    %get3A_13 = arith.constant 0 : index
    %get3A_14 = vector.load %arg4[%get3A_12, %get3A_13] : memref<1x512xf32, #tpu.memory_space<vmem>>, vector<1x512xf32>
    %mul3A_15 = arith.mulf %rsqrt3A, %get3A_14 : vector<1x512xf32>
    %get3A_16 = arith.constant 0 : index
    %get3A_17 = arith.constant 0 : index
    %get3A_18 = vector.load %arg5[%get3A_16, %get3A_17] : memref<1x512xf32, #tpu.memory_space<vmem>>, vector<1x512xf32>
    %mul3A_19 = arith.mulf %div3A_3, %mul3A_15 : vector<1x512xf32>
    %sub3A_20 = arith.subf %get3A_18, %mul3A_19 : vector<1x512xf32>
    %get3A_21 = arith.constant 0 : index
    %get3A_22 = arith.constant 0 : index
    %get3A_23 = vector.load %arg1[%get3A_21, %get3A_22] : memref<1000x512xf32, #tpu.memory_space<vmem>>, vector<1000x512xf32>
    %mul3A_24 = vector.broadcast %mul3A_15 : vector<1x512xf32> to vector<1000x512xf32>
    %mul3A_25 = arith.mulf %get3A_23, %mul3A_24 : vector<1000x512xf32>
    %add3A_26 = vector.broadcast %sub3A_20 : vector<1x512xf32> to vector<1000x512xf32>
    %add3A_27 = arith.addf %mul3A_25, %add3A_26 : vector<1000x512xf32>
    %max3A = arith.constant 0.000000e+00 : f32
    %max3A_28 = vector.broadcast %max3A : f32 to vector<1000x512xf32>
    %max3A_29 = arith.maximumf %add3A_27, %max3A_28 : vector<1000x512xf32>
    %get3A_30 = arith.constant 0 : index
    %get3A_31 = arith.constant 0 : index
    %get3A_32 = vector.load %arg6[%get3A_30, %get3A_31] : memref<512x256xf32, #tpu.memory_space<vmem>>, vector<512x256xf32>
    %dot_general3A = arith.constant dense<0.000000e+00> : vector<1000x256xf32>
    %dot_general3A_33 = tpu.matmul %max3A_29, %get3A_32, %dot_general3A {dimension_numbers = #tpu.dot_dimension_numbers<[1], [0], [0], [1], [0, 0, 1, 1], [], []>, precision = #tpu.contract_precision<fp32>, transpose_lhs_hint = false} : vector<1000x512xf32>, vector<512x256xf32>, vector<1000x256xf32> -> vector<1000x256xf32>
    %get3A_34 = arith.constant 0 : index
    %get3A_35 = arith.constant 0 : index
    %get3A_36 = vector.load %arg7[%get3A_34, %get3A_35] : memref<1x256xf32, #tpu.memory_space<vmem>>, vector<1x256xf32>
    %add3A_37 = vector.broadcast %get3A_36 : vector<1x256xf32> to vector<1000x256xf32>
    %add3A_38 = arith.addf %dot_general3A_33, %add3A_37 : vector<1000x256xf32>
    %swap3A = arith.constant 0 : index
    %swap3A_39 = arith.constant 0 : index
    %swap3A_40 = vector.load %arg8[%swap3A, %swap3A_39] : memref<1000x256xf32, #tpu.memory_space<vmem>>, vector<1000x256xf32>
    tpu.vector_store %arg8[%swap3A, %swap3A_39], %add3A_38 {strides = array<i32>} : memref<1000x256xf32, #tpu.memory_space<vmem>>, vector<1000x256xf32>,
    return
  }
  func.func @transform_0(%arg0: i32) -> (i32, i32) {
    %c0_i32 = arith.constant 0 : i32
    %c0_i32_0 = arith.constant 0 : i32
    return %arg0, %c0_i32 : i32, i32
  }
  func.func @transform_1(%arg0: i32) -> (i32, i32) {
    %c0_i32 = arith.constant 0 : i32
    %c0_i32_0 = arith.constant 0 : i32
    %c0_i32_1 = arith.constant 0 : i32
    return %c0_i32, %c0_i32_0 : i32, i32
  }
  func.func @transform_2(%arg0: i32) -> (i32, i32) {
    %c0_i32 = arith.constant 0 : i32
    %c0_i32_0 = arith.constant 0 : i32
    %c0_i32_1 = arith.constant 0 : i32
    return %c0_i32, %c0_i32_0 : i32, i32
  }
  func.func @transform_3(%arg0: i32) -> (i32, i32) {
    %c0_i32 = arith.constant 0 : i32
    %c0_i32_0 = arith.constant 0 : i32
    %c0_i32_1 = arith.constant 0 : i32
    return %c0_i32, %c0_i32_0 : i32, i32
  }
  func.func @transform_4(%arg0: i32) -> (i32, i32) {
    %c0_i32 = arith.constant 0 : i32
    %c0_i32_0 = arith.constant 0 : i32
    %c0_i32_1 = arith.constant 0 : i32
    return %c0_i32, %c0_i32_0 : i32, i32
  }
  func.func @transform_5(%arg0: i32) -> (i32, i32) {
    %c0_i32 = arith.constant 0 : i32
    %c0_i32_0 = arith.constant 0 : i32
    %c0_i32_1 = arith.constant 0 : i32
    return %c0_i32, %c0_i32_0 : i32, i32
  }
  func.func @transform_6(%arg0: i32) -> (i32, i32) {
    %c0_i32 = arith.constant 0 : i32
    %c0_i32_0 = arith.constant 0 : i32
    %c0_i32_1 = arith.constant 0 : i32
    return %c0_i32, %c0_i32_0 : i32, i32
  }
  func.func @transform_7(%arg0: i32) -> (i32, i32) {
    %c0_i32 = arith.constant 0 : i32
    %c0_i32_0 = arith.constant 0 : i32
    return %arg0, %c0_i32 : i32, i32
  }
}

</mosaic_0001>

<sc_bundles>
// kernel: kernel.7.cloned.1.call-start
scs
__scs_entry_jumppad:
0x0: {  	(pc) =	sbr.rel $0x88, $3  }
0x1: {  	(tag) =	ssettag $0x0;
	lr =	simm.s32 $0x1  }
0x2: {  	[smem:$0x3F99] =	sst lr;
	_ =	strace $0xD0000000  }
0x3: {  	_ = 	snop  }
0x4: {  	_ = 	snop  }
0x5: {  	_ = 	snop  }
0x6: {  	_ = 	snop  }
0x7: {  	_ = 	snop  }
__scs_overlays_trampoline_lowered:
0x8: {  	[smem:$0x3FA8] =	sst s0  }
0x9: {  	[smem:$0x3FA9] =	sst s1  }
0xa: {  	[smem:$0x3FAA] =	sst s2  }
0xb: {  	[smem:$0x3FAB] =	sst s3  }
0xc: {  	[smem:$0x3FAC] =	sst s4  }
0xd: {  	[smem:$0x3FAD] =	sst s5  }
0xe: {  	[smem:$0x3FAE] =	sst s6  }
0xf: {  	[smem:$0x3FAF] =	sst s7  }
0x10: {  	[smem:$0x3FB0] =	sst s8  }
0x11: {  	[smem:$0x3FB1] =	sst s9;
	s0 =	simm.s32 @!p0 $0x0  }
0x12: {  	s1 =	sld [smem:$0x3F97];
	s0 =	simm.s32 @p0 $0x1  }
0x13: {  	[smem:$0x3FB2] =	sst s0;
	s0 =	simm.s32 @!p1 $0x0  }
0x14: {  	s2 =	sld [smem:$0x3F96];
	s0 =	simm.s32 @p1 $0x1  }
0x15: {  	[smem:$0x3FB3] =	sst s0;
	s0 =	simm.s32 @!p2 $0x0  }
0x16: {  	s3 =	sld [smem:$0x3FDB];
	s0 =	simm.s32 @p2 $0x1  }
0x17: {  	s4 =	simm.s32 $0x1BF5;
	[smem:$0x3FB5] =	sst s0  }
0x18: {  	s0 =	sld [smem:$0x3F98];
	_ =	swait.ge [sflag:s4], $0x0  }
0x19: {  	s7 =	sld [smem:$0x3F99]  }
0x1a: {  	s8 =	sadd.s32 $0xFFFFE003, lr  }
0x1b: {  	s9 =	sadd.s32 $0xFFFFFEF7, lr;
	s5 =	simm.s32 $0xFFFFFFFF;
	p2 =	slt.u32 s8, $0xFFFFF086  }
0x1c: {  	p1 =	slt.u32 s9, $0xF7A;
	s5 =	simm.s32 @!p2 $0x0  }
0x1d: {  	s5 =	simm.s32 @p1 $0x1;
	p0 =	seq.s32 s7, s2  }
0x1e: {  	s7 =	smul.u32 @!p0 $0xF7A, s2;
	p2 =	seq.s32 @!p0 s5, $0x0  }
0x1f: {  	s9 =	smul.u32 $0xF7A, s1;
	s8 =	simm.s32 @!p0 $0x1BF5;
	p2 =	por !p2, p0  }
0x20: {  	[sflag:s8] =	ssyncset.s32 @!p0 $0xFFFFF086;
	s6 =	sadd.s32 @!p0 s3, s7;
	s7 =	simm.s32 @!p0 $0x108  }
0x21: {  	s3 =	sadd.s32 s3, s9;
	s6 =	sadd.s32 @!p0 $0x88, s6;
	s7 =	simm.s32 @p2 $0x1082  }
0x22: {  	[simem:s7], [sflag:s8] =	dma.local @!p0 [hbm:s6], $0xF7A  }
0x23: {  	s9 =	sor.u32 $0xD0000000, s2;
	s6 =	simm.s32 $0x108;
	_ =	swait.ge @!p0 [sflag:s8], $0x0  }
0x24: {  	s3 =	sadd.s32 $0x88, s3;
	s6 =	simm.s32 @!p1 $0x1082;
	[sflag:s4] =	ssyncset.s32 $0xFFFFF086  }
0x25: {  	[simem:s6], [sflag:s4] =	dma.local [hbm:s3], $0xF7A  }
0x26: {  	[smem:$0x3F99] =	sst s1;
	(tag) =	ssettag s2;
	_ =	strace s9  }
0x27: {  	s1 =	sld [smem:$0x3FA9]  }
0x28: {  	s2 =	sld [smem:$0x3FAA]  }
0x29: {  	s4 =	sld [smem:$0x3FAC]  }
0x2a: {  	p0 =	seq.s32 s5, $0x0;
	s5 =	sld [smem:$0x3FAD]  }
0x2b: {  	s6 =	sld [smem:$0x3FAE]  }
0x2c: {  	s7 =	sld [smem:$0x3FAF]  }
0x2d: {  	s3 =	simm.s32 $0x108;
	s8 =	sld [smem:$0x3FB0]  }
0x2e: {  	s3 =	simm.s32 @!p0 $0x1082;
	s9 =	sld [smem:$0x3FB1]  }
0x2f: {  	lr =	sadd.s32 s0, s3;
	s0 =	sld [smem:$0x3FA8]  }
0x30: {  	s3 =	sld [smem:$0x3FAB]  }
0x31: {  	[smem:$0x3FB4] =	sst s10  }
0x32: {  	s10 =	sld [smem:$0x3FB2];
	_ =	sdelay $0x3  }
0x33: {  	p0 =	seq.s32 s10, $0x1;
	s10 =	sld [smem:$0x3FB4];
	_ =	sdelay $0x3  }
0x34: {  	[smem:$0x3FB4] =	sst s10  }
0x35: {  	s10 =	sld [smem:$0x3FB3];
	_ =	sdelay $0x3  }
0x36: {  	p1 =	seq.s32 s10, $0x1;
	s10 =	sld [smem:$0x3FB4];
	_ =	sdelay $0x3  }
0x37: {  	[smem:$0x3FB4] =	sst s10  }
0x38: {  	s10 =	sld [smem:$0x3FB5]  }
0x39: {  	_ = 	snop;
	(pc) =	sbr.ind lr, $3  }
0x3a: {  	_ = 	snop  }
0x3b: {  	_ = 	snop  }
0x3c: {  	p2 =	seq.s32 s10, $0x1;
	s10 =	sld [smem:$0x3FB4]  }
0x3d: {  	_ =	shalt  }
0x3e: {  	_ =	shalt  }
0x3f: {  	_ =	shalt  }
0x40: {  	_ =	shalt  }
0x41: {  	_ =	shalt  }
0x42: {  	_ =	shalt  }
0x43: {  	_ =	shalt  }
0x44: {  	_ =	shalt  }
0x45: {  	_ =	shalt  }
0x46: {  	_ =	shalt  }
0x47: {  	_ =	shalt  }
0x48: {  	_ =	shalt  }
0x49: {  	_ =	shalt  }
0x4a: {  	_ =	shalt  }
0x4b: {  	_ =	shalt  }
0x4c: {  	_ =	shalt  }
0x4d: {  	_ =	shalt  }
0x4e: {  	_ =	shalt  }
0x4f: {  	_ =	shalt  }
0x50: {  	_ =	shalt  }
0x51: {  	_ =	shalt  }
0x52: {  	_ =	shalt  }
0x53: {  	_ =	shalt  }
0x54: {  	_ =	shalt  }
0x55: {  	_ =	shalt  }
0x56: {  	_ =	shalt  }
0x57: {  	_ =	shalt  }
0x58: {  	_ =	shalt  }
0x59: {  	_ =	shalt  }
0x5a: {  	_ =	shalt  }
0x5b: {  	_ =	shalt  }
0x5c: {  	_ =	shalt  }
0x5d: {  	_ =	shalt  }
0x5e: {  	_ =	shalt  }
0x5f: {  	_ =	shalt  }
0x60: {  	_ =	shalt  }
0x61: {  	_ =	shalt  }
0x62: {  	_ =	shalt  }
0x63: {  	_ =	shalt  }
0x64: {  	_ =	shalt  }
0x65: {  	_ =	shalt  }
0x66: {  	_ =	shalt  }
0x67: {  	_ =	shalt  }
0x68: {  	_ =	shalt  }
0x69: {  	_ =	shalt  }
0x6a: {  	_ =	shalt  }
0x6b: {  	_ =	shalt  }
0x6c: {  	_ =	shalt  }
0x6d: {  	_ =	shalt  }
0x6e: {  	_ =	shalt  }
0x6f: {  	_ =	shalt  }
0x70: {  	_ =	shalt  }
0x71: {  	_ =	shalt  }
0x72: {  	_ =	shalt  }
0x73: {  	_ =	shalt  }
0x74: {  	_ =	shalt  }
0x75: {  	_ =	shalt  }
0x76: {  	_ =	shalt  }
0x77: {  	_ =	shalt  }
0x78: {  	_ =	shalt  }
0x79: {  	_ =	shalt  }
0x7a: {  	_ =	shalt  }
0x7b: {  	_ =	shalt  }
0x7c: {  	_ =	shalt  }
0x7d: {  	_ =	shalt  }
0x7e: {  	_ =	shalt  }
0x7f: {  	_ =	shalt  }
0x80: {  	_ =	shalt  }
0x81: {  	_ =	shalt  }
0x82: {  	_ =	shalt  }
0x83: {  	_ =	shalt  }
0x84: {  	_ =	shalt  }
0x85: {  	_ =	shalt  }
0x86: {  	_ =	shalt  }
0x87: {  	_ =	shalt  }
.Lfunc_end0:
.L_simem_size_0:
called_computation_lowered:
.L_overlay_start_0:
0x88: {  	s2 =	sld [smem:$0x3FD9]  }
0x89: {  	s3 =	sld [smem:$0x3FFE];
	_ =	sdelay $0x1  }
0x8a: {  	s1 =	srdreg.scid  }
0x8b: {  	s0 =	sand.u32 $0x1, s1  }
0x8c: {  	s17 =	sshll.u32 s0, $0xA;
	s2 =	sadd.s32 s3, s2  }
0x8d: {  	s2 =	sadd.s32 s2, s17  }
0x8e: {  	[smem:$0x3FC0] =	sst s2  }
0x8f: {  	_ = 	snop  }
0x90: {  	s2 =	sld [smem:$0x3FD0];
	(tm) =	ssettm $0x1  }
0x91: {  	s18 =	sld [smem:$0x3FFB];
	_ =	sdelay $0x3  }
0x92: {  	_ =	strace s18  }
0x93: {  	s3 =	sld [smem:$0x3FFC];
	_ =	sdelay $0x3  }
0x94: {  	_ =	strace s3  }
0x95: {  	s3 =	sld [smem:$0x3FFD];
	_ =	sdelay $0x3  }
0x96: {  	_ =	strace s3  }
0x97: {  	_ =	strace $0x8FFFFFFF  }
0x98: {  	s19 =	sld [smem:$0x3FDB];
	_ =	sdelay $0x1  }
0x99: {  	s4 =	simm.s32 $_scs_section_size  }
0x9a: {  	s5 =	simm.s32 $_size__tile_overlayer_lowered;
	s6 =	simm.s32 $_tile_overlayer_lowered  }
0x9b: {  	s22 =	simm.s32 $0x1BFF;
	s21 =	sshll.u32 s6, $0x1;
	s3 =	sadd.s32 s4, s19  }
0x9c: {  	s7 =	simm.s32 $0x0;
	s20 =	sshll.u32 s5, $0x1;
	s5 =	sadd.s32 s21, s3  }
0x9d: {  	[timem:s7], [sflag:s22] =	dma.local [hbm:s5], s20  }
0x9e: {  	_ =	swait.ge [sflag:s22], s20  }
0x9f: {  	s4 =	ssub.s32 $0x0, s20;
	[sflag:s22] =	ssyncset.done $0x0  }
0xa0: {  	[sflag:s22] =	ssyncadd.s32 s4;
	_ =	sdelay $0x1  }
0xa1: {  	s23 =	simm.s32 $0x1B8B  }
0xa2: {  	_ =	swait.ge [sflag:s23], $0x1  }
0xa3: {  	[sflag:s23] =	ssyncset.done $0x0  }
0xa4: {  	s25 =	simm.s32 $0x1B8E;
	s24 =	sld [smem:$0x3FFE];
	[sflag:s23] =	ssyncadd.s32 $0xFFFFFFFF  }
0xa5: {  	s26 =	simm.s32 $execute0_lowered;
	[smem:$0x3FD2] =	sst s25  }
0xa6: {  	s5 =	sshll.u32 s26, $0x1;
	_ =	strace $0x80000046;
	[dreg:$0x1] =	wrdreg $0xFFFFFFFF  }
0xa7: {  	s28 =	simm.s32 $_size_execute0_lowered;
	s3 =	sadd.s32 s3, s5;
	[dreg:$0x0] =	wrdreg $0x0  }
0xa8: {  	s5 =	sshll.u32 s28, $0x1;
	[dreg:$0x2] =	wrdreg s3  }
0xa9: {  	[dreg:$0x3] =	wrdreg s5  }
0xaa: {  	[dreg:$0x4] =	wrdreg $0xC0  }
0xab: {  	_ =	task [dreg:s7], $0x5FFFF  }
0xac: {  	[dreg:$0x1] =	wrdreg $0xFFFFFFFF  }
0xad: {  	[dreg:$0x0] =	wrdreg $0x60  }
0xae: {  	[dreg:$0x2] =	wrdreg s24  }
0xaf: {  	[dreg:$0x3] =	wrdreg s2  }
0xb0: {  	[dreg:$0x4] =	wrdreg $0xB8000  }
0xb1: {  	[dreg:$0x5] =	wrdreg $0x9  }
0xb2: {  	_ =	task.clear_ibuf [dreg:s7], $0x6FFFF;
	_ =	strace $0x90000046  }
0xb3: {  	s29 =	simm.s32 $0x9;
	_ =	strace $0x80000048  }
0xb4: {  	_ =	swait.ge [sflag:s29], $0x1  }
0xb5: {  	[sflag:s29] =	ssyncadd.s32 $0xFFFFFFFF  }
0xb6: {  	_ =	strace $0x90000048  }
0xb7: {  	_ =	sfence  }
0xb8: {  	s30 =	sld [smem:$0x0];
	_ =	sdelay $0x2  }
0xb9: {  	s31 =	sshll.u32 s1, $0xD;
	s1 =	sshrl.u32 s1, $0x2  }
0xba: {  	s3 =	sand.u32 $0x4000, s31;
	s1 =	sadd.s32 s1, s30  }
0xbb: {  	s0 =	sor.u32 s3, s0;
	s1 =	sshll.u32 s1, $0x11  }
0xbc: {  	s0 =	sor.u32 s1, s0  }
0xbd: {  	s0 =	sadd.s32 $0x8F2B, s0  }
0xbe: {  	[sflag:s0] =	ssyncadd.remote.s32 $0x1  }
0xbf: {  	_ =	sfence.sel $0xFFFF  }
0xc0: {  	[dreg:$0x0] =	wrdreg $0xFFFFFFFF;
	(pc) =	sbr.abs _section_cstart, $3  }
0xc1: {  	[dreg:$0x1] =	wrdreg $0xFFFFFFFF  }
0xc2: {  	_ =	task.clear_ibuf [dreg:s7], $0x2FFFF;
	_ =	strace $0x9FFFFFFF  }
0xc3: {  	(tm) =	ssettm $0x7FFFFFFF  }
tec
execute0_lowered:
.L_overlay_start_1:
0x0: {  	(tag) =	ssettag $0x1  }
0x1: {  	s0 =	rddreg [dreg:$0x0]  }
0x2: {  	s1 =	rddreg [dreg:$0x1]  }
0x3: {  	s2 =	rddreg [dreg:$0x2];
	s4 =	simm.s32 $0x0;
	s13 =	stileid.u32  }
0x4: {  	s7 =	srdreg.scid;
	s23 =	simm.s32 $0x4800;
	s17 =	simm.s32 $0x100  }
0x5: {  	s28 =	simm.s32 $0x1;
	s29 =	simm.s32 $0x2;
	s31 =	simm.s32 $0x3  }
0x6: {  	s30 =	simm.s32 $0x200;
	[smem:$0x7FF] =	sst s4;
	s3 =	smul.u32 $0xA00, s13  }
0x7: {  	s5 =	sadd.s32 $0xFFA00, s0;
	s6 =	sadd.s32 $0xD8800, s0;
	s14 =	smul.u32 $0x2780, s13  }
0x8: {  	s8 =	sadd.s32 $0xB1600, s0;
	s10 =	smul.u32 $0x4F000, s13;
	s11 =	sadd.s32 $0x15200, s0  }
0x9: {  	s7 =	sand.u32 $0x1, s7;
	s21 =	sadd.s32 $0x175C00, s0;
	s22 =	sadd.s32 $0x14E400, s0  }
0xa: {  	s24 =	sshll.u32 s13, $0x6;
	_ =	strace $0x80000047;
	[dreg:$0x5] =	wrdreg s11  }
0xb: {  	s9 =	ssub.s32 $0x2, s7;
	p0 =	seq.s32 s7, $0x1;
	[dreg:$0x7] =	wrdreg s21  }
0xc: {  	s21 =	simm.s32 $0x1000;
	s11 =	simm.s32 $0x5;
	s3 =	sadd.s32 s3, s0  }
0xd: {  	s18 =	sshrl.u32 s9, $0x1;
	s12 =	sadd.s32 s14, s0;
	s10 =	sshrl.u32 s10, $0x2  }
0xe: {  	s0 =	sadd.s32 $0x19D400, s0;
	[dreg:$0x4] =	wrdreg s14;
	s26 =	sadd.s32 s14, s22  }
0xf: {  	s14 =	simm.s32 $0x880;
	s22 =	simm.s32 $0x900;
	s9 =	ssub.s32 s9, s18  }
0x10: {  	s19 =	sadd.s32 s10, s2;
	s20 =	sadd.s32 $0x126C00, s12;
	[dreg:$0x8] =	wrdreg s0  }
0x11: {  	s15 =	sadd.s32 $0xB200, s3;
	s16 =	sadd.s32 $0x1200, s3;
	s18 =	simm.s32 $0x7  }
0x12: {  	[dreg:$0xc] =	wrdreg s26;
	s26 =	simm.s32 $0x8000;
	s3 =	simm.s32 $0x4  }
.Ltmp0:
0x13: {  	s12 =	simm.s32 $0x6;
	s0 =	simm.s32 $0x280;
	(pc) =	sbr.rel .LBB2_1-.Ltmp0, $4  }
0x14: {  	s10 =	simm.s32 $0x980;
	[dreg:$0x6] =	wrdreg s20;
	s25 =	smax.u32 s9, $0x1  }
0x15: {  	s9 =	sor.u32 $0x1C07, s24;
	s13 =	sshrl.u32 s19, $0x3;
	[dreg:$0x9] =	wrdreg s25  }
0x16: {  	s19 =	simm.s32 $0x800;
	s20 =	simm.s32 $0x70;
	[dreg:$0xa] =	wrdreg s9  }
0x17: {  	s24 =	simm.s32 $0x180;
	s25 =	simm.s32 $0x0;
	[dreg:$0xb] =	wrdreg s13  }
.LBB2_11:
0x18: {  	s7 =	sadd.s32 s25, s16;
	[sflag:s12] =	ssyncadd.s32 $0xFFFFC800  }
0x19: {  	[tilespmem:s4], [sflag:$0x7] =	stream.linear.gather [hbm4b:s7+s4], $0x480, $0x38;
	[tilespmem:$0x1F400] =	vst v63  }
0x1a: {  	_ =	swait.ge [sflag:s18], $0x480  }
0x1b: {  	[sflag:s18] =	ssyncset.done $0x0  }
0x1c: {  	s25 =	sadd.s32 s25, s15;
	[sflag:s18] =	ssyncadd.s32 $0xFFFFFB80  }
0x1d: {  	[tilespmem:s19], [sflag:$0x7] =	stream.linear.gather [hbm4b:s25+s4], $0x480, $0x38;
	[tilespmem:$0x1F400] =	vst v63  }
0x1e: {  	_ =	swait.ge [sflag:s18], $0x480  }
0x1f: {  	[sflag:s18] =	ssyncset.done $0x0  }
0x20: {  	[sflag:s18] =	ssyncadd.s32 $0xFFFFFB80  }
0x21: {  	[tilespmem:s21], [sflag:$0x1] =	stream.indirect.gather [hbm4b:s1+s20], $0x80, s4, s20, $0xb8;
	[tilespmem:$0x1F400] =	vst v63  }
0x22: {  	_ = 	snop  }
0x23: {  	[tilespmem:s23], [sflag:$0x2] =	stream.indirect.gather [hbm4b:s1+s20], $0x80, s9, s20, $0xb8;
	[tilespmem:$0x1F400] =	vst v63  }
0x24: {  	s9 =	simm.s32 $0x100  }
0x25: {  	[tilespmem:s26], [sflag:$0x3] =	stream.indirect.gather [hbm4b:s1+s20], $0x80, s9, s20, $0xb8;
	[tilespmem:$0x1F400] =	vst v63  }
0x26: {  	_ =	swait.ge [sflag:s28], $0x3800  }
0x27: {  	[sflag:s28] =	ssyncset.done $0x0  }
0x28: {  	[sflag:s28] =	ssyncadd.s32 $0xFFFFC800  }
0x29: {  	[spmem:s2] =	stream.indirect.scatter.add.f32 [tilespmem:s21], [sflag:$0x4], $0x80, s19, s20, $0xb8;
	[tilespmem:$0x1F400] =	vst v63  }
0x2a: {  	_ =	swait.ge [sflag:s29], $0x3800  }
0x2b: {  	[sflag:s29] =	ssyncset.done $0x0  }
0x2c: {  	[sflag:s29] =	ssyncadd.s32 $0xFFFFC800  }
0x2d: {  	[spmem:s2] =	stream.indirect.scatter.add.f32 [tilespmem:s23], [sflag:$0x5], $0x80, s14, s20, $0xb8;
	[tilespmem:$0x1F400] =	vst v63  }
0x2e: {  	_ =	swait.ge [sflag:s31], $0x3800  }
0x2f: {  	[sflag:s31] =	ssyncset.done $0x0  }
0x30: {  	[sflag:s31] =	ssyncadd.s32 $0xFFFFC800  }
0x31: {  	[spmem:s2] =	stream.indirect.scatter.add.f32 [tilespmem:s26], [sflag:$0x6], $0x80, s22, s20, $0xb8;
	[tilespmem:$0x1F400] =	vst v63  }
0x32: {  	_ =	swait.ge [sflag:s3], $0x3800  }
0x33: {  	[sflag:s3] =	ssyncset.done $0x0  }
0x34: {  	[sflag:s3] =	ssyncadd.s32 $0xFFFFC800  }
0x35: {  	[tilespmem:s21], [sflag:$0x1] =	stream.indirect.gather [hbm4b:s1+s20], $0x80, s24, s20, $0xb8;
	[tilespmem:$0x1F400] =	vst v63  }
0x36: {  	_ =	swait.ge [sflag:s11], $0x3800  }
0x37: {  	[sflag:s11] =	ssyncset.done $0x0  }
0x38: {  	[sflag:s11] =	ssyncadd.s32 $0xFFFFC800  }
0x39: {  	[tilespmem:s23], [sflag:$0x2] =	stream.indirect.gather [hbm4b:s1+s20], $0x80, s30, s20, $0xb8;
	[tilespmem:$0x1F400] =	vst v63  }
0x3a: {  	_ =	swait.ge [sflag:s12], $0x3800  }
0x3b: {  	[sflag:s12] =	ssyncset.done $0x0  }
0x3c: {  	[sflag:s12] =	ssyncadd.s32 $0xFFFFC800  }
0x3d: {  	[tilespmem:s26], [sflag:$0x3] =	stream.indirect.gather [hbm4b:s1+s20], $0x80, s0, s20, $0xb8;
	[tilespmem:$0x1F400] =	vst v63  }
0x3e: {  	_ =	swait.ge [sflag:s28], $0x3800  }
0x3f: {  	[sflag:s28] =	ssyncset.done $0x0  }
0x40: {  	[sflag:s28] =	ssyncadd.s32 $0xFFFFC800  }
0x41: {  	[spmem:s2] =	stream.indirect.scatter.add.f32 [tilespmem:s21], [sflag:$0x4], $0x80, s10, s20, $0xb8;
	[tilespmem:$0x1F400] =	vst v63  }
0x42: {  	_ =	swait.ge [sflag:s29], $0x3800  }
0x43: {  	[sflag:s29] =	ssyncset.done $0x0  }
0x44: {  	[sflag:s29] =	ssyncadd.s32 $0xFFFFC800  }
0x45: {  	[spmem:s2] =	stream.indirect.scatter.add.f32 [tilespmem:s23], [sflag:$0x5], $0x80, s17, s20, $0xb8;
	[tilespmem:$0x1F400] =	vst v63  }
0x46: {  	_ =	swait.ge [sflag:s31], $0x3800  }
0x47: {  	[sflag:s31] =	ssyncset.done $0x0  }
0x48: {  	s13 =	simm.s32 $0xA80;
	[sflag:s31] =	ssyncadd.s32 $0xFFFFC800  }
0x49: {  	[spmem:s2] =	stream.indirect.scatter.add.f32 [tilespmem:s26], [sflag:$0x6], $0x80, s13, s20, $0xb8;
	[tilespmem:$0x1F400] =	vst v63  }
0x4a: {  	_ =	swait.ge [sflag:s3], $0x3800  }
0x4b: {  	[sflag:s3] =	ssyncset.done $0x0  }
0x4c: {  	s17 =	simm.s32 $0x300;
	[sflag:s3] =	ssyncadd.s32 $0xFFFFC800  }
0x4d: {  	[tilespmem:s21], [sflag:$0x1] =	stream.indirect.gather [hbm4b:s1+s20], $0x80, s17, s20, $0xb8;
	[tilespmem:$0x1F400] =	vst v63  }
0x4e: {  	_ =	swait.ge [sflag:s11], $0x3800  }
0x4f: {  	[sflag:s11] =	ssyncset.done $0x0  }
0x50: {  	s25 =	simm.s32 $0x380;
	[sflag:s11] =	ssyncadd.s32 $0xFFFFC800  }
0x51: {  	[tilespmem:s23], [sflag:$0x2] =	stream.indirect.gather [hbm4b:s1+s20], $0x80, s25, s20, $0xb8;
	[tilespmem:$0x1F400] =	vst v63  }
0x52: {  	_ =	swait.ge [sflag:s12], $0x3800  }
0x53: {  	[sflag:s12] =	ssyncset.done $0x0  }
0x54: {  	s9 =	simm.s32 $0x400;
	[sflag:s12] =	ssyncadd.s32 $0xFFFFC800  }
0x55: {  	[tilespmem:s26], [sflag:$0x3] =	stream.indirect.gather [hbm4b:s1+s20], $0x80, s9, s20, $0xb8;
	[tilespmem:$0x1F400] =	vst v63  }
0x56: {  	_ =	swait.ge [sflag:s28], $0x3800  }
0x57: {  	[sflag:s28] =	ssyncset.done $0x0  }
0x58: {  	s13 =	simm.s32 $0xB00;
	[sflag:s28] =	ssyncadd.s32 $0xFFFFC800  }
0x59: {  	[spmem:s2] =	stream.indirect.scatter.add.f32 [tilespmem:s21], [sflag:$0x4], $0x80, s13, s20, $0xb8;
	[tilespmem:$0x1F400] =	vst v63  }
0x5a: {  	_ =	swait.ge [sflag:s29], $0x3800  }
0x5b: {  	[sflag:s29] =	ssyncset.done $0x0  }
0x5c: {  	s17 =	simm.s32 $0xB80;
	[sflag:s29] =	ssyncadd.s32 $0xFFFFC800  }
0x5d: {  	[spmem:s2] =	stream.indirect.scatter.add.f32 [tilespmem:s23], [sflag:$0x5], $0x80, s17, s20, $0xb8;
	[tilespmem:$0x1F400] =	vst v63  }
0x5e: {  	_ =	swait.ge [sflag:s31], $0x3800  }
0x5f: {  	[sflag:s31] =	ssyncset.done $0x0  }
0x60: {  	s25 =	simm.s32 $0xC00;
	[sflag:s31] =	ssyncadd.s32 $0xFFFFC800  }
0x61: {  	[spmem:s2] =	stream.indirect.scatter.add.f32 [tilespmem:s26], [sflag:$0x6], $0x80, s25, s20, $0xb8;
	[tilespmem:$0x1F400] =	vst v63  }
0x62: {  	_ =	swait.ge [sflag:s3], $0x3800  }
0x63: {  	[sflag:s3] =	ssyncset.done $0x0  }
0x64: {  	[sflag:s3] =	ssyncadd.s32 $0xFFFFC800  }
0x65: {  	_ =	swait.ge [sflag:s11], $0x3800  }
0x66: {  	[sflag:s11] =	ssyncset.done $0x0  }
0x67: {  	[sflag:s11] =	ssyncadd.s32 $0xFFFFC800  }
0x68: {  	_ =	swait.ge [sflag:s12], $0x3800  }
0x69: {  	[sflag:s12] =	ssyncset.done $0x0;
	s7 =	rddreg [dreg:$0x8]  }
0x6a: {  	s17 =	simm.s32 $0x100;
	s25 =	rddreg [dreg:$0xd];
	[sflag:s12] =	ssyncadd.s32 $0xFFFFC800  }
.LBB2_12:
0x6b: {  	[bflag:$0x0] =	sbarrier.arrive $0xFFFF  }
0x6c: {  	s9 =	rddreg [dreg:$0x4]  }
0x6d: {  	s13 =	rddreg [dreg:$0xb]  }
0x6e: {  	s7 =	sadd.s32 s9, s7;
	s9 =	rddreg [dreg:$0xa]  }
0x6f: {  	[hbm:s7], [sflag:s9] =	dma.local [spmem:s13], $0x2780  }
0x70: {  	_ =	swait.ge [sflag:s18], $0x2780  }
0x71: {  	s25 =	sadd.s32 $0x1, s25;
	s7 =	rddreg [dreg:$0x9]  }
0x72: {  	p1 =	sne.s32 s25, s7  }
.Ltmp1:
0x73: {  	_ = 	snop;
	(pc) =	sbr.rel @!p1 .LBB2_13-.Ltmp1, $3  }
0x74: {  	_ =	sdelay $0x1  }
0x75: {  	[sflag:s18] =	ssyncset.done $0x0  }
0x76: {  	[sflag:s18] =	ssyncadd.s32 $0xFFFFD880  }
.LBB2_1:
0x77: {  	[dreg:$0xd] =	wrdreg s25  }
0x78: {  	s7 =	rddreg [dreg:$0x5]  }
0x79: {  	[spmem:s13], [sflag:s9] =	dma.local [hbm:s7], $0x2780  }
.Ltmp2:
0x7a: {  	_ =	swait.ge [sflag:s18], $0x2780;
	(pc) =	sbr.rel @!p0 .LBB2_2-.Ltmp2, $4  }
0x7b: {  	[sflag:s18] =	ssyncset.done $0x0  }
0x7c: {  	[sflag:s18] =	ssyncadd.s32 $0xFFFFD880  }
0x7d: {  	[bflag:$0x0] =	sbarrier.arrive $0xFFFF  }
0x7e: {  	s7 =	sadd.s32 $0x0, s16  }
0x7f: {  	[tilespmem:s4], [sflag:$0x7] =	stream.linear.gather [hbm4b:s7+s4], $0x480, $0x38;
	[tilespmem:$0x1F400] =	vst v63  }
0x80: {  	_ =	swait.ge [sflag:s18], $0x480  }
0x81: {  	[sflag:s18] =	ssyncset.done $0x0  }
0x82: {  	s13 =	sadd.s32 $0x0, s15;
	[sflag:s18] =	ssyncadd.s32 $0xFFFFFB80  }
0x83: {  	[tilespmem:s19], [sflag:$0x7] =	stream.linear.gather [hbm4b:s13+s4], $0x480, $0x38;
	[tilespmem:$0x1F400] =	vst v63  }
0x84: {  	_ =	swait.ge [sflag:s18], $0x480  }
0x85: {  	[sflag:s18] =	ssyncset.done $0x0  }
0x86: {  	[sflag:s18] =	ssyncadd.s32 $0xFFFFFB80  }
0x87: {  	[tilespmem:s21], [sflag:$0x1] =	stream.indirect.gather [hbm4b:s6+s20], $0x80, s4, s20, $0xb8;
	[tilespmem:$0x1F400] =	vst v63  }
0x88: {  	s25 =	simm.s32 $0x80  }
0x89: {  	[tilespmem:s23], [sflag:$0x2] =	stream.indirect.gather [hbm4b:s6+s20], $0x80, s25, s20, $0xb8;
	[tilespmem:$0x1F400] =	vst v63  }
0x8a: {  	_ = 	snop  }
0x8b: {  	[tilespmem:s26], [sflag:$0x3] =	stream.indirect.gather [hbm4b:s6+s20], $0x80, s17, s20, $0xb8;
	[tilespmem:$0x1F400] =	vst v63  }
0x8c: {  	_ =	swait.ge [sflag:s28], $0x3800  }
0x8d: {  	[sflag:s28] =	ssyncset.done $0x0  }
0x8e: {  	[sflag:s28] =	ssyncadd.s32 $0xFFFFC800  }
0x8f: {  	[spmem:s2] =	stream.indirect.scatter.add.f32 [tilespmem:s21], [sflag:$0x4], $0x80, s19, s20, $0xb8;
	[tilespmem:$0x1F400] =	vst v63  }
0x90: {  	_ =	swait.ge [sflag:s29], $0x3800  }
0x91: {  	[sflag:s29] =	ssyncset.done $0x0  }
0x92: {  	[sflag:s29] =	ssyncadd.s32 $0xFFFFC800  }
0x93: {  	[spmem:s2] =	stream.indirect.scatter.add.f32 [tilespmem:s23], [sflag:$0x5], $0x80, s14, s20, $0xb8;
	[tilespmem:$0x1F400] =	vst v63  }
0x94: {  	_ =	swait.ge [sflag:s31], $0x3800  }
0x95: {  	[sflag:s31] =	ssyncset.done $0x0  }
0x96: {  	[sflag:s31] =	ssyncadd.s32 $0xFFFFC800  }
0x97: {  	[spmem:s2] =	stream.indirect.scatter.add.f32 [tilespmem:s26], [sflag:$0x6], $0x80, s22, s20, $0xb8;
	[tilespmem:$0x1F400] =	vst v63  }
0x98: {  	_ =	swait.ge [sflag:s3], $0x3800  }
0x99: {  	[sflag:s3] =	ssyncset.done $0x0  }
0x9a: {  	[sflag:s3] =	ssyncadd.s32 $0xFFFFC800  }
0x9b: {  	[tilespmem:s21], [sflag:$0x1] =	stream.indirect.gather [hbm4b:s6+s20], $0x80, s24, s20, $0xb8;
	[tilespmem:$0x1F400] =	vst v63  }
0x9c: {  	_ =	swait.ge [sflag:s11], $0x3800  }
0x9d: {  	[sflag:s11] =	ssyncset.done $0x0  }
0x9e: {  	[sflag:s11] =	ssyncadd.s32 $0xFFFFC800  }
0x9f: {  	[tilespmem:s23], [sflag:$0x2] =	stream.indirect.gather [hbm4b:s6+s20], $0x80, s30, s20, $0xb8;
	[tilespmem:$0x1F400] =	vst v63  }
0xa0: {  	_ =	swait.ge [sflag:s12], $0x3800  }
0xa1: {  	[sflag:s12] =	ssyncset.done $0x0  }
0xa2: {  	[sflag:s12] =	ssyncadd.s32 $0xFFFFC800  }
0xa3: {  	[tilespmem:s26], [sflag:$0x3] =	stream.indirect.gather [hbm4b:s6+s20], $0x80, s0, s20, $0xb8;
	[tilespmem:$0x1F400] =	vst v63  }
0xa4: {  	_ =	swait.ge [sflag:s28], $0x3800  }
0xa5: {  	[sflag:s28] =	ssyncset.done $0x0  }
0xa6: {  	[sflag:s28] =	ssyncadd.s32 $0xFFFFC800  }
0xa7: {  	[spmem:s2] =	stream.indirect.scatter.add.f32 [tilespmem:s21], [sflag:$0x4], $0x80, s10, s20, $0xb8;
	[tilespmem:$0x1F400] =	vst v63  }
0xa8: {  	_ =	swait.ge [sflag:s29], $0x3800  }
0xa9: {  	[sflag:s29] =	ssyncset.done $0x0  }
0xaa: {  	s9 =	simm.s32 $0xA00;
	[sflag:s29] =	ssyncadd.s32 $0xFFFFC800  }
0xab: {  	[spmem:s2] =	stream.indirect.scatter.add.f32 [tilespmem:s23], [sflag:$0x5], $0x80, s9, s20, $0xb8;
	[tilespmem:$0x1F400] =	vst v63  }
0xac: {  	_ =	swait.ge [sflag:s31], $0x3800  }
0xad: {  	[sflag:s31] =	ssyncset.done $0x0  }
0xae: {  	s10 =	simm.s32 $0xA80;
	[sflag:s31] =	ssyncadd.s32 $0xFFFFC800  }
0xaf: {  	[spmem:s2] =	stream.indirect.scatter.add.f32 [tilespmem:s26], [sflag:$0x6], $0x80, s10, s20, $0xb8;
	[tilespmem:$0x1F400] =	vst v63  }
0xb0: {  	_ =	swait.ge [sflag:s3], $0x3800  }
0xb1: {  	[sflag:s3] =	ssyncset.done $0x0  }
0xb2: {  	s13 =	simm.s32 $0x300;
	[sflag:s3] =	ssyncadd.s32 $0xFFFFC800  }
0xb3: {  	[tilespmem:s21], [sflag:$0x1] =	stream.indirect.gather [hbm4b:s6+s20], $0x80, s13, s20, $0xb8;
	[tilespmem:$0x1F400] =	vst v63  }
0xb4: {  	_ =	swait.ge [sflag:s11], $0x3800  }
0xb5: {  	[sflag:s11] =	ssyncset.done $0x0  }
0xb6: {  	s14 =	simm.s32 $0x380;
	[sflag:s11] =	ssyncadd.s32 $0xFFFFC800  }
0xb7: {  	[tilespmem:s23], [sflag:$0x2] =	stream.indirect.gather [hbm4b:s6+s20], $0x80, s14, s20, $0xb8;
	[tilespmem:$0x1F400] =	vst v63  }
0xb8: {  	_ =	swait.ge [sflag:s12], $0x3800  }
0xb9: {  	[sflag:s12] =	ssyncset.done $0x0  }
0xba: {  	s17 =	simm.s32 $0x400;
	[sflag:s12] =	ssyncadd.s32 $0xFFFFC800  }
0xbb: {  	[tilespmem:s26], [sflag:$0x3] =	stream.indirect.gather [hbm4b:s6+s20], $0x80, s17, s20, $0xb8;
	[tilespmem:$0x1F400] =	vst v63  }
0xbc: {  	_ =	swait.ge [sflag:s28], $0x3800  }
0xbd: {  	[sflag:s28] =	ssyncset.done $0x0  }
0xbe: {  	s22 =	simm.s32 $0xB00;
	[sflag:s28] =	ssyncadd.s32 $0xFFFFC800  }
0xbf: {  	[spmem:s2] =	stream.indirect.scatter.add.f32 [tilespmem:s21], [sflag:$0x4], $0x80, s22, s20, $0xb8;
	[tilespmem:$0x1F400] =	vst v63  }
0xc0: {  	_ =	swait.ge [sflag:s29], $0x3800  }
0xc1: {  	[sflag:s29] =	ssyncset.done $0x0  }
0xc2: {  	s24 =	simm.s32 $0xB80;
	[sflag:s29] =	ssyncadd.s32 $0xFFFFC800  }
0xc3: {  	[spmem:s2] =	stream.indirect.scatter.add.f32 [tilespmem:s23], [sflag:$0x5], $0x80, s24, s20, $0xb8;
	[tilespmem:$0x1F400] =	vst v63  }
0xc4: {  	_ =	swait.ge [sflag:s31], $0x3800  }
0xc5: {  	[sflag:s31] =	ssyncset.done $0x0  }
0xc6: {  	s25 =	simm.s32 $0xC00;
	[sflag:s31] =	ssyncadd.s32 $0xFFFFC800  }
0xc7: {  	[spmem:s2] =	stream.indirect.scatter.add.f32 [tilespmem:s26], [sflag:$0x6], $0x80, s25, s20, $0xb8;
	[tilespmem:$0x1F400] =	vst v63  }
0xc8: {  	_ =	swait.ge [sflag:s3], $0x3800  }
0xc9: {  	[sflag:s3] =	ssyncset.done $0x0  }
0xca: {  	[sflag:s3] =	ssyncadd.s32 $0xFFFFC800  }
0xcb: {  	_ =	swait.ge [sflag:s11], $0x3800  }
0xcc: {  	s7 =	simm.s32 $0x200;
	s30 =	simm.s32 $0x980;
	[sflag:s11] =	ssyncset.done $0x0  }
0xcd: {  	s0 =	simm.s32 $0x900;
	s10 =	simm.s32 $0x880;
	[sflag:s11] =	ssyncadd.s32 $0xFFFFC800  }
0xce: {  	s17 =	simm.s32 $0x180;
	s22 =	simm.s32 $0x200;
	_ =	swait.ge [sflag:s12], $0x3800  }
0xcf: {  	s24 =	simm.s32 $0x280;
	s25 =	simm.s32 $0x100;
	[sflag:s12] =	ssyncset.done $0x0  }
.LBB2_8:
0xd0: {  	s9 =	sadd.s32 s25, s16  }
0xd1: {  	[sflag:s12] =	ssyncadd.s32 $0xFFFFC800;
	s14 =	smov.u32 s7;
	s13 =	sadd.s32 $0x100, s7  }
0xd2: {  	[tilespmem:s4], [sflag:$0x7] =	stream.linear.gather [hbm4b:s9+s4], $0x480, $0x38;
	[tilespmem:$0x1F400] =	vst v63  }
0xd3: {  	s9 =	simm.s32 $0xA80  }
0xd4: {  	p1 =	sne.s32 s7, $0x900;
	_ =	swait.ge [sflag:s18], $0x480  }
0xd5: {  	s7 =	sadd.s32 s25, s15;
	[sflag:s18] =	ssyncset.done $0x0  }
0xd6: {  	s25 =	smov.u32 s14;
	s14 =	simm.s32 $0x80;
	[sflag:s18] =	ssyncadd.s32 $0xFFFFFB80  }
0xd7: {  	[tilespmem:s19], [sflag:$0x7] =	stream.linear.gather [hbm4b:s7+s4], $0x480, $0x38;
	[tilespmem:$0x1F400] =	vst v63  }
0xd8: {  	_ =	swait.ge [sflag:s18], $0x480  }
0xd9: {  	[sflag:s18] =	ssyncset.done $0x0  }
0xda: {  	[sflag:s18] =	ssyncadd.s32 $0xFFFFFB80  }
0xdb: {  	[tilespmem:s21], [sflag:$0x1] =	stream.indirect.gather [hbm4b:s6+s20], $0x80, s4, s20, $0xb8;
	[tilespmem:$0x1F400] =	vst v63  }
0xdc: {  	_ = 	snop  }
0xdd: {  	[tilespmem:s23], [sflag:$0x2] =	stream.indirect.gather [hbm4b:s6+s20], $0x80, s14, s20, $0xb8;
	[tilespmem:$0x1F400] =	vst v63  }
0xde: {  	s7 =	simm.s32 $0x100  }
0xdf: {  	[tilespmem:s26], [sflag:$0x3] =	stream.indirect.gather [hbm4b:s6+s20], $0x80, s7, s20, $0xb8;
	[tilespmem:$0x1F400] =	vst v63  }
0xe0: {  	_ =	swait.ge [sflag:s28], $0x3800  }
0xe1: {  	[sflag:s28] =	ssyncset.done $0x0  }
0xe2: {  	[sflag:s28] =	ssyncadd.s32 $0xFFFFC800  }
0xe3: {  	[spmem:s2] =	stream.indirect.scatter.add.f32 [tilespmem:s21], [sflag:$0x4], $0x80, s19, s20, $0xb8;
	[tilespmem:$0x1F400] =	vst v63  }
0xe4: {  	_ =	swait.ge [sflag:s29], $0x3800  }
0xe5: {  	[sflag:s29] =	ssyncset.done $0x0  }
0xe6: {  	[sflag:s29] =	ssyncadd.s32 $0xFFFFC800  }
0xe7: {  	[spmem:s2] =	stream.indirect.scatter.add.f32 [tilespmem:s23], [sflag:$0x5], $0x80, s10, s20, $0xb8;
	[tilespmem:$0x1F400] =	vst v63  }
0xe8: {  	_ =	swait.ge [sflag:s31], $0x3800  }
0xe9: {  	[sflag:s31] =	ssyncset.done $0x0  }
0xea: {  	[sflag:s31] =	ssyncadd.s32 $0xFFFFC800  }
0xeb: {  	[spmem:s2] =	stream.indirect.scatter.add.f32 [tilespmem:s26], [sflag:$0x6], $0x80, s0, s20, $0xb8;
	[tilespmem:$0x1F400] =	vst v63  }
0xec: {  	_ =	swait.ge [sflag:s3], $0x3800  }
0xed: {  	[sflag:s3] =	ssyncset.done $0x0  }
0xee: {  	[sflag:s3] =	ssyncadd.s32 $0xFFFFC800  }
0xef: {  	[tilespmem:s21], [sflag:$0x1] =	stream.indirect.gather [hbm4b:s6+s20], $0x80, s17, s20, $0xb8;
	[tilespmem:$0x1F400] =	vst v63  }
0xf0: {  	_ =	swait.ge [sflag:s11], $0x3800  }
0xf1: {  	[sflag:s11] =	ssyncset.done $0x0  }
0xf2: {  	[sflag:s11] =	ssyncadd.s32 $0xFFFFC800  }
0xf3: {  	[tilespmem:s23], [sflag:$0x2] =	stream.indirect.gather [hbm4b:s6+s20], $0x80, s22, s20, $0xb8;
	[tilespmem:$0x1F400] =	vst v63  }
0xf4: {  	_ =	swait.ge [sflag:s12], $0x3800  }
0xf5: {  	[sflag:s12] =	ssyncset.done $0x0  }
0xf6: {  	[sflag:s12] =	ssyncadd.s32 $0xFFFFC800  }
0xf7: {  	[tilespmem:s26], [sflag:$0x3] =	stream.indirect.gather [hbm4b:s6+s20], $0x80, s24, s20, $0xb8;
	[tilespmem:$0x1F400] =	vst v63  }
0xf8: {  	_ =	swait.ge [sflag:s28], $0x3800  }
0xf9: {  	[sflag:s28] =	ssyncset.done $0x0  }
0xfa: {  	[sflag:s28] =	ssyncadd.s32 $0xFFFFC800  }
0xfb: {  	[spmem:s2] =	stream.indirect.scatter.add.f32 [tilespmem:s21], [sflag:$0x4], $0x80, s30, s20, $0xb8;
	[tilespmem:$0x1F400] =	vst v63  }
0xfc: {  	_ =	swait.ge [sflag:s29], $0x3800  }
0xfd: {  	[sflag:s29] =	ssyncset.done $0x0  }
0xfe: {  	s7 =	simm.s32 $0xA00;
	[sflag:s29] =	ssyncadd.s32 $0xFFFFC800  }
0xff: {  	[spmem:s2] =	stream.indirect.scatter.add.f32 [tilespmem:s23], [sflag:$0x5], $0x80, s7, s20, $0xb8;
	[tilespmem:$0x1F400] =	vst v63  }
0x100: {  	_ =	swait.ge [sflag:s31], $0x3800  }
0x101: {  	[sflag:s31] =	ssyncset.done $0x0  }
0x102: {  	[sflag:s31] =	ssyncadd.s32 $0xFFFFC800  }
0x103: {  	[spmem:s2] =	stream.indirect.scatter.add.f32 [tilespmem:s26], [sflag:$0x6], $0x80, s9, s20, $0xb8;
	[tilespmem:$0x1F400] =	vst v63  }
0x104: {  	_ =	swait.ge [sflag:s3], $0x3800  }
0x105: {  	[sflag:s3] =	ssyncset.done $0x0  }
0x106: {  	s7 =	simm.s32 $0x300;
	[sflag:s3] =	ssyncadd.s32 $0xFFFFC800  }
0x107: {  	[tilespmem:s21], [sflag:$0x1] =	stream.indirect.gather [hbm4b:s6+s20], $0x80, s7, s20, $0xb8;
	[tilespmem:$0x1F400] =	vst v63  }
0x108: {  	_ =	swait.ge [sflag:s11], $0x3800  }
0x109: {  	[sflag:s11] =	ssyncset.done $0x0  }
0x10a: {  	s7 =	simm.s32 $0x380;
	[sflag:s11] =	ssyncadd.s32 $0xFFFFC800  }
0x10b: {  	[tilespmem:s23], [sflag:$0x2] =	stream.indirect.gather [hbm4b:s6+s20], $0x80, s7, s20, $0xb8;
	[tilespmem:$0x1F400] =	vst v63  }
0x10c: {  	_ =	swait.ge [sflag:s12], $0x3800  }
0x10d: {  	[sflag:s12] =	ssyncset.done $0x0  }
0x10e: {  	s7 =	simm.s32 $0x400;
	[sflag:s12] =	ssyncadd.s32 $0xFFFFC800  }
0x10f: {  	[tilespmem:s26], [sflag:$0x3] =	stream.indirect.gather [hbm4b:s6+s20], $0x80, s7, s20, $0xb8;
	[tilespmem:$0x1F400] =	vst v63  }
0x110: {  	_ =	swait.ge [sflag:s28], $0x3800  }
0x111: {  	[sflag:s28] =	ssyncset.done $0x0  }
0x112: {  	s7 =	simm.s32 $0xB00;
	[sflag:s28] =	ssyncadd.s32 $0xFFFFC800  }
0x113: {  	[spmem:s2] =	stream.indirect.scatter.add.f32 [tilespmem:s21], [sflag:$0x4], $0x80, s7, s20, $0xb8;
	[tilespmem:$0x1F400] =	vst v63  }
0x114: {  	_ =	swait.ge [sflag:s29], $0x3800  }
0x115: {  	[sflag:s29] =	ssyncset.done $0x0  }
0x116: {  	s7 =	simm.s32 $0xB80;
	[sflag:s29] =	ssyncadd.s32 $0xFFFFC800  }
0x117: {  	[spmem:s2] =	stream.indirect.scatter.add.f32 [tilespmem:s23], [sflag:$0x5], $0x80, s7, s20, $0xb8;
	[tilespmem:$0x1F400] =	vst v63  }
0x118: {  	_ =	swait.ge [sflag:s31], $0x3800  }
0x119: {  	[sflag:s31] =	ssyncset.done $0x0  }
0x11a: {  	s7 =	simm.s32 $0xC00;
	[sflag:s31] =	ssyncadd.s32 $0xFFFFC800  }
0x11b: {  	[spmem:s2] =	stream.indirect.scatter.add.f32 [tilespmem:s26], [sflag:$0x6], $0x80, s7, s20, $0xb8;
	[tilespmem:$0x1F400] =	vst v63  }
0x11c: {  	_ =	swait.ge [sflag:s3], $0x3800  }
0x11d: {  	[sflag:s3] =	ssyncset.done $0x0  }
0x11e: {  	[sflag:s3] =	ssyncadd.s32 $0xFFFFC800  }
.Ltmp3:
0x11f: {  	_ =	swait.ge [sflag:s11], $0x3800;
	(pc) =	sbr.rel @p1 .LBB2_8-.Ltmp3, $4  }
0x120: {  	[sflag:s11] =	ssyncset.done $0x0  }
0x121: {  	[sflag:s11] =	ssyncadd.s32 $0xFFFFC800  }
0x122: {  	_ =	swait.ge [sflag:s12], $0x3800  }
0x123: {  	s7 =	smov.u32 s13;
	[sflag:s12] =	ssyncset.done $0x0  }
0x124: {  	s7 =	sadd.s32 s25, s16;
	[sflag:s12] =	ssyncadd.s32 $0xFFFFC800  }
0x125: {  	[tilespmem:s4], [sflag:$0x7] =	stream.linear.gather [hbm4b:s7+s4], $0x480, $0x38;
	[tilespmem:$0x1F400] =	vst v63  }
0x126: {  	_ =	swait.ge [sflag:s18], $0x480  }
0x127: {  	[sflag:s18] =	ssyncset.done $0x0  }
0x128: {  	s0 =	sadd.s32 s25, s15;
	[sflag:s18] =	ssyncadd.s32 $0xFFFFFB80  }
0x129: {  	[tilespmem:s19], [sflag:$0x7] =	stream.linear.gather [hbm4b:s0+s4], $0x480, $0x38;
	[tilespmem:$0x1F400] =	vst v63  }
0x12a: {  	_ =	swait.ge [sflag:s18], $0x480  }
0x12b: {  	[sflag:s18] =	ssyncset.done $0x0  }
0x12c: {  	[sflag:s18] =	ssyncadd.s32 $0xFFFFFB80  }
0x12d: {  	[tilespmem:s21], [sflag:$0x1] =	stream.indirect.gather [hbm4b:s6+s20], $0x80, s4, s20, $0xb8;
	[tilespmem:$0x1F400] =	vst v63  }
0x12e: {  	_ = 	snop  }
0x12f: {  	[tilespmem:s23], [sflag:$0x2] =	stream.indirect.gather [hbm4b:s6+s20], $0x80, s14, s20, $0xb8;
	[tilespmem:$0x1F400] =	vst v63  }
0x130: {  	s17 =	simm.s32 $0x100  }
0x131: {  	[tilespmem:s26], [sflag:$0x3] =	stream.indirect.gather [hbm4b:s6+s20], $0x80, s17, s20, $0xb8;
	[tilespmem:$0x1F400] =	vst v63  }
0x132: {  	_ =	swait.ge [sflag:s28], $0x3800  }
0x133: {  	[sflag:s28] =	ssyncset.done $0x0  }
0x134: {  	[sflag:s28] =	ssyncadd.s32 $0xFFFFC800  }
0x135: {  	[spmem:s2] =	stream.indirect.scatter.add.f32 [tilespmem:s21], [sflag:$0x4], $0x80, s19, s20, $0xb8;
	[tilespmem:$0x1F400] =	vst v63  }
0x136: {  	_ =	swait.ge [sflag:s29], $0x3800  }
0x137: {  	[sflag:s29] =	ssyncset.done $0x0  }
0x138: {  	s0 =	simm.s32 $0x880;
	[sflag:s29] =	ssyncadd.s32 $0xFFFFC800  }
0x139: {  	[spmem:s2] =	stream.indirect.scatter.add.f32 [tilespmem:s23], [sflag:$0x5], $0x80, s0, s20, $0xb8;
	[tilespmem:$0x1F400] =	vst v63  }
0x13a: {  	_ =	swait.ge [sflag:s31], $0x3800  }
0x13b: {  	[sflag:s31] =	ssyncset.done $0x0  }
0x13c: {  	s10 =	simm.s32 $0x900;
	[sflag:s31] =	ssyncadd.s32 $0xFFFFC800  }
0x13d: {  	[spmem:s2] =	stream.indirect.scatter.add.f32 [tilespmem:s26], [sflag:$0x6], $0x80, s10, s20, $0xb8;
	[tilespmem:$0x1F400] =	vst v63  }
0x13e: {  	_ =	swait.ge [sflag:s3], $0x3800  }
0x13f: {  	[sflag:s3] =	ssyncset.done $0x0  }
0x140: {  	s13 =	simm.s32 $0x180;
	[sflag:s3] =	ssyncadd.s32 $0xFFFFC800  }
0x141: {  	[tilespmem:s21], [sflag:$0x1] =	stream.indirect.gather [hbm4b:s6+s20], $0x80, s13, s20, $0xb8;
	[tilespmem:$0x1F400] =	vst v63  }
0x142: {  	_ =	swait.ge [sflag:s11], $0x3800  }
0x143: {  	[sflag:s11] =	ssyncset.done $0x0  }
0x144: {  	s22 =	simm.s32 $0x200;
	[sflag:s11] =	ssyncadd.s32 $0xFFFFC800  }
0x145: {  	[tilespmem:s23], [sflag:$0x2] =	stream.indirect.gather [hbm4b:s6+s20], $0x80, s22, s20, $0xb8;
	[tilespmem:$0x1F400] =	vst v63  }
0x146: {  	_ =	swait.ge [sflag:s12], $0x3800  }
0x147: {  	[sflag:s12] =	ssyncset.done $0x0  }
0x148: {  	s24 =	simm.s32 $0x280;
	[sflag:s12] =	ssyncadd.s32 $0xFFFFC800  }
0x149: {  	[tilespmem:s26], [sflag:$0x3] =	stream.indirect.gather [hbm4b:s6+s20], $0x80, s24, s20, $0xb8;
	[tilespmem:$0x1F400] =	vst v63  }
0x14a: {  	_ =	swait.ge [sflag:s28], $0x3800  }
0x14b: {  	[sflag:s28] =	ssyncset.done $0x0  }
0x14c: {  	s25 =	simm.s32 $0x980;
	[sflag:s28] =	ssyncadd.s32 $0xFFFFC800  }
0x14d: {  	[spmem:s2] =	stream.indirect.scatter.add.f32 [tilespmem:s21], [sflag:$0x4], $0x80, s25, s20, $0xb8;
	[tilespmem:$0x1F400] =	vst v63  }
0x14e: {  	_ =	swait.ge [sflag:s29], $0x3800  }
0x14f: {  	[sflag:s29] =	ssyncset.done $0x0  }
0x150: {  	s7 =	simm.s32 $0xA00;
	[sflag:s29] =	ssyncadd.s32 $0xFFFFC800  }
0x151: {  	[spmem:s2] =	stream.indirect.scatter.add.f32 [tilespmem:s23], [sflag:$0x5], $0x80, s7, s20, $0xb8;
	[tilespmem:$0x1F400] =	vst v63  }
0x152: {  	_ =	swait.ge [sflag:s31], $0x3800  }
0x153: {  	[sflag:s31] =	ssyncset.done $0x0  }
0x154: {  	[sflag:s31] =	ssyncadd.s32 $0xFFFFC800  }
0x155: {  	[spmem:s2] =	stream.indirect.scatter.add.f32 [tilespmem:s26], [sflag:$0x6], $0x80, s9, s20, $0xb8;
	[tilespmem:$0x1F400] =	vst v63  }
0x156: {  	_ =	swait.ge [sflag:s3], $0x3800  }
0x157: {  	[sflag:s3] =	ssyncset.done $0x0  }
0x158: {  	s10 =	simm.s32 $0x300;
	[sflag:s3] =	ssyncadd.s32 $0xFFFFC800  }
0x159: {  	[tilespmem:s21], [sflag:$0x1] =	stream.indirect.gather [hbm4b:s6+s20], $0x80, s10, s20, $0xb8;
	[tilespmem:$0x1F400] =	vst v63  }
0x15a: {  	_ =	swait.ge [sflag:s11], $0x3800  }
0x15b: {  	[sflag:s11] =	ssyncset.done $0x0  }
0x15c: {  	s0 =	simm.s32 $0x380;
	[sflag:s11] =	ssyncadd.s32 $0xFFFFC800  }
0x15d: {  	[tilespmem:s23], [sflag:$0x2] =	stream.indirect.gather [hbm4b:s6+s20], $0x80, s0, s20, $0xb8;
	[tilespmem:$0x1F400] =	vst v63  }
0x15e: {  	_ =	swait.ge [sflag:s12], $0x3800  }
0x15f: {  	[sflag:s12] =	ssyncset.done $0x0  }
0x160: {  	s25 =	simm.s32 $0x400;
	[sflag:s12] =	ssyncadd.s32 $0xFFFFC800  }
0x161: {  	[tilespmem:s26], [sflag:$0x3] =	stream.indirect.gather [hbm4b:s6+s20], $0x80, s25, s20, $0xb8;
	[tilespmem:$0x1F400] =	vst v63  }
0x162: {  	_ =	swait.ge [sflag:s28], $0x3800  }
0x163: {  	[sflag:s28] =	ssyncset.done $0x0  }
0x164: {  	s24 =	simm.s32 $0xB00;
	[sflag:s28] =	ssyncadd.s32 $0xFFFFC800  }
0x165: {  	[spmem:s2] =	stream.indirect.scatter.add.f32 [tilespmem:s21], [sflag:$0x4], $0x80, s24, s20, $0xb8;
	[tilespmem:$0x1F400] =	vst v63  }
0x166: {  	_ =	swait.ge [sflag:s29], $0x3800  }
0x167: {  	[sflag:s29] =	ssyncset.done $0x0  }
0x168: {  	s22 =	simm.s32 $0xB80;
	[sflag:s29] =	ssyncadd.s32 $0xFFFFC800  }
0x169: {  	[spmem:s2] =	stream.indirect.scatter.add.f32 [tilespmem:s23], [sflag:$0x5], $0x80, s22, s20, $0xb8;
	[tilespmem:$0x1F400] =	vst v63  }
0x16a: {  	_ =	swait.ge [sflag:s31], $0x3800  }
0x16b: {  	[sflag:s31] =	ssyncset.done $0x0  }
0x16c: {  	s30 =	simm.s32 $0xC00;
	[sflag:s31] =	ssyncadd.s32 $0xFFFFC800  }
0x16d: {  	[spmem:s2] =	stream.indirect.scatter.add.f32 [tilespmem:s26], [sflag:$0x6], $0x80, s30, s20, $0xb8;
	[tilespmem:$0x1F400] =	vst v63  }
0x16e: {  	_ =	swait.ge [sflag:s3], $0x3800  }
0x16f: {  	[sflag:s3] =	ssyncset.done $0x0  }
0x170: {  	[sflag:s3] =	ssyncadd.s32 $0xFFFFC800  }
0x171: {  	_ =	swait.ge [sflag:s11], $0x3800  }
0x172: {  	[sflag:s11] =	ssyncset.done $0x0  }
0x173: {  	[sflag:s11] =	ssyncadd.s32 $0xFFFFC800  }
0x174: {  	_ =	swait.ge [sflag:s12], $0x3800  }
0x175: {  	[sflag:s12] =	ssyncset.done $0x0  }
0x176: {  	[sflag:s12] =	ssyncadd.s32 $0xFFFFC800  }
0x177: {  	[bflag:$0x0] =	sbarrier.arrive $0xFFFF  }
0x178: {  	s9 =	rddreg [dreg:$0xa]  }
0x179: {  	s13 =	rddreg [dreg:$0xb]  }
0x17a: {  	s7 =	rddreg [dreg:$0xc]  }
0x17b: {  	[hbm:s7], [sflag:s9] =	dma.local [spmem:s13], $0x2780  }
0x17c: {  	_ =	swait.ge [sflag:s18], $0x2780  }
0x17d: {  	[sflag:s18] =	ssyncset.done $0x0  }
0x17e: {  	s7 =	rddreg [dreg:$0x5];
	[sflag:s18] =	ssyncadd.s32 $0xFFFFD880  }
0x17f: {  	[spmem:s13], [sflag:s9] =	dma.local [hbm:s7], $0x2780  }
0x180: {  	_ =	swait.ge [sflag:s18], $0x2780  }
0x181: {  	[sflag:s18] =	ssyncset.done $0x0  }
0x182: {  	[sflag:s18] =	ssyncadd.s32 $0xFFFFD880  }
0x183: {  	s9 =	sadd.s32 $0x0, s16;
	[bflag:$0x0] =	sbarrier.arrive $0xFFFF  }
0x184: {  	[tilespmem:s4], [sflag:$0x7] =	stream.linear.gather [hbm4b:s9+s4], $0x480, $0x38;
	[tilespmem:$0x1F400] =	vst v63  }
0x185: {  	_ =	swait.ge [sflag:s18], $0x480  }
0x186: {  	[sflag:s18] =	ssyncset.done $0x0  }
0x187: {  	s13 =	sadd.s32 $0x0, s15;
	[sflag:s18] =	ssyncadd.s32 $0xFFFFFB80  }
0x188: {  	[tilespmem:s19], [sflag:$0x7] =	stream.linear.gather [hbm4b:s13+s4], $0x480, $0x38;
	[tilespmem:$0x1F400] =	vst v63  }
0x189: {  	_ =	swait.ge [sflag:s18], $0x480  }
0x18a: {  	[sflag:s18] =	ssyncset.done $0x0  }
0x18b: {  	[sflag:s18] =	ssyncadd.s32 $0xFFFFFB80  }
0x18c: {  	[tilespmem:s21], [sflag:$0x1] =	stream.indirect.gather [hbm4b:s1+s20], $0x80, s4, s20, $0xb8;
	[tilespmem:$0x1F400] =	vst v63  }
0x18d: {  	_ = 	snop  }
0x18e: {  	[tilespmem:s23], [sflag:$0x2] =	stream.indirect.gather [hbm4b:s1+s20], $0x80, s14, s20, $0xb8;
	[tilespmem:$0x1F400] =	vst v63  }
0x18f: {  	_ = 	snop  }
0x190: {  	[tilespmem:s26], [sflag:$0x3] =	stream.indirect.gather [hbm4b:s1+s20], $0x80, s17, s20, $0xb8;
	[tilespmem:$0x1F400] =	vst v63  }
0x191: {  	_ =	swait.ge [sflag:s28], $0x3800  }
0x192: {  	[sflag:s28] =	ssyncset.done $0x0  }
0x193: {  	[sflag:s28] =	ssyncadd.s32 $0xFFFFC800  }
0x194: {  	[spmem:s2] =	stream.indirect.scatter.add.f32 [tilespmem:s21], [sflag:$0x4], $0x80, s19, s20, $0xb8;
	[tilespmem:$0x1F400] =	vst v63  }
0x195: {  	_ =	swait.ge [sflag:s29], $0x3800  }
0x196: {  	[sflag:s29] =	ssyncset.done $0x0  }
0x197: {  	s17 =	simm.s32 $0x880;
	[sflag:s29] =	ssyncadd.s32 $0xFFFFC800  }
0x198: {  	[spmem:s2] =	stream.indirect.scatter.add.f32 [tilespmem:s23], [sflag:$0x5], $0x80, s17, s20, $0xb8;
	[tilespmem:$0x1F400] =	vst v63  }
0x199: {  	_ =	swait.ge [sflag:s31], $0x3800  }
0x19a: {  	[sflag:s31] =	ssyncset.done $0x0  }
0x19b: {  	s9 =	simm.s32 $0x900;
	[sflag:s31] =	ssyncadd.s32 $0xFFFFC800  }
0x19c: {  	[spmem:s2] =	stream.indirect.scatter.add.f32 [tilespmem:s26], [sflag:$0x6], $0x80, s9, s20, $0xb8;
	[tilespmem:$0x1F400] =	vst v63  }
0x19d: {  	_ =	swait.ge [sflag:s3], $0x3800  }
0x19e: {  	[sflag:s3] =	ssyncset.done $0x0  }
0x19f: {  	s13 =	simm.s32 $0x180;
	[sflag:s3] =	ssyncadd.s32 $0xFFFFC800  }
0x1a0: {  	[tilespmem:s21], [sflag:$0x1] =	stream.indirect.gather [hbm4b:s1+s20], $0x80, s13, s20, $0xb8;
	[tilespmem:$0x1F400] =	vst v63  }
0x1a1: {  	_ =	swait.ge [sflag:s11], $0x3800  }
0x1a2: {  	[sflag:s11] =	ssyncset.done $0x0  }
0x1a3: {  	s14 =	simm.s32 $0x200;
	[sflag:s11] =	ssyncadd.s32 $0xFFFFC800  }
0x1a4: {  	[tilespmem:s23], [sflag:$0x2] =	stream.indirect.gather [hbm4b:s1+s20], $0x80, s14, s20, $0xb8;
	[tilespmem:$0x1F400] =	vst v63  }
0x1a5: {  	_ =	swait.ge [sflag:s12], $0x3800  }
0x1a6: {  	[sflag:s12] =	ssyncset.done $0x0  }
0x1a7: {  	s17 =	simm.s32 $0x280;
	[sflag:s12] =	ssyncadd.s32 $0xFFFFC800  }
0x1a8: {  	[tilespmem:s26], [sflag:$0x3] =	stream.indirect.gather [hbm4b:s1+s20], $0x80, s17, s20, $0xb8;
	[tilespmem:$0x1F400] =	vst v63  }
0x1a9: {  	_ =	swait.ge [sflag:s28], $0x3800  }
0x1aa: {  	[sflag:s28] =	ssyncset.done $0x0  }
0x1ab: {  	s9 =	simm.s32 $0x980;
	[sflag:s28] =	ssyncadd.s32 $0xFFFFC800  }
0x1ac: {  	[spmem:s2] =	stream.indirect.scatter.add.f32 [tilespmem:s21], [sflag:$0x4], $0x80, s9, s20, $0xb8;
	[tilespmem:$0x1F400] =	vst v63  }
0x1ad: {  	_ =	swait.ge [sflag:s29], $0x3800  }
0x1ae: {  	[sflag:s29] =	ssyncset.done $0x0  }
0x1af: {  	s13 =	simm.s32 $0xA00;
	[sflag:s29] =	ssyncadd.s32 $0xFFFFC800  }
0x1b0: {  	[spmem:s2] =	stream.indirect.scatter.add.f32 [tilespmem:s23], [sflag:$0x5], $0x80, s13, s20, $0xb8;
	[tilespmem:$0x1F400] =	vst v63  }
0x1b1: {  	_ =	swait.ge [sflag:s31], $0x3800  }
0x1b2: {  	[sflag:s31] =	ssyncset.done $0x0  }
0x1b3: {  	s14 =	simm.s32 $0xA80;
	[sflag:s31] =	ssyncadd.s32 $0xFFFFC800  }
0x1b4: {  	[spmem:s2] =	stream.indirect.scatter.add.f32 [tilespmem:s26], [sflag:$0x6], $0x80, s14, s20, $0xb8;
	[tilespmem:$0x1F400] =	vst v63  }
0x1b5: {  	_ =	swait.ge [sflag:s3], $0x3800  }
0x1b6: {  	[sflag:s3] =	ssyncset.done $0x0  }
0x1b7: {  	[sflag:s3] =	ssyncadd.s32 $0xFFFFC800  }
0x1b8: {  	[tilespmem:s21], [sflag:$0x1] =	stream.indirect.gather [hbm4b:s1+s20], $0x80, s10, s20, $0xb8;
	[tilespmem:$0x1F400] =	vst v63  }
0x1b9: {  	_ =	swait.ge [sflag:s11], $0x3800  }
0x1ba: {  	[sflag:s11] =	ssyncset.done $0x0  }
0x1bb: {  	[sflag:s11] =	ssyncadd.s32 $0xFFFFC800  }
0x1bc: {  	[tilespmem:s23], [sflag:$0x2] =	stream.indirect.gather [hbm4b:s1+s20], $0x80, s0, s20, $0xb8;
	[tilespmem:$0x1F400] =	vst v63  }
0x1bd: {  	_ =	swait.ge [sflag:s12], $0x3800  }
0x1be: {  	[sflag:s12] =	ssyncset.done $0x0  }
0x1bf: {  	[sflag:s12] =	ssyncadd.s32 $0xFFFFC800  }
0x1c0: {  	[tilespmem:s26], [sflag:$0x3] =	stream.indirect.gather [hbm4b:s1+s20], $0x80, s25, s20, $0xb8;
	[tilespmem:$0x1F400] =	vst v63  }
0x1c1: {  	_ =	swait.ge [sflag:s28], $0x3800  }
0x1c2: {  	[sflag:s28] =	ssyncset.done $0x0  }
0x1c3: {  	[sflag:s28] =	ssyncadd.s32 $0xFFFFC800  }
0x1c4: {  	[spmem:s2] =	stream.indirect.scatter.add.f32 [tilespmem:s21], [sflag:$0x4], $0x80, s24, s20, $0xb8;
	[tilespmem:$0x1F400] =	vst v63  }
0x1c5: {  	_ =	swait.ge [sflag:s29], $0x3800  }
0x1c6: {  	[sflag:s29] =	ssyncset.done $0x0  }
0x1c7: {  	[sflag:s29] =	ssyncadd.s32 $0xFFFFC800  }
0x1c8: {  	[spmem:s2] =	stream.indirect.scatter.add.f32 [tilespmem:s23], [sflag:$0x5], $0x80, s22, s20, $0xb8;
	[tilespmem:$0x1F400] =	vst v63  }
0x1c9: {  	_ =	swait.ge [sflag:s31], $0x3800  }
0x1ca: {  	[sflag:s31] =	ssyncset.done $0x0  }
0x1cb: {  	[sflag:s31] =	ssyncadd.s32 $0xFFFFC800  }
0x1cc: {  	[spmem:s2] =	stream.indirect.scatter.add.f32 [tilespmem:s26], [sflag:$0x6], $0x80, s30, s20, $0xb8;
	[tilespmem:$0x1F400] =	vst v63  }
0x1cd: {  	_ =	swait.ge [sflag:s3], $0x3800  }
0x1ce: {  	[sflag:s3] =	ssyncset.done $0x0  }
0x1cf: {  	[sflag:s3] =	ssyncadd.s32 $0xFFFFC800  }
0x1d0: {  	_ =	swait.ge [sflag:s11], $0x3800  }
0x1d1: {  	s7 =	simm.s32 $0x200;
	s17 =	simm.s32 $0xA00;
	[sflag:s11] =	ssyncset.done $0x0  }
0x1d2: {  	s10 =	simm.s32 $0x980;
	s0 =	simm.s32 $0x280;
	[sflag:s11] =	ssyncadd.s32 $0xFFFFC800  }
0x1d3: {  	s25 =	simm.s32 $0x100;
	s24 =	simm.s32 $0x180;
	_ =	swait.ge [sflag:s12], $0x3800  }
0x1d4: {  	s22 =	simm.s32 $0x900;
	s30 =	simm.s32 $0x200;
	[sflag:s12] =	ssyncset.done $0x0  }
.LBB2_10:
0x1d5: {  	s9 =	sadd.s32 s25, s16  }
0x1d6: {  	[sflag:s12] =	ssyncadd.s32 $0xFFFFC800;
	s14 =	smov.u32 s7;
	s13 =	sadd.s32 $0x100, s7  }
0x1d7: {  	[tilespmem:s4], [sflag:$0x7] =	stream.linear.gather [hbm4b:s9+s4], $0x480, $0x38;
	[tilespmem:$0x1F400] =	vst v63  }
0x1d8: {  	p1 =	sne.s32 s7, $0x900;
	_ =	swait.ge [sflag:s18], $0x480  }
0x1d9: {  	s7 =	sadd.s32 s25, s15;
	s25 =	smov.u32 s14;
	[sflag:s18] =	ssyncset.done $0x0  }
0x1da: {  	s14 =	simm.s32 $0x880;
	s9 =	simm.s32 $0x80;
	[sflag:s18] =	ssyncadd.s32 $0xFFFFFB80  }
0x1db: {  	[tilespmem:s19], [sflag:$0x7] =	stream.linear.gather [hbm4b:s7+s4], $0x480, $0x38;
	[tilespmem:$0x1F400] =	vst v63  }
0x1dc: {  	_ =	swait.ge [sflag:s18], $0x480  }
0x1dd: {  	[sflag:s18] =	ssyncset.done $0x0  }
0x1de: {  	[sflag:s18] =	ssyncadd.s32 $0xFFFFFB80  }
0x1df: {  	[tilespmem:s21], [sflag:$0x1] =	stream.indirect.gather [hbm4b:s1+s20], $0x80, s4, s20, $0xb8;
	[tilespmem:$0x1F400] =	vst v63  }
0x1e0: {  	_ = 	snop  }
0x1e1: {  	[tilespmem:s23], [sflag:$0x2] =	stream.indirect.gather [hbm4b:s1+s20], $0x80, s9, s20, $0xb8;
	[tilespmem:$0x1F400] =	vst v63  }
0x1e2: {  	s7 =	simm.s32 $0x100  }
0x1e3: {  	[tilespmem:s26], [sflag:$0x3] =	stream.indirect.gather [hbm4b:s1+s20], $0x80, s7, s20, $0xb8;
	[tilespmem:$0x1F400] =	vst v63  }
0x1e4: {  	_ =	swait.ge [sflag:s28], $0x3800  }
0x1e5: {  	[sflag:s28] =	ssyncset.done $0x0  }
0x1e6: {  	[sflag:s28] =	ssyncadd.s32 $0xFFFFC800  }
0x1e7: {  	[spmem:s2] =	stream.indirect.scatter.add.f32 [tilespmem:s21], [sflag:$0x4], $0x80, s19, s20, $0xb8;
	[tilespmem:$0x1F400] =	vst v63  }
0x1e8: {  	_ =	swait.ge [sflag:s29], $0x3800  }
0x1e9: {  	[sflag:s29] =	ssyncset.done $0x0  }
0x1ea: {  	[sflag:s29] =	ssyncadd.s32 $0xFFFFC800  }
0x1eb: {  	[spmem:s2] =	stream.indirect.scatter.add.f32 [tilespmem:s23], [sflag:$0x5], $0x80, s14, s20, $0xb8;
	[tilespmem:$0x1F400] =	vst v63  }
0x1ec: {  	_ =	swait.ge [sflag:s31], $0x3800  }
0x1ed: {  	[sflag:s31] =	ssyncset.done $0x0  }
0x1ee: {  	[sflag:s31] =	ssyncadd.s32 $0xFFFFC800  }
0x1ef: {  	[spmem:s2] =	stream.indirect.scatter.add.f32 [tilespmem:s26], [sflag:$0x6], $0x80, s22, s20, $0xb8;
	[tilespmem:$0x1F400] =	vst v63  }
0x1f0: {  	_ =	swait.ge [sflag:s3], $0x3800  }
0x1f1: {  	[sflag:s3] =	ssyncset.done $0x0  }
0x1f2: {  	[sflag:s3] =	ssyncadd.s32 $0xFFFFC800  }
0x1f3: {  	[tilespmem:s21], [sflag:$0x1] =	stream.indirect.gather [hbm4b:s1+s20], $0x80, s24, s20, $0xb8;
	[tilespmem:$0x1F400] =	vst v63  }
0x1f4: {  	_ =	swait.ge [sflag:s11], $0x3800  }
0x1f5: {  	[sflag:s11] =	ssyncset.done $0x0  }
0x1f6: {  	[sflag:s11] =	ssyncadd.s32 $0xFFFFC800  }
0x1f7: {  	[tilespmem:s23], [sflag:$0x2] =	stream.indirect.gather [hbm4b:s1+s20], $0x80, s30, s20, $0xb8;
	[tilespmem:$0x1F400] =	vst v63  }
0x1f8: {  	_ =	swait.ge [sflag:s12], $0x3800  }
0x1f9: {  	[sflag:s12] =	ssyncset.done $0x0  }
0x1fa: {  	[sflag:s12] =	ssyncadd.s32 $0xFFFFC800  }
0x1fb: {  	[tilespmem:s26], [sflag:$0x3] =	stream.indirect.gather [hbm4b:s1+s20], $0x80, s0, s20, $0xb8;
	[tilespmem:$0x1F400] =	vst v63  }
0x1fc: {  	_ =	swait.ge [sflag:s28], $0x3800  }
0x1fd: {  	[sflag:s28] =	ssyncset.done $0x0  }
0x1fe: {  	[sflag:s28] =	ssyncadd.s32 $0xFFFFC800  }
0x1ff: {  	[spmem:s2] =	stream.indirect.scatter.add.f32 [tilespmem:s21], [sflag:$0x4], $0x80, s10, s20, $0xb8;
	[tilespmem:$0x1F400] =	vst v63  }
0x200: {  	_ =	swait.ge [sflag:s29], $0x3800  }
0x201: {  	[sflag:s29] =	ssyncset.done $0x0  }
0x202: {  	[sflag:s29] =	ssyncadd.s32 $0xFFFFC800  }
0x203: {  	[spmem:s2] =	stream.indirect.scatter.add.f32 [tilespmem:s23], [sflag:$0x5], $0x80, s17, s20, $0xb8;
	[tilespmem:$0x1F400] =	vst v63  }
0x204: {  	_ =	swait.ge [sflag:s31], $0x3800  }
0x205: {  	[sflag:s31] =	ssyncset.done $0x0  }
0x206: {  	s7 =	simm.s32 $0xA80;
	[sflag:s31] =	ssyncadd.s32 $0xFFFFC800  }
0x207: {  	[spmem:s2] =	stream.indirect.scatter.add.f32 [tilespmem:s26], [sflag:$0x6], $0x80, s7, s20, $0xb8;
	[tilespmem:$0x1F400] =	vst v63  }
0x208: {  	_ =	swait.ge [sflag:s3], $0x3800  }
0x209: {  	[sflag:s3] =	ssyncset.done $0x0  }
0x20a: {  	s7 =	simm.s32 $0x300;
	[sflag:s3] =	ssyncadd.s32 $0xFFFFC800  }
0x20b: {  	[tilespmem:s21], [sflag:$0x1] =	stream.indirect.gather [hbm4b:s1+s20], $0x80, s7, s20, $0xb8;
	[tilespmem:$0x1F400] =	vst v63  }
0x20c: {  	_ =	swait.ge [sflag:s11], $0x3800  }
0x20d: {  	[sflag:s11] =	ssyncset.done $0x0  }
0x20e: {  	s7 =	simm.s32 $0x380;
	[sflag:s11] =	ssyncadd.s32 $0xFFFFC800  }
0x20f: {  	[tilespmem:s23], [sflag:$0x2] =	stream.indirect.gather [hbm4b:s1+s20], $0x80, s7, s20, $0xb8;
	[tilespmem:$0x1F400] =	vst v63  }
0x210: {  	_ =	swait.ge [sflag:s12], $0x3800  }
0x211: {  	[sflag:s12] =	ssyncset.done $0x0  }
0x212: {  	s7 =	simm.s32 $0x400;
	[sflag:s12] =	ssyncadd.s32 $0xFFFFC800  }
0x213: {  	[tilespmem:s26], [sflag:$0x3] =	stream.indirect.gather [hbm4b:s1+s20], $0x80, s7, s20, $0xb8;
	[tilespmem:$0x1F400] =	vst v63  }
0x214: {  	_ =	swait.ge [sflag:s28], $0x3800  }
0x215: {  	[sflag:s28] =	ssyncset.done $0x0  }
0x216: {  	s7 =	simm.s32 $0xB00;
	[sflag:s28] =	ssyncadd.s32 $0xFFFFC800  }
0x217: {  	[spmem:s2] =	stream.indirect.scatter.add.f32 [tilespmem:s21], [sflag:$0x4], $0x80, s7, s20, $0xb8;
	[tilespmem:$0x1F400] =	vst v63  }
0x218: {  	_ =	swait.ge [sflag:s29], $0x3800  }
0x219: {  	[sflag:s29] =	ssyncset.done $0x0  }
0x21a: {  	s7 =	simm.s32 $0xB80;
	[sflag:s29] =	ssyncadd.s32 $0xFFFFC800  }
0x21b: {  	[spmem:s2] =	stream.indirect.scatter.add.f32 [tilespmem:s23], [sflag:$0x5], $0x80, s7, s20, $0xb8;
	[tilespmem:$0x1F400] =	vst v63  }
0x21c: {  	_ =	swait.ge [sflag:s31], $0x3800  }
0x21d: {  	[sflag:s31] =	ssyncset.done $0x0  }
0x21e: {  	s7 =	simm.s32 $0xC00;
	[sflag:s31] =	ssyncadd.s32 $0xFFFFC800  }
0x21f: {  	[spmem:s2] =	stream.indirect.scatter.add.f32 [tilespmem:s26], [sflag:$0x6], $0x80, s7, s20, $0xb8;
	[tilespmem:$0x1F400] =	vst v63  }
0x220: {  	_ =	swait.ge [sflag:s3], $0x3800  }
0x221: {  	[sflag:s3] =	ssyncset.done $0x0  }
0x222: {  	[sflag:s3] =	ssyncadd.s32 $0xFFFFC800  }
.Ltmp4:
0x223: {  	_ =	swait.ge [sflag:s11], $0x3800;
	(pc) =	sbr.rel @p1 .LBB2_10-.Ltmp4, $4  }
0x224: {  	[sflag:s11] =	ssyncset.done $0x0  }
0x225: {  	[sflag:s11] =	ssyncadd.s32 $0xFFFFC800  }
0x226: {  	_ =	swait.ge [sflag:s12], $0x3800  }
0x227: {  	s7 =	smov.u32 s13;
	[sflag:s12] =	ssyncset.done $0x0  }
.Ltmp5:
0x228: {  	_ = 	snop;
	(pc) =	sbr.rel .LBB2_11-.Ltmp5, $1  }
0x229: {  	_ =	sdelay $0x3  }
.LBB2_2:
0x22a: {  	[tilespmem:s4], [sflag:$0x7] =	stream.linear.gather [hbm4b:s7+s4], $0x480, $0x38;
	[tilespmem:$0x1F400] =	vst v63  }
0x22b: {  	_ =	swait.ge [sflag:s18], $0x480  }
0x22c: {  	[sflag:s18] =	ssyncset.done $0x0  }
0x22d: {  	s13 =	sadd.s32 $0x0, s15;
	[sflag:s18] =	ssyncadd.s32 $0xFFFFFB80  }
0x22e: {  	[tilespmem:s19], [sflag:$0x7] =	stream.linear.gather [hbm4b:s13+s4], $0x480, $0x38;
	[tilespmem:$0x1F400] =	vst v63  }
0x22f: {  	_ =	swait.ge [sflag:s18], $0x480  }
0x230: {  	[sflag:s18] =	ssyncset.done $0x0  }
0x231: {  	[sflag:s18] =	ssyncadd.s32 $0xFFFFFB80  }
0x232: {  	[tilespmem:s21], [sflag:$0x1] =	stream.indirect.gather [hbm4b:s5+s20], $0x80, s4, s20, $0xb8;
	[tilespmem:$0x1F400] =	vst v63  }
0x233: {  	s25 =	simm.s32 $0x80  }
0x234: {  	[tilespmem:s23], [sflag:$0x2] =	stream.indirect.gather [hbm4b:s5+s20], $0x80, s25, s20, $0xb8;
	[tilespmem:$0x1F400] =	vst v63  }
0x235: {  	_ = 	snop  }
0x236: {  	[tilespmem:s26], [sflag:$0x3] =	stream.indirect.gather [hbm4b:s5+s20], $0x80, s17, s20, $0xb8;
	[tilespmem:$0x1F400] =	vst v63  }
0x237: {  	_ =	swait.ge [sflag:s28], $0x3800  }
0x238: {  	[sflag:s28] =	ssyncset.done $0x0  }
0x239: {  	[sflag:s28] =	ssyncadd.s32 $0xFFFFC800  }
0x23a: {  	[spmem:s2] =	stream.indirect.scatter.add.f32 [tilespmem:s21], [sflag:$0x4], $0x80, s19, s20, $0xb8;
	[tilespmem:$0x1F400] =	vst v63  }
0x23b: {  	_ =	swait.ge [sflag:s29], $0x3800  }
0x23c: {  	[sflag:s29] =	ssyncset.done $0x0  }
0x23d: {  	[sflag:s29] =	ssyncadd.s32 $0xFFFFC800  }
0x23e: {  	[spmem:s2] =	stream.indirect.scatter.add.f32 [tilespmem:s23], [sflag:$0x5], $0x80, s14, s20, $0xb8;
	[tilespmem:$0x1F400] =	vst v63  }
0x23f: {  	_ =	swait.ge [sflag:s31], $0x3800  }
0x240: {  	[sflag:s31] =	ssyncset.done $0x0  }
0x241: {  	[sflag:s31] =	ssyncadd.s32 $0xFFFFC800  }
0x242: {  	[spmem:s2] =	stream.indirect.scatter.add.f32 [tilespmem:s26], [sflag:$0x6], $0x80, s22, s20, $0xb8;
	[tilespmem:$0x1F400] =	vst v63  }
0x243: {  	_ =	swait.ge [sflag:s3], $0x3800  }
0x244: {  	[sflag:s3] =	ssyncset.done $0x0  }
0x245: {  	[sflag:s3] =	ssyncadd.s32 $0xFFFFC800  }
0x246: {  	[tilespmem:s21], [sflag:$0x1] =	stream.indirect.gather [hbm4b:s5+s20], $0x80, s24, s20, $0xb8;
	[tilespmem:$0x1F400] =	vst v63  }
0x247: {  	_ =	swait.ge [sflag:s11], $0x3800  }
0x248: {  	[sflag:s11] =	ssyncset.done $0x0  }
0x249: {  	[sflag:s11] =	ssyncadd.s32 $0xFFFFC800  }
0x24a: {  	[tilespmem:s23], [sflag:$0x2] =	stream.indirect.gather [hbm4b:s5+s20], $0x80, s30, s20, $0xb8;
	[tilespmem:$0x1F400] =	vst v63  }
0x24b: {  	_ =	swait.ge [sflag:s12], $0x3800  }
0x24c: {  	[sflag:s12] =	ssyncset.done $0x0  }
0x24d: {  	[sflag:s12] =	ssyncadd.s32 $0xFFFFC800  }
0x24e: {  	[tilespmem:s26], [sflag:$0x3] =	stream.indirect.gather [hbm4b:s5+s20], $0x80, s0, s20, $0xb8;
	[tilespmem:$0x1F400] =	vst v63  }
0x24f: {  	_ =	swait.ge [sflag:s28], $0x3800  }
0x250: {  	[sflag:s28] =	ssyncset.done $0x0  }
0x251: {  	[sflag:s28] =	ssyncadd.s32 $0xFFFFC800  }
0x252: {  	[spmem:s2] =	stream.indirect.scatter.add.f32 [tilespmem:s21], [sflag:$0x4], $0x80, s10, s20, $0xb8;
	[tilespmem:$0x1F400] =	vst v63  }
0x253: {  	_ =	swait.ge [sflag:s29], $0x3800  }
0x254: {  	[sflag:s29] =	ssyncset.done $0x0  }
0x255: {  	s9 =	simm.s32 $0xA00;
	[sflag:s29] =	ssyncadd.s32 $0xFFFFC800  }
0x256: {  	[spmem:s2] =	stream.indirect.scatter.add.f32 [tilespmem:s23], [sflag:$0x5], $0x80, s9, s20, $0xb8;
	[tilespmem:$0x1F400] =	vst v63  }
0x257: {  	_ =	swait.ge [sflag:s31], $0x3800  }
0x258: {  	[sflag:s31] =	ssyncset.done $0x0  }
0x259: {  	s10 =	simm.s32 $0xA80;
	[sflag:s31] =	ssyncadd.s32 $0xFFFFC800  }
0x25a: {  	[spmem:s2] =	stream.indirect.scatter.add.f32 [tilespmem:s26], [sflag:$0x6], $0x80, s10, s20, $0xb8;
	[tilespmem:$0x1F400] =	vst v63  }
0x25b: {  	_ =	swait.ge [sflag:s3], $0x3800  }
0x25c: {  	[sflag:s3] =	ssyncset.done $0x0  }
0x25d: {  	s13 =	simm.s32 $0x300;
	[sflag:s3] =	ssyncadd.s32 $0xFFFFC800  }
0x25e: {  	[tilespmem:s21], [sflag:$0x1] =	stream.indirect.gather [hbm4b:s5+s20], $0x80, s13, s20, $0xb8;
	[tilespmem:$0x1F400] =	vst v63  }
0x25f: {  	_ =	swait.ge [sflag:s11], $0x3800  }
0x260: {  	[sflag:s11] =	ssyncset.done $0x0  }
0x261: {  	s14 =	simm.s32 $0x380;
	[sflag:s11] =	ssyncadd.s32 $0xFFFFC800  }
0x262: {  	[tilespmem:s23], [sflag:$0x2] =	stream.indirect.gather [hbm4b:s5+s20], $0x80, s14, s20, $0xb8;
	[tilespmem:$0x1F400] =	vst v63  }
0x263: {  	_ =	swait.ge [sflag:s12], $0x3800  }
0x264: {  	[sflag:s12] =	ssyncset.done $0x0  }
0x265: {  	s17 =	simm.s32 $0x400;
	[sflag:s12] =	ssyncadd.s32 $0xFFFFC800  }
0x266: {  	[tilespmem:s26], [sflag:$0x3] =	stream.indirect.gather [hbm4b:s5+s20], $0x80, s17, s20, $0xb8;
	[tilespmem:$0x1F400] =	vst v63  }
0x267: {  	_ =	swait.ge [sflag:s28], $0x3800  }
0x268: {  	[sflag:s28] =	ssyncset.done $0x0  }
0x269: {  	s22 =	simm.s32 $0xB00;
	[sflag:s28] =	ssyncadd.s32 $0xFFFFC800  }
0x26a: {  	[spmem:s2] =	stream.indirect.scatter.add.f32 [tilespmem:s21], [sflag:$0x4], $0x80, s22, s20, $0xb8;
	[tilespmem:$0x1F400] =	vst v63  }
0x26b: {  	_ =	swait.ge [sflag:s29], $0x3800  }
0x26c: {  	[sflag:s29] =	ssyncset.done $0x0  }
0x26d: {  	s24 =	simm.s32 $0xB80;
	[sflag:s29] =	ssyncadd.s32 $0xFFFFC800  }
0x26e: {  	[spmem:s2] =	stream.indirect.scatter.add.f32 [tilespmem:s23], [sflag:$0x5], $0x80, s24, s20, $0xb8;
	[tilespmem:$0x1F400] =	vst v63  }
0x26f: {  	_ =	swait.ge [sflag:s31], $0x3800  }
0x270: {  	[sflag:s31] =	ssyncset.done $0x0  }
0x271: {  	s25 =	simm.s32 $0xC00;
	[sflag:s31] =	ssyncadd.s32 $0xFFFFC800  }
0x272: {  	[spmem:s2] =	stream.indirect.scatter.add.f32 [tilespmem:s26], [sflag:$0x6], $0x80, s25, s20, $0xb8;
	[tilespmem:$0x1F400] =	vst v63  }
0x273: {  	_ =	swait.ge [sflag:s3], $0x3800  }
0x274: {  	[sflag:s3] =	ssyncset.done $0x0  }
0x275: {  	[sflag:s3] =	ssyncadd.s32 $0xFFFFC800  }
0x276: {  	_ =	swait.ge [sflag:s11], $0x3800  }
0x277: {  	s30 =	simm.s32 $0x980;
	s0 =	simm.s32 $0x900;
	[sflag:s11] =	ssyncset.done $0x0  }
0x278: {  	s10 =	simm.s32 $0x880;
	s13 =	simm.s32 $0x200;
	[sflag:s11] =	ssyncadd.s32 $0xFFFFC800  }
0x279: {  	s17 =	simm.s32 $0x180;
	s22 =	simm.s32 $0x200;
	_ =	swait.ge [sflag:s12], $0x3800  }
0x27a: {  	s24 =	simm.s32 $0x280;
	s25 =	simm.s32 $0x100;
	[sflag:s12] =	ssyncset.done $0x0  }
.LBB2_3:
0x27b: {  	s9 =	sadd.s32 s25, s16  }
0x27c: {  	[sflag:s12] =	ssyncadd.s32 $0xFFFFC800;
	s14 =	smov.u32 s13;
	s7 =	sadd.s32 $0x100, s13  }
0x27d: {  	[tilespmem:s4], [sflag:$0x7] =	stream.linear.gather [hbm4b:s9+s4], $0x480, $0x38;
	[tilespmem:$0x1F400] =	vst v63  }
0x27e: {  	p1 =	sne.s32 s13, $0x900;
	_ =	swait.ge [sflag:s18], $0x480  }
0x27f: {  	s9 =	sadd.s32 s25, s15;
	[sflag:s18] =	ssyncset.done $0x0  }
0x280: {  	s25 =	smov.u32 s14;
	s14 =	simm.s32 $0x80;
	[sflag:s18] =	ssyncadd.s32 $0xFFFFFB80  }
0x281: {  	[tilespmem:s19], [sflag:$0x7] =	stream.linear.gather [hbm4b:s9+s4], $0x480, $0x38;
	[tilespmem:$0x1F400] =	vst v63  }
0x282: {  	s9 =	simm.s32 $0xA80  }
0x283: {  	_ =	swait.ge [sflag:s18], $0x480  }
0x284: {  	[sflag:s18] =	ssyncset.done $0x0  }
0x285: {  	[sflag:s18] =	ssyncadd.s32 $0xFFFFFB80  }
0x286: {  	[tilespmem:s21], [sflag:$0x1] =	stream.indirect.gather [hbm4b:s5+s20], $0x80, s4, s20, $0xb8;
	[tilespmem:$0x1F400] =	vst v63  }
0x287: {  	_ = 	snop  }
0x288: {  	[tilespmem:s23], [sflag:$0x2] =	stream.indirect.gather [hbm4b:s5+s20], $0x80, s14, s20, $0xb8;
	[tilespmem:$0x1F400] =	vst v63  }
0x289: {  	s13 =	simm.s32 $0x100  }
0x28a: {  	[tilespmem:s26], [sflag:$0x3] =	stream.indirect.gather [hbm4b:s5+s20], $0x80, s13, s20, $0xb8;
	[tilespmem:$0x1F400] =	vst v63  }
0x28b: {  	_ =	swait.ge [sflag:s28], $0x3800  }
0x28c: {  	[sflag:s28] =	ssyncset.done $0x0  }
0x28d: {  	[sflag:s28] =	ssyncadd.s32 $0xFFFFC800  }
0x28e: {  	[spmem:s2] =	stream.indirect.scatter.add.f32 [tilespmem:s21], [sflag:$0x4], $0x80, s19, s20, $0xb8;
	[tilespmem:$0x1F400] =	vst v63  }
0x28f: {  	_ =	swait.ge [sflag:s29], $0x3800  }
0x290: {  	[sflag:s29] =	ssyncset.done $0x0  }
0x291: {  	[sflag:s29] =	ssyncadd.s32 $0xFFFFC800  }
0x292: {  	[spmem:s2] =	stream.indirect.scatter.add.f32 [tilespmem:s23], [sflag:$0x5], $0x80, s10, s20, $0xb8;
	[tilespmem:$0x1F400] =	vst v63  }
0x293: {  	_ =	swait.ge [sflag:s31], $0x3800  }
0x294: {  	[sflag:s31] =	ssyncset.done $0x0  }
0x295: {  	[sflag:s31] =	ssyncadd.s32 $0xFFFFC800  }
0x296: {  	[spmem:s2] =	stream.indirect.scatter.add.f32 [tilespmem:s26], [sflag:$0x6], $0x80, s0, s20, $0xb8;
	[tilespmem:$0x1F400] =	vst v63  }
0x297: {  	_ =	swait.ge [sflag:s3], $0x3800  }
0x298: {  	[sflag:s3] =	ssyncset.done $0x0  }
0x299: {  	[sflag:s3] =	ssyncadd.s32 $0xFFFFC800  }
0x29a: {  	[tilespmem:s21], [sflag:$0x1] =	stream.indirect.gather [hbm4b:s5+s20], $0x80, s17, s20, $0xb8;
	[tilespmem:$0x1F400] =	vst v63  }
0x29b: {  	_ =	swait.ge [sflag:s11], $0x3800  }
0x29c: {  	[sflag:s11] =	ssyncset.done $0x0  }
0x29d: {  	[sflag:s11] =	ssyncadd.s32 $0xFFFFC800  }
0x29e: {  	[tilespmem:s23], [sflag:$0x2] =	stream.indirect.gather [hbm4b:s5+s20], $0x80, s22, s20, $0xb8;
	[tilespmem:$0x1F400] =	vst v63  }
0x29f: {  	_ =	swait.ge [sflag:s12], $0x3800  }
0x2a0: {  	[sflag:s12] =	ssyncset.done $0x0  }
0x2a1: {  	[sflag:s12] =	ssyncadd.s32 $0xFFFFC800  }
0x2a2: {  	[tilespmem:s26], [sflag:$0x3] =	stream.indirect.gather [hbm4b:s5+s20], $0x80, s24, s20, $0xb8;
	[tilespmem:$0x1F400] =	vst v63  }
0x2a3: {  	_ =	swait.ge [sflag:s28], $0x3800  }
0x2a4: {  	[sflag:s28] =	ssyncset.done $0x0  }
0x2a5: {  	[sflag:s28] =	ssyncadd.s32 $0xFFFFC800  }
0x2a6: {  	[spmem:s2] =	stream.indirect.scatter.add.f32 [tilespmem:s21], [sflag:$0x4], $0x80, s30, s20, $0xb8;
	[tilespmem:$0x1F400] =	vst v63  }
0x2a7: {  	_ =	swait.ge [sflag:s29], $0x3800  }
0x2a8: {  	[sflag:s29] =	ssyncset.done $0x0  }
0x2a9: {  	s13 =	simm.s32 $0xA00;
	[sflag:s29] =	ssyncadd.s32 $0xFFFFC800  }
0x2aa: {  	[spmem:s2] =	stream.indirect.scatter.add.f32 [tilespmem:s23], [sflag:$0x5], $0x80, s13, s20, $0xb8;
	[tilespmem:$0x1F400] =	vst v63  }
0x2ab: {  	_ =	swait.ge [sflag:s31], $0x3800  }
0x2ac: {  	[sflag:s31] =	ssyncset.done $0x0  }
0x2ad: {  	[sflag:s31] =	ssyncadd.s32 $0xFFFFC800  }
0x2ae: {  	[spmem:s2] =	stream.indirect.scatter.add.f32 [tilespmem:s26], [sflag:$0x6], $0x80, s9, s20, $0xb8;
	[tilespmem:$0x1F400] =	vst v63  }
0x2af: {  	_ =	swait.ge [sflag:s3], $0x3800  }
0x2b0: {  	[sflag:s3] =	ssyncset.done $0x0  }
0x2b1: {  	s13 =	simm.s32 $0x300;
	[sflag:s3] =	ssyncadd.s32 $0xFFFFC800  }
0x2b2: {  	[tilespmem:s21], [sflag:$0x1] =	stream.indirect.gather [hbm4b:s5+s20], $0x80, s13, s20, $0xb8;
	[tilespmem:$0x1F400] =	vst v63  }
0x2b3: {  	_ =	swait.ge [sflag:s11], $0x3800  }
0x2b4: {  	[sflag:s11] =	ssyncset.done $0x0  }
0x2b5: {  	s13 =	simm.s32 $0x380;
	[sflag:s11] =	ssyncadd.s32 $0xFFFFC800  }
0x2b6: {  	[tilespmem:s23], [sflag:$0x2] =	stream.indirect.gather [hbm4b:s5+s20], $0x80, s13, s20, $0xb8;
	[tilespmem:$0x1F400] =	vst v63  }
0x2b7: {  	_ =	swait.ge [sflag:s12], $0x3800  }
0x2b8: {  	[sflag:s12] =	ssyncset.done $0x0  }
0x2b9: {  	s13 =	simm.s32 $0x400;
	[sflag:s12] =	ssyncadd.s32 $0xFFFFC800  }
0x2ba: {  	[tilespmem:s26], [sflag:$0x3] =	stream.indirect.gather [hbm4b:s5+s20], $0x80, s13, s20, $0xb8;
	[tilespmem:$0x1F400] =	vst v63  }
0x2bb: {  	_ =	swait.ge [sflag:s28], $0x3800  }
0x2bc: {  	[sflag:s28] =	ssyncset.done $0x0  }
0x2bd: {  	s13 =	simm.s32 $0xB00;
	[sflag:s28] =	ssyncadd.s32 $0xFFFFC800  }
0x2be: {  	[spmem:s2] =	stream.indirect.scatter.add.f32 [tilespmem:s21], [sflag:$0x4], $0x80, s13, s20, $0xb8;
	[tilespmem:$0x1F400] =	vst v63  }
0x2bf: {  	_ =	swait.ge [sflag:s29], $0x3800  }
0x2c0: {  	[sflag:s29] =	ssyncset.done $0x0  }
0x2c1: {  	s13 =	simm.s32 $0xB80;
	[sflag:s29] =	ssyncadd.s32 $0xFFFFC800  }
0x2c2: {  	[spmem:s2] =	stream.indirect.scatter.add.f32 [tilespmem:s23], [sflag:$0x5], $0x80, s13, s20, $0xb8;
	[tilespmem:$0x1F400] =	vst v63  }
0x2c3: {  	_ =	swait.ge [sflag:s31], $0x3800  }
0x2c4: {  	[sflag:s31] =	ssyncset.done $0x0  }
0x2c5: {  	s13 =	simm.s32 $0xC00;
	[sflag:s31] =	ssyncadd.s32 $0xFFFFC800  }
0x2c6: {  	[spmem:s2] =	stream.indirect.scatter.add.f32 [tilespmem:s26], [sflag:$0x6], $0x80, s13, s20, $0xb8;
	[tilespmem:$0x1F400] =	vst v63  }
0x2c7: {  	_ =	swait.ge [sflag:s3], $0x3800  }
0x2c8: {  	[sflag:s3] =	ssyncset.done $0x0  }
0x2c9: {  	[sflag:s3] =	ssyncadd.s32 $0xFFFFC800  }
.Ltmp6:
0x2ca: {  	_ =	swait.ge [sflag:s11], $0x3800;
	(pc) =	sbr.rel @p1 .LBB2_3-.Ltmp6, $4  }
0x2cb: {  	[sflag:s11] =	ssyncset.done $0x0  }
0x2cc: {  	[sflag:s11] =	ssyncadd.s32 $0xFFFFC800  }
0x2cd: {  	_ =	swait.ge [sflag:s12], $0x3800  }
0x2ce: {  	s13 =	smov.u32 s7;
	[sflag:s12] =	ssyncset.done $0x0  }
0x2cf: {  	s7 =	sadd.s32 s25, s16;
	[sflag:s12] =	ssyncadd.s32 $0xFFFFC800  }
0x2d0: {  	[tilespmem:s4], [sflag:$0x7] =	stream.linear.gather [hbm4b:s7+s4], $0x480, $0x38;
	[tilespmem:$0x1F400] =	vst v63  }
0x2d1: {  	_ =	swait.ge [sflag:s18], $0x480  }
0x2d2: {  	[sflag:s18] =	ssyncset.done $0x0  }
0x2d3: {  	s0 =	sadd.s32 s25, s15;
	[sflag:s18] =	ssyncadd.s32 $0xFFFFFB80  }
0x2d4: {  	[tilespmem:s19], [sflag:$0x7] =	stream.linear.gather [hbm4b:s0+s4], $0x480, $0x38;
	[tilespmem:$0x1F400] =	vst v63  }
0x2d5: {  	_ =	swait.ge [sflag:s18], $0x480  }
0x2d6: {  	[sflag:s18] =	ssyncset.done $0x0  }
0x2d7: {  	[sflag:s18] =	ssyncadd.s32 $0xFFFFFB80  }
0x2d8: {  	[tilespmem:s21], [sflag:$0x1] =	stream.indirect.gather [hbm4b:s5+s20], $0x80, s4, s20, $0xb8;
	[tilespmem:$0x1F400] =	vst v63  }
0x2d9: {  	_ = 	snop  }
0x2da: {  	[tilespmem:s23], [sflag:$0x2] =	stream.indirect.gather [hbm4b:s5+s20], $0x80, s14, s20, $0xb8;
	[tilespmem:$0x1F400] =	vst v63  }
0x2db: {  	s17 =	simm.s32 $0x100  }
0x2dc: {  	[tilespmem:s26], [sflag:$0x3] =	stream.indirect.gather [hbm4b:s5+s20], $0x80, s17, s20, $0xb8;
	[tilespmem:$0x1F400] =	vst v63  }
0x2dd: {  	_ =	swait.ge [sflag:s28], $0x3800  }
0x2de: {  	[sflag:s28] =	ssyncset.done $0x0  }
0x2df: {  	[sflag:s28] =	ssyncadd.s32 $0xFFFFC800  }
0x2e0: {  	[spmem:s2] =	stream.indirect.scatter.add.f32 [tilespmem:s21], [sflag:$0x4], $0x80, s19, s20, $0xb8;
	[tilespmem:$0x1F400] =	vst v63  }
0x2e1: {  	_ =	swait.ge [sflag:s29], $0x3800  }
0x2e2: {  	[sflag:s29] =	ssyncset.done $0x0  }
0x2e3: {  	s0 =	simm.s32 $0x880;
	[sflag:s29] =	ssyncadd.s32 $0xFFFFC800  }
0x2e4: {  	[spmem:s2] =	stream.indirect.scatter.add.f32 [tilespmem:s23], [sflag:$0x5], $0x80, s0, s20, $0xb8;
	[tilespmem:$0x1F400] =	vst v63  }
0x2e5: {  	_ =	swait.ge [sflag:s31], $0x3800  }
0x2e6: {  	[sflag:s31] =	ssyncset.done $0x0  }
0x2e7: {  	s10 =	simm.s32 $0x900;
	[sflag:s31] =	ssyncadd.s32 $0xFFFFC800  }
0x2e8: {  	[spmem:s2] =	stream.indirect.scatter.add.f32 [tilespmem:s26], [sflag:$0x6], $0x80, s10, s20, $0xb8;
	[tilespmem:$0x1F400] =	vst v63  }
0x2e9: {  	_ =	swait.ge [sflag:s3], $0x3800  }
0x2ea: {  	[sflag:s3] =	ssyncset.done $0x0  }
0x2eb: {  	s13 =	simm.s32 $0x180;
	[sflag:s3] =	ssyncadd.s32 $0xFFFFC800  }
0x2ec: {  	[tilespmem:s21], [sflag:$0x1] =	stream.indirect.gather [hbm4b:s5+s20], $0x80, s13, s20, $0xb8;
	[tilespmem:$0x1F400] =	vst v63  }
0x2ed: {  	_ =	swait.ge [sflag:s11], $0x3800  }
0x2ee: {  	[sflag:s11] =	ssyncset.done $0x0  }
0x2ef: {  	s22 =	simm.s32 $0x200;
	[sflag:s11] =	ssyncadd.s32 $0xFFFFC800  }
0x2f0: {  	[tilespmem:s23], [sflag:$0x2] =	stream.indirect.gather [hbm4b:s5+s20], $0x80, s22, s20, $0xb8;
	[tilespmem:$0x1F400] =	vst v63  }
0x2f1: {  	_ =	swait.ge [sflag:s12], $0x3800  }
0x2f2: {  	[sflag:s12] =	ssyncset.done $0x0  }
0x2f3: {  	s24 =	simm.s32 $0x280;
	[sflag:s12] =	ssyncadd.s32 $0xFFFFC800  }
0x2f4: {  	[tilespmem:s26], [sflag:$0x3] =	stream.indirect.gather [hbm4b:s5+s20], $0x80, s24, s20, $0xb8;
	[tilespmem:$0x1F400] =	vst v63  }
0x2f5: {  	_ =	swait.ge [sflag:s28], $0x3800  }
0x2f6: {  	[sflag:s28] =	ssyncset.done $0x0  }
0x2f7: {  	s25 =	simm.s32 $0x980;
	[sflag:s28] =	ssyncadd.s32 $0xFFFFC800  }
0x2f8: {  	[spmem:s2] =	stream.indirect.scatter.add.f32 [tilespmem:s21], [sflag:$0x4], $0x80, s25, s20, $0xb8;
	[tilespmem:$0x1F400] =	vst v63  }
0x2f9: {  	_ =	swait.ge [sflag:s29], $0x3800  }
0x2fa: {  	[sflag:s29] =	ssyncset.done $0x0  }
0x2fb: {  	s7 =	simm.s32 $0xA00;
	[sflag:s29] =	ssyncadd.s32 $0xFFFFC800  }
0x2fc: {  	[spmem:s2] =	stream.indirect.scatter.add.f32 [tilespmem:s23], [sflag:$0x5], $0x80, s7, s20, $0xb8;
	[tilespmem:$0x1F400] =	vst v63  }
0x2fd: {  	_ =	swait.ge [sflag:s31], $0x3800  }
0x2fe: {  	[sflag:s31] =	ssyncset.done $0x0  }
0x2ff: {  	[sflag:s31] =	ssyncadd.s32 $0xFFFFC800  }
0x300: {  	[spmem:s2] =	stream.indirect.scatter.add.f32 [tilespmem:s26], [sflag:$0x6], $0x80, s9, s20, $0xb8;
	[tilespmem:$0x1F400] =	vst v63  }
0x301: {  	_ =	swait.ge [sflag:s3], $0x3800  }
0x302: {  	[sflag:s3] =	ssyncset.done $0x0  }
0x303: {  	s10 =	simm.s32 $0x300;
	[sflag:s3] =	ssyncadd.s32 $0xFFFFC800  }
0x304: {  	[tilespmem:s21], [sflag:$0x1] =	stream.indirect.gather [hbm4b:s5+s20], $0x80, s10, s20, $0xb8;
	[tilespmem:$0x1F400] =	vst v63  }
0x305: {  	_ =	swait.ge [sflag:s11], $0x3800  }
0x306: {  	[sflag:s11] =	ssyncset.done $0x0  }
0x307: {  	s0 =	simm.s32 $0x380;
	[sflag:s11] =	ssyncadd.s32 $0xFFFFC800  }
0x308: {  	[tilespmem:s23], [sflag:$0x2] =	stream.indirect.gather [hbm4b:s5+s20], $0x80, s0, s20, $0xb8;
	[tilespmem:$0x1F400] =	vst v63  }
0x309: {  	_ =	swait.ge [sflag:s12], $0x3800  }
0x30a: {  	[sflag:s12] =	ssyncset.done $0x0  }
0x30b: {  	s25 =	simm.s32 $0x400;
	[sflag:s12] =	ssyncadd.s32 $0xFFFFC800  }
0x30c: {  	[tilespmem:s26], [sflag:$0x3] =	stream.indirect.gather [hbm4b:s5+s20], $0x80, s25, s20, $0xb8;
	[tilespmem:$0x1F400] =	vst v63  }
0x30d: {  	_ =	swait.ge [sflag:s28], $0x3800  }
0x30e: {  	[sflag:s28] =	ssyncset.done $0x0  }
0x30f: {  	s24 =	simm.s32 $0xB00;
	[sflag:s28] =	ssyncadd.s32 $0xFFFFC800  }
0x310: {  	[spmem:s2] =	stream.indirect.scatter.add.f32 [tilespmem:s21], [sflag:$0x4], $0x80, s24, s20, $0xb8;
	[tilespmem:$0x1F400] =	vst v63  }
0x311: {  	_ =	swait.ge [sflag:s29], $0x3800  }
0x312: {  	[sflag:s29] =	ssyncset.done $0x0  }
0x313: {  	s22 =	simm.s32 $0xB80;
	[sflag:s29] =	ssyncadd.s32 $0xFFFFC800  }
0x314: {  	[spmem:s2] =	stream.indirect.scatter.add.f32 [tilespmem:s23], [sflag:$0x5], $0x80, s22, s20, $0xb8;
	[tilespmem:$0x1F400] =	vst v63  }
0x315: {  	_ =	swait.ge [sflag:s31], $0x3800  }
0x316: {  	[sflag:s31] =	ssyncset.done $0x0  }
0x317: {  	s30 =	simm.s32 $0xC00;
	[sflag:s31] =	ssyncadd.s32 $0xFFFFC800  }
0x318: {  	[spmem:s2] =	stream.indirect.scatter.add.f32 [tilespmem:s26], [sflag:$0x6], $0x80, s30, s20, $0xb8;
	[tilespmem:$0x1F400] =	vst v63  }
0x319: {  	_ =	swait.ge [sflag:s3], $0x3800  }
0x31a: {  	[sflag:s3] =	ssyncset.done $0x0  }
0x31b: {  	[sflag:s3] =	ssyncadd.s32 $0xFFFFC800  }
0x31c: {  	_ =	swait.ge [sflag:s11], $0x3800  }
0x31d: {  	[sflag:s11] =	ssyncset.done $0x0  }
0x31e: {  	[sflag:s11] =	ssyncadd.s32 $0xFFFFC800  }
0x31f: {  	_ =	swait.ge [sflag:s12], $0x3800  }
0x320: {  	[sflag:s12] =	ssyncset.done $0x0  }
0x321: {  	[sflag:s12] =	ssyncadd.s32 $0xFFFFC800  }
0x322: {  	[bflag:$0x0] =	sbarrier.arrive $0xFFFF  }
0x323: {  	s7 =	rddreg [dreg:$0x6]  }
0x324: {  	s9 =	rddreg [dreg:$0xa]  }
0x325: {  	s13 =	rddreg [dreg:$0xb]  }
0x326: {  	[hbm:s7], [sflag:s9] =	dma.local [spmem:s13], $0x2780  }
0x327: {  	_ =	swait.ge [sflag:s18], $0x2780  }
0x328: {  	[sflag:s18] =	ssyncset.done $0x0  }
0x329: {  	s7 =	rddreg [dreg:$0x5];
	[sflag:s18] =	ssyncadd.s32 $0xFFFFD880  }
0x32a: {  	[spmem:s13], [sflag:s9] =	dma.local [hbm:s7], $0x2780  }
0x32b: {  	_ =	swait.ge [sflag:s18], $0x2780  }
0x32c: {  	[sflag:s18] =	ssyncset.done $0x0  }
0x32d: {  	[sflag:s18] =	ssyncadd.s32 $0xFFFFD880  }
0x32e: {  	s9 =	sadd.s32 $0x0, s16;
	[bflag:$0x0] =	sbarrier.arrive $0xFFFF  }
0x32f: {  	[tilespmem:s4], [sflag:$0x7] =	stream.linear.gather [hbm4b:s9+s4], $0x480, $0x38;
	[tilespmem:$0x1F400] =	vst v63  }
0x330: {  	_ =	swait.ge [sflag:s18], $0x480  }
0x331: {  	[sflag:s18] =	ssyncset.done $0x0  }
0x332: {  	s13 =	sadd.s32 $0x0, s15;
	[sflag:s18] =	ssyncadd.s32 $0xFFFFFB80  }
0x333: {  	[tilespmem:s19], [sflag:$0x7] =	stream.linear.gather [hbm4b:s13+s4], $0x480, $0x38;
	[tilespmem:$0x1F400] =	vst v63  }
0x334: {  	_ =	swait.ge [sflag:s18], $0x480  }
0x335: {  	[sflag:s18] =	ssyncset.done $0x0  }
0x336: {  	[sflag:s18] =	ssyncadd.s32 $0xFFFFFB80  }
0x337: {  	[tilespmem:s21], [sflag:$0x1] =	stream.indirect.gather [hbm4b:s8+s20], $0x80, s4, s20, $0xb8;
	[tilespmem:$0x1F400] =	vst v63  }
0x338: {  	_ = 	snop  }
0x339: {  	[tilespmem:s23], [sflag:$0x2] =	stream.indirect.gather [hbm4b:s8+s20], $0x80, s14, s20, $0xb8;
	[tilespmem:$0x1F400] =	vst v63  }
0x33a: {  	_ = 	snop  }
0x33b: {  	[tilespmem:s26], [sflag:$0x3] =	stream.indirect.gather [hbm4b:s8+s20], $0x80, s17, s20, $0xb8;
	[tilespmem:$0x1F400] =	vst v63  }
0x33c: {  	_ =	swait.ge [sflag:s28], $0x3800  }
0x33d: {  	[sflag:s28] =	ssyncset.done $0x0  }
0x33e: {  	[sflag:s28] =	ssyncadd.s32 $0xFFFFC800  }
0x33f: {  	[spmem:s2] =	stream.indirect.scatter.add.f32 [tilespmem:s21], [sflag:$0x4], $0x80, s19, s20, $0xb8;
	[tilespmem:$0x1F400] =	vst v63  }
0x340: {  	_ =	swait.ge [sflag:s29], $0x3800  }
0x341: {  	[sflag:s29] =	ssyncset.done $0x0  }
0x342: {  	s17 =	simm.s32 $0x880;
	[sflag:s29] =	ssyncadd.s32 $0xFFFFC800  }
0x343: {  	[spmem:s2] =	stream.indirect.scatter.add.f32 [tilespmem:s23], [sflag:$0x5], $0x80, s17, s20, $0xb8;
	[tilespmem:$0x1F400] =	vst v63  }
0x344: {  	_ =	swait.ge [sflag:s31], $0x3800  }
0x345: {  	[sflag:s31] =	ssyncset.done $0x0  }
0x346: {  	s9 =	simm.s32 $0x900;
	[sflag:s31] =	ssyncadd.s32 $0xFFFFC800  }
0x347: {  	[spmem:s2] =	stream.indirect.scatter.add.f32 [tilespmem:s26], [sflag:$0x6], $0x80, s9, s20, $0xb8;
	[tilespmem:$0x1F400] =	vst v63  }
0x348: {  	_ =	swait.ge [sflag:s3], $0x3800  }
0x349: {  	[sflag:s3] =	ssyncset.done $0x0  }
0x34a: {  	s13 =	simm.s32 $0x180;
	[sflag:s3] =	ssyncadd.s32 $0xFFFFC800  }
0x34b: {  	[tilespmem:s21], [sflag:$0x1] =	stream.indirect.gather [hbm4b:s8+s20], $0x80, s13, s20, $0xb8;
	[tilespmem:$0x1F400] =	vst v63  }
0x34c: {  	_ =	swait.ge [sflag:s11], $0x3800  }
0x34d: {  	[sflag:s11] =	ssyncset.done $0x0  }
0x34e: {  	s14 =	simm.s32 $0x200;
	[sflag:s11] =	ssyncadd.s32 $0xFFFFC800  }
0x34f: {  	[tilespmem:s23], [sflag:$0x2] =	stream.indirect.gather [hbm4b:s8+s20], $0x80, s14, s20, $0xb8;
	[tilespmem:$0x1F400] =	vst v63  }
0x350: {  	_ =	swait.ge [sflag:s12], $0x3800  }
0x351: {  	[sflag:s12] =	ssyncset.done $0x0  }
0x352: {  	s17 =	simm.s32 $0x280;
	[sflag:s12] =	ssyncadd.s32 $0xFFFFC800  }
0x353: {  	[tilespmem:s26], [sflag:$0x3] =	stream.indirect.gather [hbm4b:s8+s20], $0x80, s17, s20, $0xb8;
	[tilespmem:$0x1F400] =	vst v63  }
0x354: {  	_ =	swait.ge [sflag:s28], $0x3800  }
0x355: {  	[sflag:s28] =	ssyncset.done $0x0  }
0x356: {  	s9 =	simm.s32 $0x980;
	[sflag:s28] =	ssyncadd.s32 $0xFFFFC800  }
0x357: {  	[spmem:s2] =	stream.indirect.scatter.add.f32 [tilespmem:s21], [sflag:$0x4], $0x80, s9, s20, $0xb8;
	[tilespmem:$0x1F400] =	vst v63  }
0x358: {  	_ =	swait.ge [sflag:s29], $0x3800  }
0x359: {  	[sflag:s29] =	ssyncset.done $0x0  }
0x35a: {  	s13 =	simm.s32 $0xA00;
	[sflag:s29] =	ssyncadd.s32 $0xFFFFC800  }
0x35b: {  	[spmem:s2] =	stream.indirect.scatter.add.f32 [tilespmem:s23], [sflag:$0x5], $0x80, s13, s20, $0xb8;
	[tilespmem:$0x1F400] =	vst v63  }
0x35c: {  	_ =	swait.ge [sflag:s31], $0x3800  }
0x35d: {  	[sflag:s31] =	ssyncset.done $0x0  }
0x35e: {  	s14 =	simm.s32 $0xA80;
	[sflag:s31] =	ssyncadd.s32 $0xFFFFC800  }
0x35f: {  	[spmem:s2] =	stream.indirect.scatter.add.f32 [tilespmem:s26], [sflag:$0x6], $0x80, s14, s20, $0xb8;
	[tilespmem:$0x1F400] =	vst v63  }
0x360: {  	_ =	swait.ge [sflag:s3], $0x3800  }
0x361: {  	[sflag:s3] =	ssyncset.done $0x0  }
0x362: {  	[sflag:s3] =	ssyncadd.s32 $0xFFFFC800  }
0x363: {  	[tilespmem:s21], [sflag:$0x1] =	stream.indirect.gather [hbm4b:s8+s20], $0x80, s10, s20, $0xb8;
	[tilespmem:$0x1F400] =	vst v63  }
0x364: {  	_ =	swait.ge [sflag:s11], $0x3800  }
0x365: {  	[sflag:s11] =	ssyncset.done $0x0  }
0x366: {  	[sflag:s11] =	ssyncadd.s32 $0xFFFFC800  }
0x367: {  	[tilespmem:s23], [sflag:$0x2] =	stream.indirect.gather [hbm4b:s8+s20], $0x80, s0, s20, $0xb8;
	[tilespmem:$0x1F400] =	vst v63  }
0x368: {  	_ =	swait.ge [sflag:s12], $0x3800  }
0x369: {  	[sflag:s12] =	ssyncset.done $0x0  }
0x36a: {  	[sflag:s12] =	ssyncadd.s32 $0xFFFFC800  }
0x36b: {  	[tilespmem:s26], [sflag:$0x3] =	stream.indirect.gather [hbm4b:s8+s20], $0x80, s25, s20, $0xb8;
	[tilespmem:$0x1F400] =	vst v63  }
0x36c: {  	_ =	swait.ge [sflag:s28], $0x3800  }
0x36d: {  	[sflag:s28] =	ssyncset.done $0x0  }
0x36e: {  	[sflag:s28] =	ssyncadd.s32 $0xFFFFC800  }
0x36f: {  	[spmem:s2] =	stream.indirect.scatter.add.f32 [tilespmem:s21], [sflag:$0x4], $0x80, s24, s20, $0xb8;
	[tilespmem:$0x1F400] =	vst v63  }
0x370: {  	_ =	swait.ge [sflag:s29], $0x3800  }
0x371: {  	[sflag:s29] =	ssyncset.done $0x0  }
0x372: {  	[sflag:s29] =	ssyncadd.s32 $0xFFFFC800  }
0x373: {  	[spmem:s2] =	stream.indirect.scatter.add.f32 [tilespmem:s23], [sflag:$0x5], $0x80, s22, s20, $0xb8;
	[tilespmem:$0x1F400] =	vst v63  }
0x374: {  	_ =	swait.ge [sflag:s31], $0x3800  }
0x375: {  	[sflag:s31] =	ssyncset.done $0x0  }
0x376: {  	[sflag:s31] =	ssyncadd.s32 $0xFFFFC800  }
0x377: {  	[spmem:s2] =	stream.indirect.scatter.add.f32 [tilespmem:s26], [sflag:$0x6], $0x80, s30, s20, $0xb8;
	[tilespmem:$0x1F400] =	vst v63  }
0x378: {  	_ =	swait.ge [sflag:s3], $0x3800  }
0x379: {  	[sflag:s3] =	ssyncset.done $0x0  }
0x37a: {  	[sflag:s3] =	ssyncadd.s32 $0xFFFFC800  }
0x37b: {  	_ =	swait.ge [sflag:s11], $0x3800  }
0x37c: {  	s7 =	simm.s32 $0x200;
	s17 =	simm.s32 $0xA00;
	[sflag:s11] =	ssyncset.done $0x0  }
0x37d: {  	s10 =	simm.s32 $0x980;
	s0 =	simm.s32 $0x280;
	[sflag:s11] =	ssyncadd.s32 $0xFFFFC800  }
0x37e: {  	s25 =	simm.s32 $0x100;
	s24 =	simm.s32 $0x180;
	_ =	swait.ge [sflag:s12], $0x3800  }
0x37f: {  	s22 =	simm.s32 $0x900;
	s30 =	simm.s32 $0x200;
	[sflag:s12] =	ssyncset.done $0x0  }
.LBB2_5:
0x380: {  	s9 =	sadd.s32 s25, s16  }
0x381: {  	[sflag:s12] =	ssyncadd.s32 $0xFFFFC800;
	s14 =	smov.u32 s7;
	s13 =	sadd.s32 $0x100, s7  }
0x382: {  	[tilespmem:s4], [sflag:$0x7] =	stream.linear.gather [hbm4b:s9+s4], $0x480, $0x38;
	[tilespmem:$0x1F400] =	vst v63  }
0x383: {  	p1 =	seq.s32 s7, $0x900;
	_ =	swait.ge [sflag:s18], $0x480  }
0x384: {  	s7 =	sadd.s32 s25, s15;
	s25 =	smov.u32 s14;
	[sflag:s18] =	ssyncset.done $0x0  }
0x385: {  	s14 =	simm.s32 $0x880;
	s9 =	simm.s32 $0x80;
	[sflag:s18] =	ssyncadd.s32 $0xFFFFFB80  }
0x386: {  	[tilespmem:s19], [sflag:$0x7] =	stream.linear.gather [hbm4b:s7+s4], $0x480, $0x38;
	[tilespmem:$0x1F400] =	vst v63  }
0x387: {  	_ =	swait.ge [sflag:s18], $0x480  }
0x388: {  	[sflag:s18] =	ssyncset.done $0x0  }
0x389: {  	[sflag:s18] =	ssyncadd.s32 $0xFFFFFB80  }
0x38a: {  	[tilespmem:s21], [sflag:$0x1] =	stream.indirect.gather [hbm4b:s8+s20], $0x80, s4, s20, $0xb8;
	[tilespmem:$0x1F400] =	vst v63  }
0x38b: {  	_ = 	snop  }
0x38c: {  	[tilespmem:s23], [sflag:$0x2] =	stream.indirect.gather [hbm4b:s8+s20], $0x80, s9, s20, $0xb8;
	[tilespmem:$0x1F400] =	vst v63  }
0x38d: {  	s7 =	simm.s32 $0x100  }
0x38e: {  	[tilespmem:s26], [sflag:$0x3] =	stream.indirect.gather [hbm4b:s8+s20], $0x80, s7, s20, $0xb8;
	[tilespmem:$0x1F400] =	vst v63  }
0x38f: {  	_ =	swait.ge [sflag:s28], $0x3800  }
0x390: {  	[sflag:s28] =	ssyncset.done $0x0  }
0x391: {  	[sflag:s28] =	ssyncadd.s32 $0xFFFFC800  }
0x392: {  	[spmem:s2] =	stream.indirect.scatter.add.f32 [tilespmem:s21], [sflag:$0x4], $0x80, s19, s20, $0xb8;
	[tilespmem:$0x1F400] =	vst v63  }
0x393: {  	_ =	swait.ge [sflag:s29], $0x3800  }
0x394: {  	[sflag:s29] =	ssyncset.done $0x0  }
0x395: {  	[sflag:s29] =	ssyncadd.s32 $0xFFFFC800  }
0x396: {  	[spmem:s2] =	stream.indirect.scatter.add.f32 [tilespmem:s23], [sflag:$0x5], $0x80, s14, s20, $0xb8;
	[tilespmem:$0x1F400] =	vst v63  }
0x397: {  	_ =	swait.ge [sflag:s31], $0x3800  }
0x398: {  	[sflag:s31] =	ssyncset.done $0x0  }
0x399: {  	[sflag:s31] =	ssyncadd.s32 $0xFFFFC800  }
0x39a: {  	[spmem:s2] =	stream.indirect.scatter.add.f32 [tilespmem:s26], [sflag:$0x6], $0x80, s22, s20, $0xb8;
	[tilespmem:$0x1F400] =	vst v63  }
0x39b: {  	_ =	swait.ge [sflag:s3], $0x3800  }
0x39c: {  	[sflag:s3] =	ssyncset.done $0x0  }
0x39d: {  	[sflag:s3] =	ssyncadd.s32 $0xFFFFC800  }
0x39e: {  	[tilespmem:s21], [sflag:$0x1] =	stream.indirect.gather [hbm4b:s8+s20], $0x80, s24, s20, $0xb8;
	[tilespmem:$0x1F400] =	vst v63  }
0x39f: {  	_ =	swait.ge [sflag:s11], $0x3800  }
0x3a0: {  	[sflag:s11] =	ssyncset.done $0x0  }
0x3a1: {  	[sflag:s11] =	ssyncadd.s32 $0xFFFFC800  }
0x3a2: {  	[tilespmem:s23], [sflag:$0x2] =	stream.indirect.gather [hbm4b:s8+s20], $0x80, s30, s20, $0xb8;
	[tilespmem:$0x1F400] =	vst v63  }
0x3a3: {  	_ =	swait.ge [sflag:s12], $0x3800  }
0x3a4: {  	[sflag:s12] =	ssyncset.done $0x0  }
0x3a5: {  	[sflag:s12] =	ssyncadd.s32 $0xFFFFC800  }
0x3a6: {  	[tilespmem:s26], [sflag:$0x3] =	stream.indirect.gather [hbm4b:s8+s20], $0x80, s0, s20, $0xb8;
	[tilespmem:$0x1F400] =	vst v63  }
0x3a7: {  	_ =	swait.ge [sflag:s28], $0x3800  }
0x3a8: {  	[sflag:s28] =	ssyncset.done $0x0  }
0x3a9: {  	[sflag:s28] =	ssyncadd.s32 $0xFFFFC800  }
0x3aa: {  	[spmem:s2] =	stream.indirect.scatter.add.f32 [tilespmem:s21], [sflag:$0x4], $0x80, s10, s20, $0xb8;
	[tilespmem:$0x1F400] =	vst v63  }
0x3ab: {  	_ =	swait.ge [sflag:s29], $0x3800  }
0x3ac: {  	[sflag:s29] =	ssyncset.done $0x0  }
0x3ad: {  	[sflag:s29] =	ssyncadd.s32 $0xFFFFC800  }
0x3ae: {  	[spmem:s2] =	stream.indirect.scatter.add.f32 [tilespmem:s23], [sflag:$0x5], $0x80, s17, s20, $0xb8;
	[tilespmem:$0x1F400] =	vst v63  }
0x3af: {  	_ =	swait.ge [sflag:s31], $0x3800  }
0x3b0: {  	[sflag:s31] =	ssyncset.done $0x0  }
0x3b1: {  	s7 =	simm.s32 $0xA80;
	[sflag:s31] =	ssyncadd.s32 $0xFFFFC800  }
0x3b2: {  	[spmem:s2] =	stream.indirect.scatter.add.f32 [tilespmem:s26], [sflag:$0x6], $0x80, s7, s20, $0xb8;
	[tilespmem:$0x1F400] =	vst v63  }
0x3b3: {  	_ =	swait.ge [sflag:s3], $0x3800  }
0x3b4: {  	[sflag:s3] =	ssyncset.done $0x0  }
0x3b5: {  	s7 =	simm.s32 $0x300;
	[sflag:s3] =	ssyncadd.s32 $0xFFFFC800  }
0x3b6: {  	[tilespmem:s21], [sflag:$0x1] =	stream.indirect.gather [hbm4b:s8+s20], $0x80, s7, s20, $0xb8;
	[tilespmem:$0x1F400] =	vst v63  }
0x3b7: {  	_ =	swait.ge [sflag:s11], $0x3800  }
0x3b8: {  	[sflag:s11] =	ssyncset.done $0x0  }
0x3b9: {  	s7 =	simm.s32 $0x380;
	[sflag:s11] =	ssyncadd.s32 $0xFFFFC800  }
0x3ba: {  	[tilespmem:s23], [sflag:$0x2] =	stream.indirect.gather [hbm4b:s8+s20], $0x80, s7, s20, $0xb8;
	[tilespmem:$0x1F400] =	vst v63  }
0x3bb: {  	_ =	swait.ge [sflag:s12], $0x3800  }
0x3bc: {  	[sflag:s12] =	ssyncset.done $0x0  }
0x3bd: {  	s7 =	simm.s32 $0x400;
	[sflag:s12] =	ssyncadd.s32 $0xFFFFC800  }
0x3be: {  	[tilespmem:s26], [sflag:$0x3] =	stream.indirect.gather [hbm4b:s8+s20], $0x80, s7, s20, $0xb8;
	[tilespmem:$0x1F400] =	vst v63  }
0x3bf: {  	_ =	swait.ge [sflag:s28], $0x3800  }
0x3c0: {  	[sflag:s28] =	ssyncset.done $0x0  }
0x3c1: {  	s7 =	simm.s32 $0xB00;
	[sflag:s28] =	ssyncadd.s32 $0xFFFFC800  }
0x3c2: {  	[spmem:s2] =	stream.indirect.scatter.add.f32 [tilespmem:s21], [sflag:$0x4], $0x80, s7, s20, $0xb8;
	[tilespmem:$0x1F400] =	vst v63  }
0x3c3: {  	_ =	swait.ge [sflag:s29], $0x3800  }
0x3c4: {  	[sflag:s29] =	ssyncset.done $0x0  }
0x3c5: {  	s7 =	simm.s32 $0xB80;
	[sflag:s29] =	ssyncadd.s32 $0xFFFFC800  }
0x3c6: {  	[spmem:s2] =	stream.indirect.scatter.add.f32 [tilespmem:s23], [sflag:$0x5], $0x80, s7, s20, $0xb8;
	[tilespmem:$0x1F400] =	vst v63  }
0x3c7: {  	_ =	swait.ge [sflag:s31], $0x3800  }
0x3c8: {  	[sflag:s31] =	ssyncset.done $0x0  }
0x3c9: {  	s7 =	simm.s32 $0xC00;
	[sflag:s31] =	ssyncadd.s32 $0xFFFFC800  }
0x3ca: {  	[spmem:s2] =	stream.indirect.scatter.add.f32 [tilespmem:s26], [sflag:$0x6], $0x80, s7, s20, $0xb8;
	[tilespmem:$0x1F400] =	vst v63  }
0x3cb: {  	_ =	swait.ge [sflag:s3], $0x3800  }
0x3cc: {  	[sflag:s3] =	ssyncset.done $0x0  }
0x3cd: {  	[sflag:s3] =	ssyncadd.s32 $0xFFFFC800  }
.Ltmp7:
0x3ce: {  	_ =	swait.ge [sflag:s11], $0x3800;
	(pc) =	sbr.rel @!p1 .LBB2_5-.Ltmp7, $4  }
0x3cf: {  	[sflag:s11] =	ssyncset.done $0x0  }
0x3d0: {  	[sflag:s11] =	ssyncadd.s32 $0xFFFFC800  }
0x3d1: {  	_ =	swait.ge [sflag:s12], $0x3800  }
0x3d2: {  	s7 =	smov.u32 s13;
	[sflag:s12] =	ssyncset.done $0x0  }
0x3d3: {  	s7 =	sadd.s32 s25, s16;
	[sflag:s12] =	ssyncadd.s32 $0xFFFFC800  }
0x3d4: {  	[tilespmem:s4], [sflag:$0x7] =	stream.linear.gather [hbm4b:s7+s4], $0x480, $0x38;
	[tilespmem:$0x1F400] =	vst v63  }
0x3d5: {  	_ =	swait.ge [sflag:s18], $0x480  }
0x3d6: {  	[sflag:s18] =	ssyncset.done $0x0  }
0x3d7: {  	s25 =	sadd.s32 s25, s15;
	[sflag:s18] =	ssyncadd.s32 $0xFFFFFB80  }
0x3d8: {  	[tilespmem:s19], [sflag:$0x7] =	stream.linear.gather [hbm4b:s25+s4], $0x480, $0x38;
	[tilespmem:$0x1F400] =	vst v63  }
0x3d9: {  	_ =	swait.ge [sflag:s18], $0x480  }
0x3da: {  	[sflag:s18] =	ssyncset.done $0x0  }
0x3db: {  	[sflag:s18] =	ssyncadd.s32 $0xFFFFFB80  }
0x3dc: {  	[tilespmem:s21], [sflag:$0x1] =	stream.indirect.gather [hbm4b:s8+s20], $0x80, s4, s20, $0xb8;
	[tilespmem:$0x1F400] =	vst v63  }
0x3dd: {  	_ = 	snop  }
0x3de: {  	[tilespmem:s23], [sflag:$0x2] =	stream.indirect.gather [hbm4b:s8+s20], $0x80, s9, s20, $0xb8;
	[tilespmem:$0x1F400] =	vst v63  }
0x3df: {  	s9 =	simm.s32 $0x100  }
0x3e0: {  	[tilespmem:s26], [sflag:$0x3] =	stream.indirect.gather [hbm4b:s8+s20], $0x80, s9, s20, $0xb8;
	[tilespmem:$0x1F400] =	vst v63  }
0x3e1: {  	_ =	swait.ge [sflag:s28], $0x3800  }
0x3e2: {  	[sflag:s28] =	ssyncset.done $0x0  }
0x3e3: {  	[sflag:s28] =	ssyncadd.s32 $0xFFFFC800  }
0x3e4: {  	[spmem:s2] =	stream.indirect.scatter.add.f32 [tilespmem:s21], [sflag:$0x4], $0x80, s19, s20, $0xb8;
	[tilespmem:$0x1F400] =	vst v63  }
0x3e5: {  	_ =	swait.ge [sflag:s29], $0x3800  }
0x3e6: {  	[sflag:s29] =	ssyncset.done $0x0  }
0x3e7: {  	[sflag:s29] =	ssyncadd.s32 $0xFFFFC800  }
0x3e8: {  	[spmem:s2] =	stream.indirect.scatter.add.f32 [tilespmem:s23], [sflag:$0x5], $0x80, s14, s20, $0xb8;
	[tilespmem:$0x1F400] =	vst v63  }
0x3e9: {  	_ =	swait.ge [sflag:s31], $0x3800  }
0x3ea: {  	[sflag:s31] =	ssyncset.done $0x0  }
0x3eb: {  	[sflag:s31] =	ssyncadd.s32 $0xFFFFC800  }
0x3ec: {  	[spmem:s2] =	stream.indirect.scatter.add.f32 [tilespmem:s26], [sflag:$0x6], $0x80, s22, s20, $0xb8;
	[tilespmem:$0x1F400] =	vst v63  }
0x3ed: {  	_ =	swait.ge [sflag:s3], $0x3800  }
0x3ee: {  	[sflag:s3] =	ssyncset.done $0x0  }
0x3ef: {  	[sflag:s3] =	ssyncadd.s32 $0xFFFFC800  }
0x3f0: {  	[tilespmem:s21], [sflag:$0x1] =	stream.indirect.gather [hbm4b:s8+s20], $0x80, s24, s20, $0xb8;
	[tilespmem:$0x1F400] =	vst v63  }
0x3f1: {  	_ =	swait.ge [sflag:s11], $0x3800  }
0x3f2: {  	[sflag:s11] =	ssyncset.done $0x0  }
0x3f3: {  	[sflag:s11] =	ssyncadd.s32 $0xFFFFC800  }
0x3f4: {  	[tilespmem:s23], [sflag:$0x2] =	stream.indirect.gather [hbm4b:s8+s20], $0x80, s30, s20, $0xb8;
	[tilespmem:$0x1F400] =	vst v63  }
0x3f5: {  	_ =	swait.ge [sflag:s12], $0x3800  }
0x3f6: {  	[sflag:s12] =	ssyncset.done $0x0  }
0x3f7: {  	[sflag:s12] =	ssyncadd.s32 $0xFFFFC800  }
0x3f8: {  	[tilespmem:s26], [sflag:$0x3] =	stream.indirect.gather [hbm4b:s8+s20], $0x80, s0, s20, $0xb8;
	[tilespmem:$0x1F400] =	vst v63  }
0x3f9: {  	_ =	swait.ge [sflag:s28], $0x3800  }
0x3fa: {  	[sflag:s28] =	ssyncset.done $0x0  }
0x3fb: {  	[sflag:s28] =	ssyncadd.s32 $0xFFFFC800  }
0x3fc: {  	[spmem:s2] =	stream.indirect.scatter.add.f32 [tilespmem:s21], [sflag:$0x4], $0x80, s10, s20, $0xb8;
	[tilespmem:$0x1F400] =	vst v63  }
0x3fd: {  	_ =	swait.ge [sflag:s29], $0x3800  }
0x3fe: {  	[sflag:s29] =	ssyncset.done $0x0  }
0x3ff: {  	[sflag:s29] =	ssyncadd.s32 $0xFFFFC800  }
0x400: {  	[spmem:s2] =	stream.indirect.scatter.add.f32 [tilespmem:s23], [sflag:$0x5], $0x80, s17, s20, $0xb8;
	[tilespmem:$0x1F400] =	vst v63  }
0x401: {  	_ =	swait.ge [sflag:s31], $0x3800  }
0x402: {  	[sflag:s31] =	ssyncset.done $0x0  }
0x403: {  	s13 =	simm.s32 $0xA80;
	[sflag:s31] =	ssyncadd.s32 $0xFFFFC800  }
0x404: {  	[spmem:s2] =	stream.indirect.scatter.add.f32 [tilespmem:s26], [sflag:$0x6], $0x80, s13, s20, $0xb8;
	[tilespmem:$0x1F400] =	vst v63  }
0x405: {  	_ =	swait.ge [sflag:s3], $0x3800  }
0x406: {  	[sflag:s3] =	ssyncset.done $0x0  }
0x407: {  	s17 =	simm.s32 $0x300;
	[sflag:s3] =	ssyncadd.s32 $0xFFFFC800  }
0x408: {  	[tilespmem:s21], [sflag:$0x1] =	stream.indirect.gather [hbm4b:s8+s20], $0x80, s17, s20, $0xb8;
	[tilespmem:$0x1F400] =	vst v63  }
0x409: {  	_ =	swait.ge [sflag:s11], $0x3800  }
0x40a: {  	[sflag:s11] =	ssyncset.done $0x0  }
0x40b: {  	s25 =	simm.s32 $0x380;
	[sflag:s11] =	ssyncadd.s32 $0xFFFFC800  }
0x40c: {  	[tilespmem:s23], [sflag:$0x2] =	stream.indirect.gather [hbm4b:s8+s20], $0x80, s25, s20, $0xb8;
	[tilespmem:$0x1F400] =	vst v63  }
0x40d: {  	_ =	swait.ge [sflag:s12], $0x3800  }
0x40e: {  	[sflag:s12] =	ssyncset.done $0x0  }
0x40f: {  	s9 =	simm.s32 $0x400;
	[sflag:s12] =	ssyncadd.s32 $0xFFFFC800  }
0x410: {  	[tilespmem:s26], [sflag:$0x3] =	stream.indirect.gather [hbm4b:s8+s20], $0x80, s9, s20, $0xb8;
	[tilespmem:$0x1F400] =	vst v63  }
0x411: {  	_ =	swait.ge [sflag:s28], $0x3800  }
0x412: {  	[sflag:s28] =	ssyncset.done $0x0  }
0x413: {  	s13 =	simm.s32 $0xB00;
	[sflag:s28] =	ssyncadd.s32 $0xFFFFC800  }
0x414: {  	[spmem:s2] =	stream.indirect.scatter.add.f32 [tilespmem:s21], [sflag:$0x4], $0x80, s13, s20, $0xb8;
	[tilespmem:$0x1F400] =	vst v63  }
0x415: {  	_ =	swait.ge [sflag:s29], $0x3800  }
0x416: {  	[sflag:s29] =	ssyncset.done $0x0  }
0x417: {  	s17 =	simm.s32 $0xB80;
	[sflag:s29] =	ssyncadd.s32 $0xFFFFC800  }
0x418: {  	[spmem:s2] =	stream.indirect.scatter.add.f32 [tilespmem:s23], [sflag:$0x5], $0x80, s17, s20, $0xb8;
	[tilespmem:$0x1F400] =	vst v63  }
0x419: {  	_ =	swait.ge [sflag:s31], $0x3800  }
0x41a: {  	[sflag:s31] =	ssyncset.done $0x0  }
0x41b: {  	s25 =	simm.s32 $0xC00;
	[sflag:s31] =	ssyncadd.s32 $0xFFFFC800  }
0x41c: {  	[spmem:s2] =	stream.indirect.scatter.add.f32 [tilespmem:s26], [sflag:$0x6], $0x80, s25, s20, $0xb8;
	[tilespmem:$0x1F400] =	vst v63  }
0x41d: {  	_ =	swait.ge [sflag:s3], $0x3800  }
0x41e: {  	[sflag:s3] =	ssyncset.done $0x0  }
0x41f: {  	[sflag:s3] =	ssyncadd.s32 $0xFFFFC800  }
0x420: {  	_ =	swait.ge [sflag:s11], $0x3800  }
.Ltmp8:
0x421: {  	[sflag:s11] =	ssyncset.done $0x0;
	(pc) =	sbr.rel .LBB2_12-.Ltmp8, $4  }
0x422: {  	[sflag:s11] =	ssyncadd.s32 $0xFFFFC800  }
0x423: {  	_ =	swait.ge [sflag:s12], $0x3800  }
0x424: {  	[sflag:s12] =	ssyncset.done $0x0;
	s7 =	rddreg [dreg:$0x7]  }
0x425: {  	s17 =	simm.s32 $0x100;
	s25 =	rddreg [dreg:$0xd];
	[sflag:s12] =	ssyncadd.s32 $0xFFFFC800  }
.LBB2_13:
0x426: {  	_ =	sfence.sel $0x180000  }
0x427: {  	[bflag:$0x0] =	sbarrier.arrive $0xFFFF  }
0x428: {  	_ =	strace $0x90000047  }
0x429: {  	s0 =	stileid.u32;
	[bflag:$0x2] =	sbarrier.arrive $0xFFFF  }
0x42a: {  	p0 =	sne.s32 s0, $0x0;
	s0 =	rddreg [dreg:$0x3]  }
0x42b: {  	s0 =	sadd.s32 @!p0 $0x100000, s0  }
0x42c: {  	[sflag:s0] =	ssyncadd.tile.s32 @!p0 $0x1;
	_ =	shalt  }
.Lfunc_end2:
_tile_overlayer_lowered:
.L_overlay_start_2:
0x42d: {  	(tag) =	ssettag $0x2  }
0x42e: {  	s0 =	rddreg [dreg:$0x0];
	s2 =	stileid.u32  }
0x42f: {  	s1 =	rddreg [dreg:$0x1];
	p0 =	sne.s32 s2, $0x0  }
0x430: {  	s3 =	rddreg [dreg:$0x2];
	[bflag:$0x3] =	sbarrier.arrive $0xFFFF;
	s2 =	simm.s32 @!p0 $0x1C07  }
0x431: {  	[timem:s3], [sflag:s2] =	dma.local @!p0 [hbm:s0], s1  }
0x432: {  	s0 =	simm.s32 @!p0 $0x7  }
0x433: {  	_ =	swait.ge @!p0 [sflag:s0], s1  }
0x434: {  	s1 =	ssub.s32 @!p0 $0x0, s1;
	[sflag:s0] =	ssyncset.done @!p0 $0x0  }
0x435: {  	[sflag:s0] =	ssyncadd.s32 @!p0 s1  }
0x436: {  	[bflag:$0x3] =	sbarrier.arrive $0xFFFF  }
0x437: {  	_ =	shalt  }

</sc_bundles>
